<compile_context>
chip_gen: v7x
topology: tpu7x:2x2x1
jax: 0.10.2.dev20260603
libtpu: 0.0.44.dev20260713+nightly
codegen_flags: <defaults>
</compile_context>

<pallas_src>
import functools

import numpy as np
import jax
import jax.numpy as jnp
from jax import lax
from jax.experimental import pallas as pl
from jax.experimental.pallas import tpu as pltpu
from jax.experimental.pallas import tpu_sc as plsc

B = 4096
F = 26
V = 100000
D = 32
NP1 = F + 1
DENSE_IN = 13

_NC = 2
_NS = 16
_NW = _NC * _NS
_IDX_MINOR = 128

_VFOLD = 8
_CW = 51200
_CROWS = _CW // _VFOLD
_NCH = 2
_VQ = _NCH * _CROWS
_NHALF = 2
_HB = F * _NHALF
_GROWS = B * F * _NHALF
_ROWS_PER_W = _GROWS // (_NW * _IDX_MINOR)


def _tc_repack(emb_tables):
    tt = jnp.transpose(emb_tables, (0, 2, 1)).reshape(_HB, D // 2, V)

    def body(in_ref, out_ref):
        a = in_ref[0]
        b = jnp.concatenate(
            [a[:, q * _CROWS : (q + 1) * _CROWS] for q in range(_VFOLD)], axis=0
        )
        out_ref[0] = jnp.transpose(b)

    return pl.pallas_call(
        body,
        grid=(_HB, _NCH),
        in_specs=[pl.BlockSpec((1, D // 2, _CW), lambda g, c: (g, 0, c))],
        out_specs=pl.BlockSpec((1, _CROWS, _VFOLD * 16), lambda g, c: (g, c, 0)),
        out_shape=jax.ShapeDtypeStruct((_HB, _VQ, _VFOLD * 16), jnp.float32),
    )(tt)


def _sc_gather(idx3, table16):
    mesh = plsc.VectorSubcoreMesh(core_axis_name="c", subcore_axis_name="s")

    @functools.partial(
        pl.kernel,
        out_type=jax.ShapeDtypeStruct((_NW, _ROWS_PER_W, _IDX_MINOR, 16), jnp.float32),
        mesh=mesh,
        compiler_params=pltpu.CompilerParams(use_tc_tiling_on_sc=False),
        scratch_types=[
            pltpu.VMEM((_ROWS_PER_W, _IDX_MINOR), jnp.int32),
            pltpu.VMEM((_ROWS_PER_W, _IDX_MINOR, 16), jnp.float32),
            pltpu.SemaphoreType.DMA,
        ],
    )
    def gather_kernel(idx_hbm, table_hbm, out_hbm, idx_v, rows_v, sem):
        wid = lax.axis_index("s") * _NC + lax.axis_index("c")
        pltpu.sync_copy(idx_hbm.at[wid], idx_v)
        copies = []
        for j in range(_ROWS_PER_W):
            copies.append(
                pltpu.async_copy(table_hbm.at[idx_v.at[j]], rows_v.at[j], sem)
            )
        for c in copies:
            c.wait()
        pltpu.sync_copy(rows_v, out_hbm.at[wid])

    return gather_kernel(idx3, table16)


_BLK = 512
_NSH = NP1 // 2


def _tc_body(dT_ref, eT_ref, w1T, b1, w2T, b2, w3T, b3,
             oxT, wselT, bo1, o2T, bo2, o3T, bo3, o4T, bo4, outT_ref):
    x = jnp.maximum(jnp.dot(w1T[...], dT_ref[...]) + b1[...], 0.0)
    x = jnp.maximum(jnp.dot(w2T[...], x) + b2[...], 0.0)
    x = jnp.maximum(jnp.dot(w3T[...], x) + b3[...], 0.0)

    comb = jnp.concatenate([x, eT_ref[...]], axis=0)
    pieces = []
    for n in range(1, _NSH + 1):
        rolled = jnp.concatenate([comb[n * D :], comb[: n * D]], axis=0)
        p3 = (comb * rolled).reshape(NP1, D, _BLK)
        s = p3[:, :16] + p3[:, 16:]
        s = s[:, :8] + s[:, 8:]
        s = s[:, :4] + s[:, 4:]
        s = s[:, :2] + s[:, 2:]
        pieces.append(s[:, 0] + s[:, 1])
    inter = jnp.concatenate(pieces, axis=0)

    z = jnp.dot(oxT[...], x) + jnp.dot(wselT[...], inter) + bo1[...]
    z = jnp.maximum(z, 0.0)
    z = jnp.maximum(jnp.dot(o2T[...], z) + bo2[...], 0.0)
    z = jnp.maximum(jnp.dot(o3T[...], z) + bo3[...], 0.0)
    outT_ref[...] = jnp.dot(o4T[...], z) + bo4[...]


def _pair_perm():
    perm = np.empty(13 * NP1, np.int64)
    for n in range(1, _NSH + 1):
        for m in range(NP1):
            a, bb = m, (m + n) % NP1
            i, j = max(a, bb), min(a, bb)
            perm[(n - 1) * NP1 + m] = i * (i - 1) // 2 + j
    return perm


_PERM = _pair_perm()


def kernel(dense_features, sparse_features, emb_tables, dense_params, over_params):
    v = sparse_features.astype(jnp.int32)
    c = v // _CW
    u = v - c * _CW
    q = u // _CROWS
    s = c * _CROWS + (u - q * _CROWS)
    f_off = jnp.arange(F, dtype=jnp.int32)[None, :] * (_NHALF * _VQ * _VFOLD)
    r0 = f_off + s * _VFOLD + q
    ridx = jnp.stack([r0, r0 + _VQ * _VFOLD], axis=2)
    idx3 = ridx.reshape(_NW, _ROWS_PER_W * _IDX_MINOR).reshape(
        _NW, _ROWS_PER_W, _IDX_MINOR
    )

    (w1, b1), (w2, b2), (w3, b3) = dense_params
    (wo1, bo1), (o2, bo2), (o3, bo3), (o4, bo4) = over_params
    oxT = wo1[:D].T
    wselT = wo1[D:][_PERM].T
    col = lambda r: r.reshape(-1, 1)

    table16 = _tc_repack(emb_tables).reshape(_HB * _VQ * _VFOLD, 16)
    gathered = _sc_gather(idx3, table16)
    embT = gathered.reshape(B, F * D).T

    full = lambda shape: pl.BlockSpec(shape, lambda i: (0,) * len(shape))
    outT = pl.pallas_call(
        _tc_body,
        grid=(B // _BLK,),
        in_specs=[
            pl.BlockSpec((DENSE_IN, _BLK), lambda i: (0, i)),
            pl.BlockSpec((F * D, _BLK), lambda i: (0, i)),
            full((512, DENSE_IN)), full((512, 1)),
            full((256, 512)), full((256, 1)),
            full((D, 256)), full((D, 1)),
            full((512, D)), full((512, 13 * NP1)), full((512, 1)),
            full((512, 512)), full((512, 1)),
            full((256, 512)), full((256, 1)),
            full((1, 256)), full((1, 1)),
        ],
        out_specs=pl.BlockSpec((1, _BLK), lambda i: (0, i)),
        out_shape=jax.ShapeDtypeStruct((1, B), jnp.float32),
    )(
        dense_features.T, embT,
        w1.T, col(b1), w2.T, col(b2), w3.T, col(b3),
        oxT, wselT, col(bo1), o2.T, col(bo2), o3.T, col(bo3), o4.T, col(bo4),
    )
    return outT.reshape(B, 1)

# --- scband reference (transcript-rebuilt; emitter-appended) ---
"""Pipeline reference for scband-dlrm-16707422781537 (READ-ONLY COPY).

The authoritative reference and input builder live on the scoring server;
editing this copy changes nothing except your own understanding.
"""

import jax, jax.numpy as jnp
import numpy as np

B = 4096
F = 26
V = 100000
D = 32
DENSE_IN = 13
DENSE_LAYERS = [512, 256, 32]
OVER_LAYERS = [512, 512, 256, 1]
OVER_IN = D + (F * (F - 1)) // 2 + F  # embedding_dim + choose(F,2) + F = 383


def _mlp_params(key, in_f, sizes):
    params = []
    for s in sizes:
        key, k1 = jax.random.split(key)
        w = jax.random.normal(k1, (in_f, s), dtype=jnp.float32) * (1.0 / np.sqrt(in_f))
        b = jnp.zeros((s,), dtype=jnp.float32)
        params.append((w, b))
        in_f = s
    return params, key


def setup_inputs(seed: int = 0) -> dict:
    key = jax.random.key(seed)
    key, k1, k2, k3 = jax.random.split(key, 4)
    dense_features = jax.random.normal(k1, (B, DENSE_IN), dtype=jnp.float32)
    sparse_features = jax.random.randint(k2, (B, F), 0, V)
    emb_tables = jax.random.normal(k3, (F, V, D), dtype=jnp.float32) * 0.01
    dense_params, key = _mlp_params(key, DENSE_IN, DENSE_LAYERS)
    over_params, key = _mlp_params(key, OVER_IN, OVER_LAYERS)
    return {
        "dense_features": dense_features,
        "sparse_features": sparse_features,
        "emb_tables": emb_tables,
        "dense_params": dense_params,
        "over_params": over_params,
    }


def reference(dense_features, sparse_features, emb_tables, dense_params, over_params):
    # SparseArch: per-feature embedding lookup -> [B, F, D]
    feat_idx = jnp.arange(F)[None, :]
    embedded_sparse = emb_tables[feat_idx, sparse_features]  # gather [B, F, D]
    # DenseArch: MLP with ReLU on every layer -> [B, D]
    x = dense_features
    for (w, b) in dense_params:
        x = jax.nn.relu(x @ w + b)
    # InteractionArch: dot-product feature interactions (torchrec-style)
    combined = jnp.concatenate([x[:, None, :], embedded_sparse], axis=1)  # [B, F+1, D]
    inter = jnp.einsum('bnd,bmd->bnm', combined, combined)  # [B, F+1, F+1]
    rows, cols = np.tril_indices(F + 1, -1)
    flat = inter[:, rows, cols]  # [B, choose(F+1,2)] = [B, 351]
    z = jnp.concatenate([x, flat], axis=1)  # [B, 383]
    # OverArch: ReLU MLP, final layer linear -> logits [B, 1]
    n = len(over_params)
    for i, (w, b) in enumerate(over_params):
        z = z @ w + b
        if i < n - 1:
            z = jax.nn.relu(z)
    return z

if __name__ == "__main__":
    import jax
    _d = setup_inputs()
    print(jax.jit(kernel)(*tuple(_d.values())))

</pallas_src>

<mosaic_0001>
#map = affine_map<(d0, d1) -> (0, 0, 0)>
#map1 = affine_map<(d0, d1) -> (0, 0)>
#map2 = affine_map<(d0, d1) -> (0, 0, 0, 0)>
module attributes {stable_mosaic.version = 14 : i64} {
  func.func @gather_kernel(%arg0: i32, %arg1: i32, %arg2: memref<32x52x128xi32, #tpu.memory_space<hbm>>, %arg3: memref<5324800x16xf32, #tpu.memory_space<hbm>>, %arg4: memref<32x52x128x16xf32, #tpu.memory_space<hbm>>, %arg5: memref<52x128xi32, #tpu.memory_space<vmem>>, %arg6: memref<52x128x16xf32, #tpu.memory_space<vmem>>, %arg7: memref<!tpu.dma_semaphore, #tpu.memory_space<semaphore_mem>>) attributes {dimension_semantics = [#tpu.dimension_semantics<core_parallel>, #tpu.dimension_semantics<subcore_parallel>], iteration_bounds = array<i64: 2, 16>, scalar_prefetch = 0 : i64, scratch_operands = 3 : i64, tpu.core_type = #tpu.core_type<sc_vector_subcore>, window_params = [{transform_indices = #map}, {transform_indices = #map1}, {transform_indices = #map2}]} {
    %mul3A = arith.constant 2 : i32
    %mul3A_0 = arith.muli %arg1, %mul3A : i32
    %add3A = arith.addi %mul3A_0, %arg0 : i32
    "tpu.region"() ({
      %run_scoped3A = tpu.sem_alloc : memref<!tpu.dma_semaphore, #tpu.memory_space<semaphore_mem>>
      %dma_start3A_1247 = arith.constant 0 : i32
      %dma_start3A_1248 = arith.constant 0 : i32
      %dma_start3A_1249 = tpu.memref_slice %arg2[%add3A, %dma_start3A_1247, %dma_start3A_1248] : memref<32x52x128xi32, #tpu.memory_space<hbm>> -> memref<1x52x128xi32, #tpu.memory_space<hbm>>
      %dma_start3A_1250 = tpu.memref_squeeze %dma_start3A_1249 : memref<1x52x128xi32, #tpu.memory_space<hbm>> -> memref<52x128xi32, #tpu.memory_space<hbm>>
      %dma_start3A_1251 = arith.constant 0 : i32
      %dma_start3A_1252 = arith.constant 0 : i32
      %dma_start3A_1253 = tpu.memref_slice %arg2[%add3A, %dma_start3A_1251, %dma_start3A_1252] : memref<32x52x128xi32, #tpu.memory_space<hbm>> -> memref<1x52x128xi32, #tpu.memory_space<hbm>>
      %dma_start3A_1254 = tpu.memref_squeeze %dma_start3A_1253 : memref<1x52x128xi32, #tpu.memory_space<hbm>> -> memref<52x128xi32, #tpu.memory_space<hbm>>
      tpu.enqueue_dma source(%dma_start3A_1254 : memref<52x128xi32, #tpu.memory_space<hbm>>) target(%arg5 : memref<52x128xi32, #tpu.memory_space<vmem>>) target_semaphore(%run_scoped3A : memref<!tpu.dma_semaphore, #tpu.memory_space<semaphore_mem>>)
      %dma_wait3A_1255 = arith.constant 0 : i32
      %dma_wait3A_1256 = arith.constant 0 : i32
      %dma_wait3A_1257 = tpu.memref_slice %arg2[%add3A, %dma_wait3A_1255, %dma_wait3A_1256] : memref<32x52x128xi32, #tpu.memory_space<hbm>> -> memref<1x52x128xi32, #tpu.memory_space<hbm>>
      %dma_wait3A_1258 = tpu.memref_squeeze %dma_wait3A_1257 : memref<1x52x128xi32, #tpu.memory_space<hbm>> -> memref<52x128xi32, #tpu.memory_space<hbm>>
      %dma_wait3A_1259 = arith.constant 0 : i32
      %dma_wait3A_1260 = arith.constant 0 : i32
      %dma_wait3A_1261 = tpu.memref_slice %arg2[%add3A, %dma_wait3A_1259, %dma_wait3A_1260] : memref<32x52x128xi32, #tpu.memory_space<hbm>> -> memref<1x52x128xi32, #tpu.memory_space<hbm>>
      %dma_wait3A_1262 = tpu.memref_squeeze %dma_wait3A_1261 : memref<1x52x128xi32, #tpu.memory_space<hbm>> -> memref<52x128xi32, #tpu.memory_space<hbm>>
      tpu.wait_dma2 semaphore(%run_scoped3A : memref<!tpu.dma_semaphore, #tpu.memory_space<semaphore_mem>>) src(%dma_wait3A_1262 : memref<52x128xi32, #tpu.memory_space<hbm>>) dst(%arg5 : memref<52x128xi32, #tpu.memory_space<vmem>>)
      tpu.yield
    }) : () -> ()
    %dma_start3A = arith.constant 0 : i32
    %dma_start3A_1 = arith.constant 0 : i32
    %dma_start3A_2 = arith.constant 0 : i32
    %dma_start3A_3 = arith.constant 0 : i32
    %dma_start3A_4 = tpu.memref_slice %arg6[%dma_start3A_1, %dma_start3A_2, %dma_start3A_3] : memref<52x128x16xf32, #tpu.memory_space<vmem>> -> memref<1x128x16xf32, #tpu.memory_space<vmem>>
    %dma_start3A_5 = tpu.memref_squeeze %dma_start3A_4 : memref<1x128x16xf32, #tpu.memory_space<vmem>> -> memref<128x16xf32, #tpu.memory_space<vmem>>
    %dma_start3A_6 = arith.constant 0 : i32
    %dma_start3A_7 = tpu.memref_slice %arg5[%dma_start3A, %dma_start3A_6] : memref<52x128xi32, #tpu.memory_space<vmem>> -> memref<1x128xi32, #tpu.memory_space<vmem>>
    %dma_start3A_8 = tpu.memref_squeeze %dma_start3A_7 : memref<1x128xi32, #tpu.memory_space<vmem>> -> memref<128xi32, #tpu.memory_space<vmem>>
    %dma_start3A_9 = arith.constant 0 : i32
    %dma_start3A_10 = arith.constant 0 : i32
    %dma_start3A_11 = tpu.memref_slice %arg3[%dma_start3A_9, %dma_start3A_10] : memref<5324800x16xf32, #tpu.memory_space<hbm>> -> memref<5324800x16xf32, #tpu.memory_space<hbm>>
    tpu.enqueue_indirect_dma source(%dma_start3A_11 : memref<5324800x16xf32, #tpu.memory_space<hbm>>) target(%dma_start3A_5 : memref<128x16xf32, #tpu.memory_space<vmem>>) offsets(%dma_start3A_8 : memref<128xi32, #tpu.memory_space<vmem>>) semaphore(%arg7 : memref<!tpu.dma_semaphore, #tpu.memory_space<semaphore_mem>>)
    %dma_start3A_12 = arith.constant 1 : i32
    %dma_start3A_13 = arith.constant 1 : i32
    %dma_start3A_14 = arith.constant 0 : i32
    %dma_start3A_15 = arith.constant 0 : i32
    %dma_start3A_16 = tpu.memref_slice %arg6[%dma_start3A_13, %dma_start3A_14, %dma_start3A_15] : memref<52x128x16xf32, #tpu.memory_space<vmem>> -> memref<1x128x16xf32, #tpu.memory_space<vmem>>
    %dma_start3A_17 = tpu.memref_squeeze %dma_start3A_16 : memref<1x128x16xf32, #tpu.memory_space<vmem>> -> memref<128x16xf32, #tpu.memory_space<vmem>>
    %dma_start3A_18 = arith.constant 0 : i32
    %dma_start3A_19 = tpu.memref_slice %arg5[%dma_start3A_12, %dma_start3A_18] : memref<52x128xi32, #tpu.memory_space<vmem>> -> memref<1x128xi32, #tpu.memory_space<vmem>>
    %dma_start3A_20 = tpu.memref_squeeze %dma_start3A_19 : memref<1x128xi32, #tpu.memory_space<vmem>> -> memref<128xi32, #tpu.memory_space<vmem>>
    %dma_start3A_21 = arith.constant 0 : i32
    %dma_start3A_22 = arith.constant 0 : i32
    %dma_start3A_23 = tpu.memref_slice %arg3[%dma_start3A_21, %dma_start3A_22] : memref<5324800x16xf32, #tpu.memory_space<hbm>> -> memref<5324800x16xf32, #tpu.memory_space<hbm>>
    tpu.enqueue_indirect_dma source(%dma_start3A_23 : memref<5324800x16xf32, #tpu.memory_space<hbm>>) target(%dma_start3A_17 : memref<128x16xf32, #tpu.memory_space<vmem>>) offsets(%dma_start3A_20 : memref<128xi32, #tpu.memory_space<vmem>>) semaphore(%arg7 : memref<!tpu.dma_semaphore, #tpu.memory_space<semaphore_mem>>)
    %dma_start3A_24 = arith.constant 2 : i32
    %dma_start3A_25 = arith.constant 2 : i32
    %dma_start3A_26 = arith.constant 0 : i32
    %dma_start3A_27 = arith.constant 0 : i32
    %dma_start3A_28 = tpu.memref_slice %arg6[%dma_start3A_25, %dma_start3A_26, %dma_start3A_27] : memref<52x128x16xf32, #tpu.memory_space<vmem>> -> memref<1x128x16xf32, #tpu.memory_space<vmem>>
    %dma_start3A_29 = tpu.memref_squeeze %dma_start3A_28 : memref<1x128x16xf32, #tpu.memory_space<vmem>> -> memref<128x16xf32, #tpu.memory_space<vmem>>
    %dma_start3A_30 = arith.constant 0 : i32
    %dma_start3A_31 = tpu.memref_slice %arg5[%dma_start3A_24, %dma_start3A_30] : memref<52x128xi32, #tpu.memory_space<vmem>> -> memref<1x128xi32, #tpu.memory_space<vmem>>
    %dma_start3A_32 = tpu.memref_squeeze %dma_start3A_31 : memref<1x128xi32, #tpu.memory_space<vmem>> -> memref<128xi32, #tpu.memory_space<vmem>>
    %dma_start3A_33 = arith.constant 0 : i32
    %dma_start3A_34 = arith.constant 0 : i32
    %dma_start3A_35 = tpu.memref_slice %arg3[%dma_start3A_33, %dma_start3A_34] : memref<5324800x16xf32, #tpu.memory_space<hbm>> -> memref<5324800x16xf32, #tpu.memory_space<hbm>>
    tpu.enqueue_indirect_dma source(%dma_start3A_35 : memref<5324800x16xf32, #tpu.memory_space<hbm>>) target(%dma_start3A_29 : memref<128x16xf32, #tpu.memory_space<vmem>>) offsets(%dma_start3A_32 : memref<128xi32, #tpu.memory_space<vmem>>) semaphore(%arg7 : memref<!tpu.dma_semaphore, #tpu.memory_space<semaphore_mem>>)
    %dma_start3A_36 = arith.constant 3 : i32
    %dma_start3A_37 = arith.constant 3 : i32
    %dma_start3A_38 = arith.constant 0 : i32
    %dma_start3A_39 = arith.constant 0 : i32
    %dma_start3A_40 = tpu.memref_slice %arg6[%dma_start3A_37, %dma_start3A_38, %dma_start3A_39] : memref<52x128x16xf32, #tpu.memory_space<vmem>> -> memref<1x128x16xf32, #tpu.memory_space<vmem>>
    %dma_start3A_41 = tpu.memref_squeeze %dma_start3A_40 : memref<1x128x16xf32, #tpu.memory_space<vmem>> -> memref<128x16xf32, #tpu.memory_space<vmem>>
    %dma_start3A_42 = arith.constant 0 : i32
    %dma_start3A_43 = tpu.memref_slice %arg5[%dma_start3A_36, %dma_start3A_42] : memref<52x128xi32, #tpu.memory_space<vmem>> -> memref<1x128xi32, #tpu.memory_space<vmem>>
    %dma_start3A_44 = tpu.memref_squeeze %dma_start3A_43 : memref<1x128xi32, #tpu.memory_space<vmem>> -> memref<128xi32, #tpu.memory_space<vmem>>
    %dma_start3A_45 = arith.constant 0 : i32
    %dma_start3A_46 = arith.constant 0 : i32
    %dma_start3A_47 = tpu.memref_slice %arg3[%dma_start3A_45, %dma_start3A_46] : memref<5324800x16xf32, #tpu.memory_space<hbm>> -> memref<5324800x16xf32, #tpu.memory_space<hbm>>
    tpu.enqueue_indirect_dma source(%dma_start3A_47 : memref<5324800x16xf32, #tpu.memory_space<hbm>>) target(%dma_start3A_41 : memref<128x16xf32, #tpu.memory_space<vmem>>) offsets(%dma_start3A_44 : memref<128xi32, #tpu.memory_space<vmem>>) semaphore(%arg7 : memref<!tpu.dma_semaphore, #tpu.memory_space<semaphore_mem>>)
    %dma_start3A_48 = arith.constant 4 : i32
    %dma_start3A_49 = arith.constant 4 : i32
    %dma_start3A_50 = arith.constant 0 : i32
    %dma_start3A_51 = arith.constant 0 : i32
    %dma_start3A_52 = tpu.memref_slice %arg6[%dma_start3A_49, %dma_start3A_50, %dma_start3A_51] : memref<52x128x16xf32, #tpu.memory_space<vmem>> -> memref<1x128x16xf32, #tpu.memory_space<vmem>>
    %dma_start3A_53 = tpu.memref_squeeze %dma_start3A_52 : memref<1x128x16xf32, #tpu.memory_space<vmem>> -> memref<128x16xf32, #tpu.memory_space<vmem>>
    %dma_start3A_54 = arith.constant 0 : i32
    %dma_start3A_55 = tpu.memref_slice %arg5[%dma_start3A_48, %dma_start3A_54] : memref<52x128xi32, #tpu.memory_space<vmem>> -> memref<1x128xi32, #tpu.memory_space<vmem>>
    %dma_start3A_56 = tpu.memref_squeeze %dma_start3A_55 : memref<1x128xi32, #tpu.memory_space<vmem>> -> memref<128xi32, #tpu.memory_space<vmem>>
    %dma_start3A_57 = arith.constant 0 : i32
    %dma_start3A_58 = arith.constant 0 : i32
    %dma_start3A_59 = tpu.memref_slice %arg3[%dma_start3A_57, %dma_start3A_58] : memref<5324800x16xf32, #tpu.memory_space<hbm>> -> memref<5324800x16xf32, #tpu.memory_space<hbm>>
    tpu.enqueue_indirect_dma source(%dma_start3A_59 : memref<5324800x16xf32, #tpu.memory_space<hbm>>) target(%dma_start3A_53 : memref<128x16xf32, #tpu.memory_space<vmem>>) offsets(%dma_start3A_56 : memref<128xi32, #tpu.memory_space<vmem>>) semaphore(%arg7 : memref<!tpu.dma_semaphore, #tpu.memory_space<semaphore_mem>>)
    %dma_start3A_60 = arith.constant 5 : i32
    %dma_start3A_61 = arith.constant 5 : i32
    %dma_start3A_62 = arith.constant 0 : i32
    %dma_start3A_63 = arith.constant 0 : i32
    %dma_start3A_64 = tpu.memref_slice %arg6[%dma_start3A_61, %dma_start3A_62, %dma_start3A_63] : memref<52x128x16xf32, #tpu.memory_space<vmem>> -> memref<1x128x16xf32, #tpu.memory_space<vmem>>
    %dma_start3A_65 = tpu.memref_squeeze %dma_start3A_64 : memref<1x128x16xf32, #tpu.memory_space<vmem>> -> memref<128x16xf32, #tpu.memory_space<vmem>>
    %dma_start3A_66 = arith.constant 0 : i32
    %dma_start3A_67 = tpu.memref_slice %arg5[%dma_start3A_60, %dma_start3A_66] : memref<52x128xi32, #tpu.memory_space<vmem>> -> memref<1x128xi32, #tpu.memory_space<vmem>>
    %dma_start3A_68 = tpu.memref_squeeze %dma_start3A_67 : memref<1x128xi32, #tpu.memory_space<vmem>> -> memref<128xi32, #tpu.memory_space<vmem>>
    %dma_start3A_69 = arith.constant 0 : i32
    %dma_start3A_70 = arith.constant 0 : i32
    %dma_start3A_71 = tpu.memref_slice %arg3[%dma_start3A_69, %dma_start3A_70] : memref<5324800x16xf32, #tpu.memory_space<hbm>> -> memref<5324800x16xf32, #tpu.memory_space<hbm>>
    tpu.enqueue_indirect_dma source(%dma_start3A_71 : memref<5324800x16xf32, #tpu.memory_space<hbm>>) target(%dma_start3A_65 : memref<128x16xf32, #tpu.memory_space<vmem>>) offsets(%dma_start3A_68 : memref<128xi32, #tpu.memory_space<vmem>>) semaphore(%arg7 : memref<!tpu.dma_semaphore, #tpu.memory_space<semaphore_mem>>)
    %dma_start3A_72 = arith.constant 6 : i32
    %dma_start3A_73 = arith.constant 6 : i32
    %dma_start3A_74 = arith.constant 0 : i32
    %dma_start3A_75 = arith.constant 0 : i32
    %dma_start3A_76 = tpu.memref_slice %arg6[%dma_start3A_73, %dma_start3A_74, %dma_start3A_75] : memref<52x128x16xf32, #tpu.memory_space<vmem>> -> memref<1x128x16xf32, #tpu.memory_space<vmem>>
    %dma_start3A_77 = tpu.memref_squeeze %dma_start3A_76 : memref<1x128x16xf32, #tpu.memory_space<vmem>> -> memref<128x16xf32, #tpu.memory_space<vmem>>
    %dma_start3A_78 = arith.constant 0 : i32
    %dma_start3A_79 = tpu.memref_slice %arg5[%dma_start3A_72, %dma_start3A_78] : memref<52x128xi32, #tpu.memory_space<vmem>> -> memref<1x128xi32, #tpu.memory_space<vmem>>
    %dma_start3A_80 = tpu.memref_squeeze %dma_start3A_79 : memref<1x128xi32, #tpu.memory_space<vmem>> -> memref<128xi32, #tpu.memory_space<vmem>>
    %dma_start3A_81 = arith.constant 0 : i32
    %dma_start3A_82 = arith.constant 0 : i32
    %dma_start3A_83 = tpu.memref_slice %arg3[%dma_start3A_81, %dma_start3A_82] : memref<5324800x16xf32, #tpu.memory_space<hbm>> -> memref<5324800x16xf32, #tpu.memory_space<hbm>>
    tpu.enqueue_indirect_dma source(%dma_start3A_83 : memref<5324800x16xf32, #tpu.memory_space<hbm>>) target(%dma_start3A_77 : memref<128x16xf32, #tpu.memory_space<vmem>>) offsets(%dma_start3A_80 : memref<128xi32, #tpu.memory_space<vmem>>) semaphore(%arg7 : memref<!tpu.dma_semaphore, #tpu.memory_space<semaphore_mem>>)
    %dma_start3A_84 = arith.constant 7 : i32
    %dma_start3A_85 = arith.constant 7 : i32
    %dma_start3A_86 = arith.constant 0 : i32
    %dma_start3A_87 = arith.constant 0 : i32
    %dma_start3A_88 = tpu.memref_slice %arg6[%dma_start3A_85, %dma_start3A_86, %dma_start3A_87] : memref<52x128x16xf32, #tpu.memory_space<vmem>> -> memref<1x128x16xf32, #tpu.memory_space<vmem>>
    %dma_start3A_89 = tpu.memref_squeeze %dma_start3A_88 : memref<1x128x16xf32, #tpu.memory_space<vmem>> -> memref<128x16xf32, #tpu.memory_space<vmem>>
    %dma_start3A_90 = arith.constant 0 : i32
    %dma_start3A_91 = tpu.memref_slice %arg5[%dma_start3A_84, %dma_start3A_90] : memref<52x128xi32, #tpu.memory_space<vmem>> -> memref<1x128xi32, #tpu.memory_space<vmem>>
    %dma_start3A_92 = tpu.memref_squeeze %dma_start3A_91 : memref<1x128xi32, #tpu.memory_space<vmem>> -> memref<128xi32, #tpu.memory_space<vmem>>
    %dma_start3A_93 = arith.constant 0 : i32
    %dma_start3A_94 = arith.constant 0 : i32
    %dma_start3A_95 = tpu.memref_slice %arg3[%dma_start3A_93, %dma_start3A_94] : memref<5324800x16xf32, #tpu.memory_space<hbm>> -> memref<5324800x16xf32, #tpu.memory_space<hbm>>
    tpu.enqueue_indirect_dma source(%dma_start3A_95 : memref<5324800x16xf32, #tpu.memory_space<hbm>>) target(%dma_start3A_89 : memref<128x16xf32, #tpu.memory_space<vmem>>) offsets(%dma_start3A_92 : memref<128xi32, #tpu.memory_space<vmem>>) semaphore(%arg7 : memref<!tpu.dma_semaphore, #tpu.memory_space<semaphore_mem>>)
    %dma_start3A_96 = arith.constant 8 : i32
    %dma_start3A_97 = arith.constant 8 : i32
    %dma_start3A_98 = arith.constant 0 : i32
    %dma_start3A_99 = arith.constant 0 : i32
    %dma_start3A_100 = tpu.memref_slice %arg6[%dma_start3A_97, %dma_start3A_98, %dma_start3A_99] : memref<52x128x16xf32, #tpu.memory_space<vmem>> -> memref<1x128x16xf32, #tpu.memory_space<vmem>>
    %dma_start3A_101 = tpu.memref_squeeze %dma_start3A_100 : memref<1x128x16xf32, #tpu.memory_space<vmem>> -> memref<128x16xf32, #tpu.memory_space<vmem>>
    %dma_start3A_102 = arith.constant 0 : i32
    %dma_start3A_103 = tpu.memref_slice %arg5[%dma_start3A_96, %dma_start3A_102] : memref<52x128xi32, #tpu.memory_space<vmem>> -> memref<1x128xi32, #tpu.memory_space<vmem>>
    %dma_start3A_104 = tpu.memref_squeeze %dma_start3A_103 : memref<1x128xi32, #tpu.memory_space<vmem>> -> memref<128xi32, #tpu.memory_space<vmem>>
    %dma_start3A_105 = arith.constant 0 : i32
    %dma_start3A_106 = arith.constant 0 : i32
    %dma_start3A_107 = tpu.memref_slice %arg3[%dma_start3A_105, %dma_start3A_106] : memref<5324800x16xf32, #tpu.memory_space<hbm>> -> memref<5324800x16xf32, #tpu.memory_space<hbm>>
    tpu.enqueue_indirect_dma source(%dma_start3A_107 : memref<5324800x16xf32, #tpu.memory_space<hbm>>) target(%dma_start3A_101 : memref<128x16xf32, #tpu.memory_space<vmem>>) offsets(%dma_start3A_104 : memref<128xi32, #tpu.memory_space<vmem>>) semaphore(%arg7 : memref<!tpu.dma_semaphore, #tpu.memory_space<semaphore_mem>>)
    %dma_start3A_108 = arith.constant 9 : i32
    %dma_start3A_109 = arith.constant 9 : i32
    %dma_start3A_110 = arith.constant 0 : i32
    %dma_start3A_111 = arith.constant 0 : i32
    %dma_start3A_112 = tpu.memref_slice %arg6[%dma_start3A_109, %dma_start3A_110, %dma_start3A_111] : memref<52x128x16xf32, #tpu.memory_space<vmem>> -> memref<1x128x16xf32, #tpu.memory_space<vmem>>
    %dma_start3A_113 = tpu.memref_squeeze %dma_start3A_112 : memref<1x128x16xf32, #tpu.memory_space<vmem>> -> memref<128x16xf32, #tpu.memory_space<vmem>>
    %dma_start3A_114 = arith.constant 0 : i32
    %dma_start3A_115 = tpu.memref_slice %arg5[%dma_start3A_108, %dma_start3A_114] : memref<52x128xi32, #tpu.memory_space<vmem>> -> memref<1x128xi32, #tpu.memory_space<vmem>>
    %dma_start3A_116 = tpu.memref_squeeze %dma_start3A_115 : memref<1x128xi32, #tpu.memory_space<vmem>> -> memref<128xi32, #tpu.memory_space<vmem>>
    %dma_start3A_117 = arith.constant 0 : i32
    %dma_start3A_118 = arith.constant 0 : i32
    %dma_start3A_119 = tpu.memref_slice %arg3[%dma_start3A_117, %dma_start3A_118] : memref<5324800x16xf32, #tpu.memory_space<hbm>> -> memref<5324800x16xf32, #tpu.memory_space<hbm>>
    tpu.enqueue_indirect_dma source(%dma_start3A_119 : memref<5324800x16xf32, #tpu.memory_space<hbm>>) target(%dma_start3A_113 : memref<128x16xf32, #tpu.memory_space<vmem>>) offsets(%dma_start3A_116 : memref<128xi32, #tpu.memory_space<vmem>>) semaphore(%arg7 : memref<!tpu.dma_semaphore, #tpu.memory_space<semaphore_mem>>)
    %dma_start3A_120 = arith.constant 10 : i32
    %dma_start3A_121 = arith.constant 10 : i32
    %dma_start3A_122 = arith.constant 0 : i32
    %dma_start3A_123 = arith.constant 0 : i32
    %dma_start3A_124 = tpu.memref_slice %arg6[%dma_start3A_121, %dma_start3A_122, %dma_start3A_123] : memref<52x128x16xf32, #tpu.memory_space<vmem>> -> memref<1x128x16xf32, #tpu.memory_space<vmem>>
    %dma_start3A_125 = tpu.memref_squeeze %dma_start3A_124 : memref<1x128x16xf32, #tpu.memory_space<vmem>> -> memref<128x16xf32, #tpu.memory_space<vmem>>
    %dma_start3A_126 = arith.constant 0 : i32
    %dma_start3A_127 = tpu.memref_slice %arg5[%dma_start3A_120, %dma_start3A_126] : memref<52x128xi32, #tpu.memory_space<vmem>> -> memref<1x128xi32, #tpu.memory_space<vmem>>
    %dma_start3A_128 = tpu.memref_squeeze %dma_start3A_127 : memref<1x128xi32, #tpu.memory_space<vmem>> -> memref<128xi32, #tpu.memory_space<vmem>>
    %dma_start3A_129 = arith.constant 0 : i32
    %dma_start3A_130 = arith.constant 0 : i32
    %dma_start3A_131 = tpu.memref_slice %arg3[%dma_start3A_129, %dma_start3A_130] : memref<5324800x16xf32, #tpu.memory_space<hbm>> -> memref<5324800x16xf32, #tpu.memory_space<hbm>>
    tpu.enqueue_indirect_dma source(%dma_start3A_131 : memref<5324800x16xf32, #tpu.memory_space<hbm>>) target(%dma_start3A_125 : memref<128x16xf32, #tpu.memory_space<vmem>>) offsets(%dma_start3A_128 : memref<128xi32, #tpu.memory_space<vmem>>) semaphore(%arg7 : memref<!tpu.dma_semaphore, #tpu.memory_space<semaphore_mem>>)
    %dma_start3A_132 = arith.constant 11 : i32
    %dma_start3A_133 = arith.constant 11 : i32
    %dma_start3A_134 = arith.constant 0 : i32
    %dma_start3A_135 = arith.constant 0 : i32
    %dma_start3A_136 = tpu.memref_slice %arg6[%dma_start3A_133, %dma_start3A_134, %dma_start3A_135] : memref<52x128x16xf32, #tpu.memory_space<vmem>> -> memref<1x128x16xf32, #tpu.memory_space<vmem>>
    %dma_start3A_137 = tpu.memref_squeeze %dma_start3A_136 : memref<1x128x16xf32, #tpu.memory_space<vmem>> -> memref<128x16xf32, #tpu.memory_space<vmem>>
    %dma_start3A_138 = arith.constant 0 : i32
    %dma_start3A_139 = tpu.memref_slice %arg5[%dma_start3A_132, %dma_start3A_138] : memref<52x128xi32, #tpu.memory_space<vmem>> -> memref<1x128xi32, #tpu.memory_space<vmem>>
    %dma_start3A_140 = tpu.memref_squeeze %dma_start3A_139 : memref<1x128xi32, #tpu.memory_space<vmem>> -> memref<128xi32, #tpu.memory_space<vmem>>
    %dma_start3A_141 = arith.constant 0 : i32
    %dma_start3A_142 = arith.constant 0 : i32
    %dma_start3A_143 = tpu.memref_slice %arg3[%dma_start3A_141, %dma_start3A_142] : memref<5324800x16xf32, #tpu.memory_space<hbm>> -> memref<5324800x16xf32, #tpu.memory_space<hbm>>
    tpu.enqueue_indirect_dma source(%dma_start3A_143 : memref<5324800x16xf32, #tpu.memory_space<hbm>>) target(%dma_start3A_137 : memref<128x16xf32, #tpu.memory_space<vmem>>) offsets(%dma_start3A_140 : memref<128xi32, #tpu.memory_space<vmem>>) semaphore(%arg7 : memref<!tpu.dma_semaphore, #tpu.memory_space<semaphore_mem>>)
    %dma_start3A_144 = arith.constant 12 : i32
    %dma_start3A_145 = arith.constant 12 : i32
    %dma_start3A_146 = arith.constant 0 : i32
    %dma_start3A_147 = arith.constant 0 : i32
    %dma_start3A_148 = tpu.memref_slice %arg6[%dma_start3A_145, %dma_start3A_146, %dma_start3A_147] : memref<52x128x16xf32, #tpu.memory_space<vmem>> -> memref<1x128x16xf32, #tpu.memory_space<vmem>>
    %dma_start3A_149 = tpu.memref_squeeze %dma_start3A_148 : memref<1x128x16xf32, #tpu.memory_space<vmem>> -> memref<128x16xf32, #tpu.memory_space<vmem>>
    %dma_start3A_150 = arith.constant 0 : i32
    %dma_start3A_151 = tpu.memref_slice %arg5[%dma_start3A_144, %dma_start3A_150] : memref<52x128xi32, #tpu.memory_space<vmem>> -> memref<1x128xi32, #tpu.memory_space<vmem>>
    %dma_start3A_152 = tpu.memref_squeeze %dma_start3A_151 : memref<1x128xi32, #tpu.memory_space<vmem>> -> memref<128xi32, #tpu.memory_space<vmem>>
    %dma_start3A_153 = arith.constant 0 : i32
    %dma_start3A_154 = arith.constant 0 : i32
    %dma_start3A_155 = tpu.memref_slice %arg3[%dma_start3A_153, %dma_start3A_154] : memref<5324800x16xf32, #tpu.memory_space<hbm>> -> memref<5324800x16xf32, #tpu.memory_space<hbm>>
    tpu.enqueue_indirect_dma source(%dma_start3A_155 : memref<5324800x16xf32, #tpu.memory_space<hbm>>) target(%dma_start3A_149 : memref<128x16xf32, #tpu.memory_space<vmem>>) offsets(%dma_start3A_152 : memref<128xi32, #tpu.memory_space<vmem>>) semaphore(%arg7 : memref<!tpu.dma_semaphore, #tpu.memory_space<semaphore_mem>>)
    %dma_start3A_156 = arith.constant 13 : i32
    %dma_start3A_157 = arith.constant 13 : i32
    %dma_start3A_158 = arith.constant 0 : i32
    %dma_start3A_159 = arith.constant 0 : i32
    %dma_start3A_160 = tpu.memref_slice %arg6[%dma_start3A_157, %dma_start3A_158, %dma_start3A_159] : memref<52x128x16xf32, #tpu.memory_space<vmem>> -> memref<1x128x16xf32, #tpu.memory_space<vmem>>
    %dma_start3A_161 = tpu.memref_squeeze %dma_start3A_160 : memref<1x128x16xf32, #tpu.memory_space<vmem>> -> memref<128x16xf32, #tpu.memory_space<vmem>>
    %dma_start3A_162 = arith.constant 0 : i32
    %dma_start3A_163 = tpu.memref_slice %arg5[%dma_start3A_156, %dma_start3A_162] : memref<52x128xi32, #tpu.memory_space<vmem>> -> memref<1x128xi32, #tpu.memory_space<vmem>>
    %dma_start3A_164 = tpu.memref_squeeze %dma_start3A_163 : memref<1x128xi32, #tpu.memory_space<vmem>> -> memref<128xi32, #tpu.memory_space<vmem>>
    %dma_start3A_165 = arith.constant 0 : i32
    %dma_start3A_166 = arith.constant 0 : i32
    %dma_start3A_167 = tpu.memref_slice %arg3[%dma_start3A_165, %dma_start3A_166] : memref<5324800x16xf32, #tpu.memory_space<hbm>> -> memref<5324800x16xf32, #tpu.memory_space<hbm>>
    tpu.enqueue_indirect_dma source(%dma_start3A_167 : memref<5324800x16xf32, #tpu.memory_space<hbm>>) target(%dma_start3A_161 : memref<128x16xf32, #tpu.memory_space<vmem>>) offsets(%dma_start3A_164 : memref<128xi32, #tpu.memory_space<vmem>>) semaphore(%arg7 : memref<!tpu.dma_semaphore, #tpu.memory_space<semaphore_mem>>)
    %dma_start3A_168 = arith.constant 14 : i32
    %dma_start3A_169 = arith.constant 14 : i32
    %dma_start3A_170 = arith.constant 0 : i32
    %dma_start3A_171 = arith.constant 0 : i32
    %dma_start3A_172 = tpu.memref_slice %arg6[%dma_start3A_169, %dma_start3A_170, %dma_start3A_171] : memref<52x128x16xf32, #tpu.memory_space<vmem>> -> memref<1x128x16xf32, #tpu.memory_space<vmem>>
    %dma_start3A_173 = tpu.memref_squeeze %dma_start3A_172 : memref<1x128x16xf32, #tpu.memory_space<vmem>> -> memref<128x16xf32, #tpu.memory_space<vmem>>
    %dma_start3A_174 = arith.constant 0 : i32
    %dma_start3A_175 = tpu.memref_slice %arg5[%dma_start3A_168, %dma_start3A_174] : memref<52x128xi32, #tpu.memory_space<vmem>> -> memref<1x128xi32, #tpu.memory_space<vmem>>
    %dma_start3A_176 = tpu.memref_squeeze %dma_start3A_175 : memref<1x128xi32, #tpu.memory_space<vmem>> -> memref<128xi32, #tpu.memory_space<vmem>>
    %dma_start3A_177 = arith.constant 0 : i32
    %dma_start3A_178 = arith.constant 0 : i32
    %dma_start3A_179 = tpu.memref_slice %arg3[%dma_start3A_177, %dma_start3A_178] : memref<5324800x16xf32, #tpu.memory_space<hbm>> -> memref<5324800x16xf32, #tpu.memory_space<hbm>>
    tpu.enqueue_indirect_dma source(%dma_start3A_179 : memref<5324800x16xf32, #tpu.memory_space<hbm>>) target(%dma_start3A_173 : memref<128x16xf32, #tpu.memory_space<vmem>>) offsets(%dma_start3A_176 : memref<128xi32, #tpu.memory_space<vmem>>) semaphore(%arg7 : memref<!tpu.dma_semaphore, #tpu.memory_space<semaphore_mem>>)
    %dma_start3A_180 = arith.constant 15 : i32
    %dma_start3A_181 = arith.constant 15 : i32
    %dma_start3A_182 = arith.constant 0 : i32
    %dma_start3A_183 = arith.constant 0 : i32
    %dma_start3A_184 = tpu.memref_slice %arg6[%dma_start3A_181, %dma_start3A_182, %dma_start3A_183] : memref<52x128x16xf32, #tpu.memory_space<vmem>> -> memref<1x128x16xf32, #tpu.memory_space<vmem>>
    %dma_start3A_185 = tpu.memref_squeeze %dma_start3A_184 : memref<1x128x16xf32, #tpu.memory_space<vmem>> -> memref<128x16xf32, #tpu.memory_space<vmem>>
    %dma_start3A_186 = arith.constant 0 : i32
    %dma_start3A_187 = tpu.memref_slice %arg5[%dma_start3A_180, %dma_start3A_186] : memref<52x128xi32, #tpu.memory_space<vmem>> -> memref<1x128xi32, #tpu.memory_space<vmem>>
    %dma_start3A_188 = tpu.memref_squeeze %dma_start3A_187 : memref<1x128xi32, #tpu.memory_space<vmem>> -> memref<128xi32, #tpu.memory_space<vmem>>
    %dma_start3A_189 = arith.constant 0 : i32
    %dma_start3A_190 = arith.constant 0 : i32
    %dma_start3A_191 = tpu.memref_slice %arg3[%dma_start3A_189, %dma_start3A_190] : memref<5324800x16xf32, #tpu.memory_space<hbm>> -> memref<5324800x16xf32, #tpu.memory_space<hbm>>
    tpu.enqueue_indirect_dma source(%dma_start3A_191 : memref<5324800x16xf32, #tpu.memory_space<hbm>>) target(%dma_start3A_185 : memref<128x16xf32, #tpu.memory_space<vmem>>) offsets(%dma_start3A_188 : memref<128xi32, #tpu.memory_space<vmem>>) semaphore(%arg7 : memref<!tpu.dma_semaphore, #tpu.memory_space<semaphore_mem>>)
    %dma_start3A_192 = arith.constant 16 : i32
    %dma_start3A_193 = arith.constant 16 : i32
    %dma_start3A_194 = arith.constant 0 : i32
    %dma_start3A_195 = arith.constant 0 : i32
    %dma_start3A_196 = tpu.memref_slice %arg6[%dma_start3A_193, %dma_start3A_194, %dma_start3A_195] : memref<52x128x16xf32, #tpu.memory_space<vmem>> -> memref<1x128x16xf32, #tpu.memory_space<vmem>>
    %dma_start3A_197 = tpu.memref_squeeze %dma_start3A_196 : memref<1x128x16xf32, #tpu.memory_space<vmem>> -> memref<128x16xf32, #tpu.memory_space<vmem>>
    %dma_start3A_198 = arith.constant 0 : i32
    %dma_start3A_199 = tpu.memref_slice %arg5[%dma_start3A_192, %dma_start3A_198] : memref<52x128xi32, #tpu.memory_space<vmem>> -> memref<1x128xi32, #tpu.memory_space<vmem>>
    %dma_start3A_200 = tpu.memref_squeeze %dma_start3A_199 : memref<1x128xi32, #tpu.memory_space<vmem>> -> memref<128xi32, #tpu.memory_space<vmem>>
    %dma_start3A_201 = arith.constant 0 : i32
    %dma_start3A_202 = arith.constant 0 : i32
    %dma_start3A_203 = tpu.memref_slice %arg3[%dma_start3A_201, %dma_start3A_202] : memref<5324800x16xf32, #tpu.memory_space<hbm>> -> memref<5324800x16xf32, #tpu.memory_space<hbm>>
    tpu.enqueue_indirect_dma source(%dma_start3A_203 : memref<5324800x16xf32, #tpu.memory_space<hbm>>) target(%dma_start3A_197 : memref<128x16xf32, #tpu.memory_space<vmem>>) offsets(%dma_start3A_200 : memref<128xi32, #tpu.memory_space<vmem>>) semaphore(%arg7 : memref<!tpu.dma_semaphore, #tpu.memory_space<semaphore_mem>>)
    %dma_start3A_204 = arith.constant 17 : i32
    %dma_start3A_205 = arith.constant 17 : i32
    %dma_start3A_206 = arith.constant 0 : i32
    %dma_start3A_207 = arith.constant 0 : i32
    %dma_start3A_208 = tpu.memref_slice %arg6[%dma_start3A_205, %dma_start3A_206, %dma_start3A_207] : memref<52x128x16xf32, #tpu.memory_space<vmem>> -> memref<1x128x16xf32, #tpu.memory_space<vmem>>
    %dma_start3A_209 = tpu.memref_squeeze %dma_start3A_208 : memref<1x128x16xf32, #tpu.memory_space<vmem>> -> memref<128x16xf32, #tpu.memory_space<vmem>>
    %dma_start3A_210 = arith.constant 0 : i32
    %dma_start3A_211 = tpu.memref_slice %arg5[%dma_start3A_204, %dma_start3A_210] : memref<52x128xi32, #tpu.memory_space<vmem>> -> memref<1x128xi32, #tpu.memory_space<vmem>>
    %dma_start3A_212 = tpu.memref_squeeze %dma_start3A_211 : memref<1x128xi32, #tpu.memory_space<vmem>> -> memref<128xi32, #tpu.memory_space<vmem>>
    %dma_start3A_213 = arith.constant 0 : i32
    %dma_start3A_214 = arith.constant 0 : i32
    %dma_start3A_215 = tpu.memref_slice %arg3[%dma_start3A_213, %dma_start3A_214] : memref<5324800x16xf32, #tpu.memory_space<hbm>> -> memref<5324800x16xf32, #tpu.memory_space<hbm>>
    tpu.enqueue_indirect_dma source(%dma_start3A_215 : memref<5324800x16xf32, #tpu.memory_space<hbm>>) target(%dma_start3A_209 : memref<128x16xf32, #tpu.memory_space<vmem>>) offsets(%dma_start3A_212 : memref<128xi32, #tpu.memory_space<vmem>>) semaphore(%arg7 : memref<!tpu.dma_semaphore, #tpu.memory_space<semaphore_mem>>)
    %dma_start3A_216 = arith.constant 18 : i32
    %dma_start3A_217 = arith.constant 18 : i32
    %dma_start3A_218 = arith.constant 0 : i32
    %dma_start3A_219 = arith.constant 0 : i32
    %dma_start3A_220 = tpu.memref_slice %arg6[%dma_start3A_217, %dma_start3A_218, %dma_start3A_219] : memref<52x128x16xf32, #tpu.memory_space<vmem>> -> memref<1x128x16xf32, #tpu.memory_space<vmem>>
    %dma_start3A_221 = tpu.memref_squeeze %dma_start3A_220 : memref<1x128x16xf32, #tpu.memory_space<vmem>> -> memref<128x16xf32, #tpu.memory_space<vmem>>
    %dma_start3A_222 = arith.constant 0 : i32
    %dma_start3A_223 = tpu.memref_slice %arg5[%dma_start3A_216, %dma_start3A_222] : memref<52x128xi32, #tpu.memory_space<vmem>> -> memref<1x128xi32, #tpu.memory_space<vmem>>
    %dma_start3A_224 = tpu.memref_squeeze %dma_start3A_223 : memref<1x128xi32, #tpu.memory_space<vmem>> -> memref<128xi32, #tpu.memory_space<vmem>>
    %dma_start3A_225 = arith.constant 0 : i32
    %dma_start3A_226 = arith.constant 0 : i32
    %dma_start3A_227 = tpu.memref_slice %arg3[%dma_start3A_225, %dma_start3A_226] : memref<5324800x16xf32, #tpu.memory_space<hbm>> -> memref<5324800x16xf32, #tpu.memory_space<hbm>>
    tpu.enqueue_indirect_dma source(%dma_start3A_227 : memref<5324800x16xf32, #tpu.memory_space<hbm>>) target(%dma_start3A_221 : memref<128x16xf32, #tpu.memory_space<vmem>>) offsets(%dma_start3A_224 : memref<128xi32, #tpu.memory_space<vmem>>) semaphore(%arg7 : memref<!tpu.dma_semaphore, #tpu.memory_space<semaphore_mem>>)
    %dma_start3A_228 = arith.constant 19 : i32
    %dma_start3A_229 = arith.constant 19 : i32
    %dma_start3A_230 = arith.constant 0 : i32
    %dma_start3A_231 = arith.constant 0 : i32
    %dma_start3A_232 = tpu.memref_slice %arg6[%dma_start3A_229, %dma_start3A_230, %dma_start3A_231] : memref<52x128x16xf32, #tpu.memory_space<vmem>> -> memref<1x128x16xf32, #tpu.memory_space<vmem>>
    %dma_start3A_233 = tpu.memref_squeeze %dma_start3A_232 : memref<1x128x16xf32, #tpu.memory_space<vmem>> -> memref<128x16xf32, #tpu.memory_space<vmem>>
    %dma_start3A_234 = arith.constant 0 : i32
    %dma_start3A_235 = tpu.memref_slice %arg5[%dma_start3A_228, %dma_start3A_234] : memref<52x128xi32, #tpu.memory_space<vmem>> -> memref<1x128xi32, #tpu.memory_space<vmem>>
    %dma_start3A_236 = tpu.memref_squeeze %dma_start3A_235 : memref<1x128xi32, #tpu.memory_space<vmem>> -> memref<128xi32, #tpu.memory_space<vmem>>
    %dma_start3A_237 = arith.constant 0 : i32
    %dma_start3A_238 = arith.constant 0 : i32
    %dma_start3A_239 = tpu.memref_slice %arg3[%dma_start3A_237, %dma_start3A_238] : memref<5324800x16xf32, #tpu.memory_space<hbm>> -> memref<5324800x16xf32, #tpu.memory_space<hbm>>
    tpu.enqueue_indirect_dma source(%dma_start3A_239 : memref<5324800x16xf32, #tpu.memory_space<hbm>>) target(%dma_start3A_233 : memref<128x16xf32, #tpu.memory_space<vmem>>) offsets(%dma_start3A_236 : memref<128xi32, #tpu.memory_space<vmem>>) semaphore(%arg7 : memref<!tpu.dma_semaphore, #tpu.memory_space<semaphore_mem>>)
    %dma_start3A_240 = arith.constant 20 : i32
    %dma_start3A_241 = arith.constant 20 : i32
    %dma_start3A_242 = arith.constant 0 : i32
    %dma_start3A_243 = arith.constant 0 : i32
    %dma_start3A_244 = tpu.memref_slice %arg6[%dma_start3A_241, %dma_start3A_242, %dma_start3A_243] : memref<52x128x16xf32, #tpu.memory_space<vmem>> -> memref<1x128x16xf32, #tpu.memory_space<vmem>>
    %dma_start3A_245 = tpu.memref_squeeze %dma_start3A_244 : memref<1x128x16xf32, #tpu.memory_space<vmem>> -> memref<128x16xf32, #tpu.memory_space<vmem>>
    %dma_start3A_246 = arith.constant 0 : i32
    %dma_start3A_247 = tpu.memref_slice %arg5[%dma_start3A_240, %dma_start3A_246] : memref<52x128xi32, #tpu.memory_space<vmem>> -> memref<1x128xi32, #tpu.memory_space<vmem>>
    %dma_start3A_248 = tpu.memref_squeeze %dma_start3A_247 : memref<1x128xi32, #tpu.memory_space<vmem>> -> memref<128xi32, #tpu.memory_space<vmem>>
    %dma_start3A_249 = arith.constant 0 : i32
    %dma_start3A_250 = arith.constant 0 : i32
    %dma_start3A_251 = tpu.memref_slice %arg3[%dma_start3A_249, %dma_start3A_250] : memref<5324800x16xf32, #tpu.memory_space<hbm>> -> memref<5324800x16xf32, #tpu.memory_space<hbm>>
    tpu.enqueue_indirect_dma source(%dma_start3A_251 : memref<5324800x16xf32, #tpu.memory_space<hbm>>) target(%dma_start3A_245 : memref<128x16xf32, #tpu.memory_space<vmem>>) offsets(%dma_start3A_248 : memref<128xi32, #tpu.memory_space<vmem>>) semaphore(%arg7 : memref<!tpu.dma_semaphore, #tpu.memory_space<semaphore_mem>>)
    %dma_start3A_252 = arith.constant 21 : i32
    %dma_start3A_253 = arith.constant 21 : i32
    %dma_start3A_254 = arith.constant 0 : i32
    %dma_start3A_255 = arith.constant 0 : i32
    %dma_start3A_256 = tpu.memref_slice %arg6[%dma_start3A_253, %dma_start3A_254, %dma_start3A_255] : memref<52x128x16xf32, #tpu.memory_space<vmem>> -> memref<1x128x16xf32, #tpu.memory_space<vmem>>
    %dma_start3A_257 = tpu.memref_squeeze %dma_start3A_256 : memref<1x128x16xf32, #tpu.memory_space<vmem>> -> memref<128x16xf32, #tpu.memory_space<vmem>>
    %dma_start3A_258 = arith.constant 0 : i32
    %dma_start3A_259 = tpu.memref_slice %arg5[%dma_start3A_252, %dma_start3A_258] : memref<52x128xi32, #tpu.memory_space<vmem>> -> memref<1x128xi32, #tpu.memory_space<vmem>>
    %dma_start3A_260 = tpu.memref_squeeze %dma_start3A_259 : memref<1x128xi32, #tpu.memory_space<vmem>> -> memref<128xi32, #tpu.memory_space<vmem>>
    %dma_start3A_261 = arith.constant 0 : i32
    %dma_start3A_262 = arith.constant 0 : i32
    %dma_start3A_263 = tpu.memref_slice %arg3[%dma_start3A_261, %dma_start3A_262] : memref<5324800x16xf32, #tpu.memory_space<hbm>> -> memref<5324800x16xf32, #tpu.memory_space<hbm>>
    tpu.enqueue_indirect_dma source(%dma_start3A_263 : memref<5324800x16xf32, #tpu.memory_space<hbm>>) target(%dma_start3A_257 : memref<128x16xf32, #tpu.memory_space<vmem>>) offsets(%dma_start3A_260 : memref<128xi32, #tpu.memory_space<vmem>>) semaphore(%arg7 : memref<!tpu.dma_semaphore, #tpu.memory_space<semaphore_mem>>)
    %dma_start3A_264 = arith.constant 22 : i32
    %dma_start3A_265 = arith.constant 22 : i32
    %dma_start3A_266 = arith.constant 0 : i32
    %dma_start3A_267 = arith.constant 0 : i32
    %dma_start3A_268 = tpu.memref_slice %arg6[%dma_start3A_265, %dma_start3A_266, %dma_start3A_267] : memref<52x128x16xf32, #tpu.memory_space<vmem>> -> memref<1x128x16xf32, #tpu.memory_space<vmem>>
    %dma_start3A_269 = tpu.memref_squeeze %dma_start3A_268 : memref<1x128x16xf32, #tpu.memory_space<vmem>> -> memref<128x16xf32, #tpu.memory_space<vmem>>
    %dma_start3A_270 = arith.constant 0 : i32
    %dma_start3A_271 = tpu.memref_slice %arg5[%dma_start3A_264, %dma_start3A_270] : memref<52x128xi32, #tpu.memory_space<vmem>> -> memref<1x128xi32, #tpu.memory_space<vmem>>
    %dma_start3A_272 = tpu.memref_squeeze %dma_start3A_271 : memref<1x128xi32, #tpu.memory_space<vmem>> -> memref<128xi32, #tpu.memory_space<vmem>>
    %dma_start3A_273 = arith.constant 0 : i32
    %dma_start3A_274 = arith.constant 0 : i32
    %dma_start3A_275 = tpu.memref_slice %arg3[%dma_start3A_273, %dma_start3A_274] : memref<5324800x16xf32, #tpu.memory_space<hbm>> -> memref<5324800x16xf32, #tpu.memory_space<hbm>>
    tpu.enqueue_indirect_dma source(%dma_start3A_275 : memref<5324800x16xf32, #tpu.memory_space<hbm>>) target(%dma_start3A_269 : memref<128x16xf32, #tpu.memory_space<vmem>>) offsets(%dma_start3A_272 : memref<128xi32, #tpu.memory_space<vmem>>) semaphore(%arg7 : memref<!tpu.dma_semaphore, #tpu.memory_space<semaphore_mem>>)
    %dma_start3A_276 = arith.constant 23 : i32
    %dma_start3A_277 = arith.constant 23 : i32
    %dma_start3A_278 = arith.constant 0 : i32
    %dma_start3A_279 = arith.constant 0 : i32
    %dma_start3A_280 = tpu.memref_slice %arg6[%dma_start3A_277, %dma_start3A_278, %dma_start3A_279] : memref<52x128x16xf32, #tpu.memory_space<vmem>> -> memref<1x128x16xf32, #tpu.memory_space<vmem>>
    %dma_start3A_281 = tpu.memref_squeeze %dma_start3A_280 : memref<1x128x16xf32, #tpu.memory_space<vmem>> -> memref<128x16xf32, #tpu.memory_space<vmem>>
    %dma_start3A_282 = arith.constant 0 : i32
    %dma_start3A_283 = tpu.memref_slice %arg5[%dma_start3A_276, %dma_start3A_282] : memref<52x128xi32, #tpu.memory_space<vmem>> -> memref<1x128xi32, #tpu.memory_space<vmem>>
    %dma_start3A_284 = tpu.memref_squeeze %dma_start3A_283 : memref<1x128xi32, #tpu.memory_space<vmem>> -> memref<128xi32, #tpu.memory_space<vmem>>
    %dma_start3A_285 = arith.constant 0 : i32
    %dma_start3A_286 = arith.constant 0 : i32
    %dma_start3A_287 = tpu.memref_slice %arg3[%dma_start3A_285, %dma_start3A_286] : memref<5324800x16xf32, #tpu.memory_space<hbm>> -> memref<5324800x16xf32, #tpu.memory_space<hbm>>
    tpu.enqueue_indirect_dma source(%dma_start3A_287 : memref<5324800x16xf32, #tpu.memory_space<hbm>>) target(%dma_start3A_281 : memref<128x16xf32, #tpu.memory_space<vmem>>) offsets(%dma_start3A_284 : memref<128xi32, #tpu.memory_space<vmem>>) semaphore(%arg7 : memref<!tpu.dma_semaphore, #tpu.memory_space<semaphore_mem>>)
    %dma_start3A_288 = arith.constant 24 : i32
    %dma_start3A_289 = arith.constant 24 : i32
    %dma_start3A_290 = arith.constant 0 : i32
    %dma_start3A_291 = arith.constant 0 : i32
    %dma_start3A_292 = tpu.memref_slice %arg6[%dma_start3A_289, %dma_start3A_290, %dma_start3A_291] : memref<52x128x16xf32, #tpu.memory_space<vmem>> -> memref<1x128x16xf32, #tpu.memory_space<vmem>>
    %dma_start3A_293 = tpu.memref_squeeze %dma_start3A_292 : memref<1x128x16xf32, #tpu.memory_space<vmem>> -> memref<128x16xf32, #tpu.memory_space<vmem>>
    %dma_start3A_294 = arith.constant 0 : i32
    %dma_start3A_295 = tpu.memref_slice %arg5[%dma_start3A_288, %dma_start3A_294] : memref<52x128xi32, #tpu.memory_space<vmem>> -> memref<1x128xi32, #tpu.memory_space<vmem>>
    %dma_start3A_296 = tpu.memref_squeeze %dma_start3A_295 : memref<1x128xi32, #tpu.memory_space<vmem>> -> memref<128xi32, #tpu.memory_space<vmem>>
    %dma_start3A_297 = arith.constant 0 : i32
    %dma_start3A_298 = arith.constant 0 : i32
    %dma_start3A_299 = tpu.memref_slice %arg3[%dma_start3A_297, %dma_start3A_298] : memref<5324800x16xf32, #tpu.memory_space<hbm>> -> memref<5324800x16xf32, #tpu.memory_space<hbm>>
    tpu.enqueue_indirect_dma source(%dma_start3A_299 : memref<5324800x16xf32, #tpu.memory_space<hbm>>) target(%dma_start3A_293 : memref<128x16xf32, #tpu.memory_space<vmem>>) offsets(%dma_start3A_296 : memref<128xi32, #tpu.memory_space<vmem>>) semaphore(%arg7 : memref<!tpu.dma_semaphore, #tpu.memory_space<semaphore_mem>>)
    %dma_start3A_300 = arith.constant 25 : i32
    %dma_start3A_301 = arith.constant 25 : i32
    %dma_start3A_302 = arith.constant 0 : i32
    %dma_start3A_303 = arith.constant 0 : i32
    %dma_start3A_304 = tpu.memref_slice %arg6[%dma_start3A_301, %dma_start3A_302, %dma_start3A_303] : memref<52x128x16xf32, #tpu.memory_space<vmem>> -> memref<1x128x16xf32, #tpu.memory_space<vmem>>
    %dma_start3A_305 = tpu.memref_squeeze %dma_start3A_304 : memref<1x128x16xf32, #tpu.memory_space<vmem>> -> memref<128x16xf32, #tpu.memory_space<vmem>>
    %dma_start3A_306 = arith.constant 0 : i32
    %dma_start3A_307 = tpu.memref_slice %arg5[%dma_start3A_300, %dma_start3A_306] : memref<52x128xi32, #tpu.memory_space<vmem>> -> memref<1x128xi32, #tpu.memory_space<vmem>>
    %dma_start3A_308 = tpu.memref_squeeze %dma_start3A_307 : memref<1x128xi32, #tpu.memory_space<vmem>> -> memref<128xi32, #tpu.memory_space<vmem>>
    %dma_start3A_309 = arith.constant 0 : i32
    %dma_start3A_310 = arith.constant 0 : i32
    %dma_start3A_311 = tpu.memref_slice %arg3[%dma_start3A_309, %dma_start3A_310] : memref<5324800x16xf32, #tpu.memory_space<hbm>> -> memref<5324800x16xf32, #tpu.memory_space<hbm>>
    tpu.enqueue_indirect_dma source(%dma_start3A_311 : memref<5324800x16xf32, #tpu.memory_space<hbm>>) target(%dma_start3A_305 : memref<128x16xf32, #tpu.memory_space<vmem>>) offsets(%dma_start3A_308 : memref<128xi32, #tpu.memory_space<vmem>>) semaphore(%arg7 : memref<!tpu.dma_semaphore, #tpu.memory_space<semaphore_mem>>)
    %dma_start3A_312 = arith.constant 26 : i32
    %dma_start3A_313 = arith.constant 26 : i32
    %dma_start3A_314 = arith.constant 0 : i32
    %dma_start3A_315 = arith.constant 0 : i32
    %dma_start3A_316 = tpu.memref_slice %arg6[%dma_start3A_313, %dma_start3A_314, %dma_start3A_315] : memref<52x128x16xf32, #tpu.memory_space<vmem>> -> memref<1x128x16xf32, #tpu.memory_space<vmem>>
    %dma_start3A_317 = tpu.memref_squeeze %dma_start3A_316 : memref<1x128x16xf32, #tpu.memory_space<vmem>> -> memref<128x16xf32, #tpu.memory_space<vmem>>
    %dma_start3A_318 = arith.constant 0 : i32
    %dma_start3A_319 = tpu.memref_slice %arg5[%dma_start3A_312, %dma_start3A_318] : memref<52x128xi32, #tpu.memory_space<vmem>> -> memref<1x128xi32, #tpu.memory_space<vmem>>
    %dma_start3A_320 = tpu.memref_squeeze %dma_start3A_319 : memref<1x128xi32, #tpu.memory_space<vmem>> -> memref<128xi32, #tpu.memory_space<vmem>>
    %dma_start3A_321 = arith.constant 0 : i32
    %dma_start3A_322 = arith.constant 0 : i32
    %dma_start3A_323 = tpu.memref_slice %arg3[%dma_start3A_321, %dma_start3A_322] : memref<5324800x16xf32, #tpu.memory_space<hbm>> -> memref<5324800x16xf32, #tpu.memory_space<hbm>>
    tpu.enqueue_indirect_dma source(%dma_start3A_323 : memref<5324800x16xf32, #tpu.memory_space<hbm>>) target(%dma_start3A_317 : memref<128x16xf32, #tpu.memory_space<vmem>>) offsets(%dma_start3A_320 : memref<128xi32, #tpu.memory_space<vmem>>) semaphore(%arg7 : memref<!tpu.dma_semaphore, #tpu.memory_space<semaphore_mem>>)
    %dma_start3A_324 = arith.constant 27 : i32
    %dma_start3A_325 = arith.constant 27 : i32
    %dma_start3A_326 = arith.constant 0 : i32
    %dma_start3A_327 = arith.constant 0 : i32
    %dma_start3A_328 = tpu.memref_slice %arg6[%dma_start3A_325, %dma_start3A_326, %dma_start3A_327] : memref<52x128x16xf32, #tpu.memory_space<vmem>> -> memref<1x128x16xf32, #tpu.memory_space<vmem>>
    %dma_start3A_329 = tpu.memref_squeeze %dma_start3A_328 : memref<1x128x16xf32, #tpu.memory_space<vmem>> -> memref<128x16xf32, #tpu.memory_space<vmem>>
    %dma_start3A_330 = arith.constant 0 : i32
    %dma_start3A_331 = tpu.memref_slice %arg5[%dma_start3A_324, %dma_start3A_330] : memref<52x128xi32, #tpu.memory_space<vmem>> -> memref<1x128xi32, #tpu.memory_space<vmem>>
    %dma_start3A_332 = tpu.memref_squeeze %dma_start3A_331 : memref<1x128xi32, #tpu.memory_space<vmem>> -> memref<128xi32, #tpu.memory_space<vmem>>
    %dma_start3A_333 = arith.constant 0 : i32
    %dma_start3A_334 = arith.constant 0 : i32
    %dma_start3A_335 = tpu.memref_slice %arg3[%dma_start3A_333, %dma_start3A_334] : memref<5324800x16xf32, #tpu.memory_space<hbm>> -> memref<5324800x16xf32, #tpu.memory_space<hbm>>
    tpu.enqueue_indirect_dma source(%dma_start3A_335 : memref<5324800x16xf32, #tpu.memory_space<hbm>>) target(%dma_start3A_329 : memref<128x16xf32, #tpu.memory_space<vmem>>) offsets(%dma_start3A_332 : memref<128xi32, #tpu.memory_space<vmem>>) semaphore(%arg7 : memref<!tpu.dma_semaphore, #tpu.memory_space<semaphore_mem>>)
    %dma_start3A_336 = arith.constant 28 : i32
    %dma_start3A_337 = arith.constant 28 : i32
    %dma_start3A_338 = arith.constant 0 : i32
    %dma_start3A_339 = arith.constant 0 : i32
    %dma_start3A_340 = tpu.memref_slice %arg6[%dma_start3A_337, %dma_start3A_338, %dma_start3A_339] : memref<52x128x16xf32, #tpu.memory_space<vmem>> -> memref<1x128x16xf32, #tpu.memory_space<vmem>>
    %dma_start3A_341 = tpu.memref_squeeze %dma_start3A_340 : memref<1x128x16xf32, #tpu.memory_space<vmem>> -> memref<128x16xf32, #tpu.memory_space<vmem>>
    %dma_start3A_342 = arith.constant 0 : i32
    %dma_start3A_343 = tpu.memref_slice %arg5[%dma_start3A_336, %dma_start3A_342] : memref<52x128xi32, #tpu.memory_space<vmem>> -> memref<1x128xi32, #tpu.memory_space<vmem>>
    %dma_start3A_344 = tpu.memref_squeeze %dma_start3A_343 : memref<1x128xi32, #tpu.memory_space<vmem>> -> memref<128xi32, #tpu.memory_space<vmem>>
    %dma_start3A_345 = arith.constant 0 : i32
    %dma_start3A_346 = arith.constant 0 : i32
    %dma_start3A_347 = tpu.memref_slice %arg3[%dma_start3A_345, %dma_start3A_346] : memref<5324800x16xf32, #tpu.memory_space<hbm>> -> memref<5324800x16xf32, #tpu.memory_space<hbm>>
    tpu.enqueue_indirect_dma source(%dma_start3A_347 : memref<5324800x16xf32, #tpu.memory_space<hbm>>) target(%dma_start3A_341 : memref<128x16xf32, #tpu.memory_space<vmem>>) offsets(%dma_start3A_344 : memref<128xi32, #tpu.memory_space<vmem>>) semaphore(%arg7 : memref<!tpu.dma_semaphore, #tpu.memory_space<semaphore_mem>>)
    %dma_start3A_348 = arith.constant 29 : i32
    %dma_start3A_349 = arith.constant 29 : i32
    %dma_start3A_350 = arith.constant 0 : i32
    %dma_start3A_351 = arith.constant 0 : i32
    %dma_start3A_352 = tpu.memref_slice %arg6[%dma_start3A_349, %dma_start3A_350, %dma_start3A_351] : memref<52x128x16xf32, #tpu.memory_space<vmem>> -> memref<1x128x16xf32, #tpu.memory_space<vmem>>
    %dma_start3A_353 = tpu.memref_squeeze %dma_start3A_352 : memref<1x128x16xf32, #tpu.memory_space<vmem>> -> memref<128x16xf32, #tpu.memory_space<vmem>>
    %dma_start3A_354 = arith.constant 0 : i32
    %dma_start3A_355 = tpu.memref_slice %arg5[%dma_start3A_348, %dma_start3A_354] : memref<52x128xi32, #tpu.memory_space<vmem>> -> memref<1x128xi32, #tpu.memory_space<vmem>>
    %dma_start3A_356 = tpu.memref_squeeze %dma_start3A_355 : memref<1x128xi32, #tpu.memory_space<vmem>> -> memref<128xi32, #tpu.memory_space<vmem>>
    %dma_start3A_357 = arith.constant 0 : i32
    %dma_start3A_358 = arith.constant 0 : i32
    %dma_start3A_359 = tpu.memref_slice %arg3[%dma_start3A_357, %dma_start3A_358] : memref<5324800x16xf32, #tpu.memory_space<hbm>> -> memref<5324800x16xf32, #tpu.memory_space<hbm>>
    tpu.enqueue_indirect_dma source(%dma_start3A_359 : memref<5324800x16xf32, #tpu.memory_space<hbm>>) target(%dma_start3A_353 : memref<128x16xf32, #tpu.memory_space<vmem>>) offsets(%dma_start3A_356 : memref<128xi32, #tpu.memory_space<vmem>>) semaphore(%arg7 : memref<!tpu.dma_semaphore, #tpu.memory_space<semaphore_mem>>)
    %dma_start3A_360 = arith.constant 30 : i32
    %dma_start3A_361 = arith.constant 30 : i32
    %dma_start3A_362 = arith.constant 0 : i32
    %dma_start3A_363 = arith.constant 0 : i32
    %dma_start3A_364 = tpu.memref_slice %arg6[%dma_start3A_361, %dma_start3A_362, %dma_start3A_363] : memref<52x128x16xf32, #tpu.memory_space<vmem>> -> memref<1x128x16xf32, #tpu.memory_space<vmem>>
    %dma_start3A_365 = tpu.memref_squeeze %dma_start3A_364 : memref<1x128x16xf32, #tpu.memory_space<vmem>> -> memref<128x16xf32, #tpu.memory_space<vmem>>
    %dma_start3A_366 = arith.constant 0 : i32
    %dma_start3A_367 = tpu.memref_slice %arg5[%dma_start3A_360, %dma_start3A_366] : memref<52x128xi32, #tpu.memory_space<vmem>> -> memref<1x128xi32, #tpu.memory_space<vmem>>
    %dma_start3A_368 = tpu.memref_squeeze %dma_start3A_367 : memref<1x128xi32, #tpu.memory_space<vmem>> -> memref<128xi32, #tpu.memory_space<vmem>>
    %dma_start3A_369 = arith.constant 0 : i32
    %dma_start3A_370 = arith.constant 0 : i32
    %dma_start3A_371 = tpu.memref_slice %arg3[%dma_start3A_369, %dma_start3A_370] : memref<5324800x16xf32, #tpu.memory_space<hbm>> -> memref<5324800x16xf32, #tpu.memory_space<hbm>>
    tpu.enqueue_indirect_dma source(%dma_start3A_371 : memref<5324800x16xf32, #tpu.memory_space<hbm>>) target(%dma_start3A_365 : memref<128x16xf32, #tpu.memory_space<vmem>>) offsets(%dma_start3A_368 : memref<128xi32, #tpu.memory_space<vmem>>) semaphore(%arg7 : memref<!tpu.dma_semaphore, #tpu.memory_space<semaphore_mem>>)
    %dma_start3A_372 = arith.constant 31 : i32
    %dma_start3A_373 = arith.constant 31 : i32
    %dma_start3A_374 = arith.constant 0 : i32
    %dma_start3A_375 = arith.constant 0 : i32
    %dma_start3A_376 = tpu.memref_slice %arg6[%dma_start3A_373, %dma_start3A_374, %dma_start3A_375] : memref<52x128x16xf32, #tpu.memory_space<vmem>> -> memref<1x128x16xf32, #tpu.memory_space<vmem>>
    %dma_start3A_377 = tpu.memref_squeeze %dma_start3A_376 : memref<1x128x16xf32, #tpu.memory_space<vmem>> -> memref<128x16xf32, #tpu.memory_space<vmem>>
    %dma_start3A_378 = arith.constant 0 : i32
    %dma_start3A_379 = tpu.memref_slice %arg5[%dma_start3A_372, %dma_start3A_378] : memref<52x128xi32, #tpu.memory_space<vmem>> -> memref<1x128xi32, #tpu.memory_space<vmem>>
    %dma_start3A_380 = tpu.memref_squeeze %dma_start3A_379 : memref<1x128xi32, #tpu.memory_space<vmem>> -> memref<128xi32, #tpu.memory_space<vmem>>
    %dma_start3A_381 = arith.constant 0 : i32
    %dma_start3A_382 = arith.constant 0 : i32
    %dma_start3A_383 = tpu.memref_slice %arg3[%dma_start3A_381, %dma_start3A_382] : memref<5324800x16xf32, #tpu.memory_space<hbm>> -> memref<5324800x16xf32, #tpu.memory_space<hbm>>
    tpu.enqueue_indirect_dma source(%dma_start3A_383 : memref<5324800x16xf32, #tpu.memory_space<hbm>>) target(%dma_start3A_377 : memref<128x16xf32, #tpu.memory_space<vmem>>) offsets(%dma_start3A_380 : memref<128xi32, #tpu.memory_space<vmem>>) semaphore(%arg7 : memref<!tpu.dma_semaphore, #tpu.memory_space<semaphore_mem>>)
    %dma_start3A_384 = arith.constant 32 : i32
    %dma_start3A_385 = arith.constant 32 : i32
    %dma_start3A_386 = arith.constant 0 : i32
    %dma_start3A_387 = arith.constant 0 : i32
    %dma_start3A_388 = tpu.memref_slice %arg6[%dma_start3A_385, %dma_start3A_386, %dma_start3A_387] : memref<52x128x16xf32, #tpu.memory_space<vmem>> -> memref<1x128x16xf32, #tpu.memory_space<vmem>>
    %dma_start3A_389 = tpu.memref_squeeze %dma_start3A_388 : memref<1x128x16xf32, #tpu.memory_space<vmem>> -> memref<128x16xf32, #tpu.memory_space<vmem>>
    %dma_start3A_390 = arith.constant 0 : i32
    %dma_start3A_391 = tpu.memref_slice %arg5[%dma_start3A_384, %dma_start3A_390] : memref<52x128xi32, #tpu.memory_space<vmem>> -> memref<1x128xi32, #tpu.memory_space<vmem>>
    %dma_start3A_392 = tpu.memref_squeeze %dma_start3A_391 : memref<1x128xi32, #tpu.memory_space<vmem>> -> memref<128xi32, #tpu.memory_space<vmem>>
    %dma_start3A_393 = arith.constant 0 : i32
    %dma_start3A_394 = arith.constant 0 : i32
    %dma_start3A_395 = tpu.memref_slice %arg3[%dma_start3A_393, %dma_start3A_394] : memref<5324800x16xf32, #tpu.memory_space<hbm>> -> memref<5324800x16xf32, #tpu.memory_space<hbm>>
    tpu.enqueue_indirect_dma source(%dma_start3A_395 : memref<5324800x16xf32, #tpu.memory_space<hbm>>) target(%dma_start3A_389 : memref<128x16xf32, #tpu.memory_space<vmem>>) offsets(%dma_start3A_392 : memref<128xi32, #tpu.memory_space<vmem>>) semaphore(%arg7 : memref<!tpu.dma_semaphore, #tpu.memory_space<semaphore_mem>>)
    %dma_start3A_396 = arith.constant 33 : i32
    %dma_start3A_397 = arith.constant 33 : i32
    %dma_start3A_398 = arith.constant 0 : i32
    %dma_start3A_399 = arith.constant 0 : i32
    %dma_start3A_400 = tpu.memref_slice %arg6[%dma_start3A_397, %dma_start3A_398, %dma_start3A_399] : memref<52x128x16xf32, #tpu.memory_space<vmem>> -> memref<1x128x16xf32, #tpu.memory_space<vmem>>
    %dma_start3A_401 = tpu.memref_squeeze %dma_start3A_400 : memref<1x128x16xf32, #tpu.memory_space<vmem>> -> memref<128x16xf32, #tpu.memory_space<vmem>>
    %dma_start3A_402 = arith.constant 0 : i32
    %dma_start3A_403 = tpu.memref_slice %arg5[%dma_start3A_396, %dma_start3A_402] : memref<52x128xi32, #tpu.memory_space<vmem>> -> memref<1x128xi32, #tpu.memory_space<vmem>>
    %dma_start3A_404 = tpu.memref_squeeze %dma_start3A_403 : memref<1x128xi32, #tpu.memory_space<vmem>> -> memref<128xi32, #tpu.memory_space<vmem>>
    %dma_start3A_405 = arith.constant 0 : i32
    %dma_start3A_406 = arith.constant 0 : i32
    %dma_start3A_407 = tpu.memref_slice %arg3[%dma_start3A_405, %dma_start3A_406] : memref<5324800x16xf32, #tpu.memory_space<hbm>> -> memref<5324800x16xf32, #tpu.memory_space<hbm>>
    tpu.enqueue_indirect_dma source(%dma_start3A_407 : memref<5324800x16xf32, #tpu.memory_space<hbm>>) target(%dma_start3A_401 : memref<128x16xf32, #tpu.memory_space<vmem>>) offsets(%dma_start3A_404 : memref<128xi32, #tpu.memory_space<vmem>>) semaphore(%arg7 : memref<!tpu.dma_semaphore, #tpu.memory_space<semaphore_mem>>)
    %dma_start3A_408 = arith.constant 34 : i32
    %dma_start3A_409 = arith.constant 34 : i32
    %dma_start3A_410 = arith.constant 0 : i32
    %dma_start3A_411 = arith.constant 0 : i32
    %dma_start3A_412 = tpu.memref_slice %arg6[%dma_start3A_409, %dma_start3A_410, %dma_start3A_411] : memref<52x128x16xf32, #tpu.memory_space<vmem>> -> memref<1x128x16xf32, #tpu.memory_space<vmem>>
    %dma_start3A_413 = tpu.memref_squeeze %dma_start3A_412 : memref<1x128x16xf32, #tpu.memory_space<vmem>> -> memref<128x16xf32, #tpu.memory_space<vmem>>
    %dma_start3A_414 = arith.constant 0 : i32
    %dma_start3A_415 = tpu.memref_slice %arg5[%dma_start3A_408, %dma_start3A_414] : memref<52x128xi32, #tpu.memory_space<vmem>> -> memref<1x128xi32, #tpu.memory_space<vmem>>
    %dma_start3A_416 = tpu.memref_squeeze %dma_start3A_415 : memref<1x128xi32, #tpu.memory_space<vmem>> -> memref<128xi32, #tpu.memory_space<vmem>>
    %dma_start3A_417 = arith.constant 0 : i32
    %dma_start3A_418 = arith.constant 0 : i32
    %dma_start3A_419 = tpu.memref_slice %arg3[%dma_start3A_417, %dma_start3A_418] : memref<5324800x16xf32, #tpu.memory_space<hbm>> -> memref<5324800x16xf32, #tpu.memory_space<hbm>>
    tpu.enqueue_indirect_dma source(%dma_start3A_419 : memref<5324800x16xf32, #tpu.memory_space<hbm>>) target(%dma_start3A_413 : memref<128x16xf32, #tpu.memory_space<vmem>>) offsets(%dma_start3A_416 : memref<128xi32, #tpu.memory_space<vmem>>) semaphore(%arg7 : memref<!tpu.dma_semaphore, #tpu.memory_space<semaphore_mem>>)
    %dma_start3A_420 = arith.constant 35 : i32
    %dma_start3A_421 = arith.constant 35 : i32
    %dma_start3A_422 = arith.constant 0 : i32
    %dma_start3A_423 = arith.constant 0 : i32
    %dma_start3A_424 = tpu.memref_slice %arg6[%dma_start3A_421, %dma_start3A_422, %dma_start3A_423] : memref<52x128x16xf32, #tpu.memory_space<vmem>> -> memref<1x128x16xf32, #tpu.memory_space<vmem>>
    %dma_start3A_425 = tpu.memref_squeeze %dma_start3A_424 : memref<1x128x16xf32, #tpu.memory_space<vmem>> -> memref<128x16xf32, #tpu.memory_space<vmem>>
    %dma_start3A_426 = arith.constant 0 : i32
    %dma_start3A_427 = tpu.memref_slice %arg5[%dma_start3A_420, %dma_start3A_426] : memref<52x128xi32, #tpu.memory_space<vmem>> -> memref<1x128xi32, #tpu.memory_space<vmem>>
    %dma_start3A_428 = tpu.memref_squeeze %dma_start3A_427 : memref<1x128xi32, #tpu.memory_space<vmem>> -> memref<128xi32, #tpu.memory_space<vmem>>
    %dma_start3A_429 = arith.constant 0 : i32
    %dma_start3A_430 = arith.constant 0 : i32
    %dma_start3A_431 = tpu.memref_slice %arg3[%dma_start3A_429, %dma_start3A_430] : memref<5324800x16xf32, #tpu.memory_space<hbm>> -> memref<5324800x16xf32, #tpu.memory_space<hbm>>
    tpu.enqueue_indirect_dma source(%dma_start3A_431 : memref<5324800x16xf32, #tpu.memory_space<hbm>>) target(%dma_start3A_425 : memref<128x16xf32, #tpu.memory_space<vmem>>) offsets(%dma_start3A_428 : memref<128xi32, #tpu.memory_space<vmem>>) semaphore(%arg7 : memref<!tpu.dma_semaphore, #tpu.memory_space<semaphore_mem>>)
    %dma_start3A_432 = arith.constant 36 : i32
    %dma_start3A_433 = arith.constant 36 : i32
    %dma_start3A_434 = arith.constant 0 : i32
    %dma_start3A_435 = arith.constant 0 : i32
    %dma_start3A_436 = tpu.memref_slice %arg6[%dma_start3A_433, %dma_start3A_434, %dma_start3A_435] : memref<52x128x16xf32, #tpu.memory_space<vmem>> -> memref<1x128x16xf32, #tpu.memory_space<vmem>>
    %dma_start3A_437 = tpu.memref_squeeze %dma_start3A_436 : memref<1x128x16xf32, #tpu.memory_space<vmem>> -> memref<128x16xf32, #tpu.memory_space<vmem>>
    %dma_start3A_438 = arith.constant 0 : i32
    %dma_start3A_439 = tpu.memref_slice %arg5[%dma_start3A_432, %dma_start3A_438] : memref<52x128xi32, #tpu.memory_space<vmem>> -> memref<1x128xi32, #tpu.memory_space<vmem>>
    %dma_start3A_440 = tpu.memref_squeeze %dma_start3A_439 : memref<1x128xi32, #tpu.memory_space<vmem>> -> memref<128xi32, #tpu.memory_space<vmem>>
    %dma_start3A_441 = arith.constant 0 : i32
    %dma_start3A_442 = arith.constant 0 : i32
    %dma_start3A_443 = tpu.memref_slice %arg3[%dma_start3A_441, %dma_start3A_442] : memref<5324800x16xf32, #tpu.memory_space<hbm>> -> memref<5324800x16xf32, #tpu.memory_space<hbm>>
    tpu.enqueue_indirect_dma source(%dma_start3A_443 : memref<5324800x16xf32, #tpu.memory_space<hbm>>) target(%dma_start3A_437 : memref<128x16xf32, #tpu.memory_space<vmem>>) offsets(%dma_start3A_440 : memref<128xi32, #tpu.memory_space<vmem>>) semaphore(%arg7 : memref<!tpu.dma_semaphore, #tpu.memory_space<semaphore_mem>>)
    %dma_start3A_444 = arith.constant 37 : i32
    %dma_start3A_445 = arith.constant 37 : i32
    %dma_start3A_446 = arith.constant 0 : i32
    %dma_start3A_447 = arith.constant 0 : i32
    %dma_start3A_448 = tpu.memref_slice %arg6[%dma_start3A_445, %dma_start3A_446, %dma_start3A_447] : memref<52x128x16xf32, #tpu.memory_space<vmem>> -> memref<1x128x16xf32, #tpu.memory_space<vmem>>
    %dma_start3A_449 = tpu.memref_squeeze %dma_start3A_448 : memref<1x128x16xf32, #tpu.memory_space<vmem>> -> memref<128x16xf32, #tpu.memory_space<vmem>>
    %dma_start3A_450 = arith.constant 0 : i32
    %dma_start3A_451 = tpu.memref_slice %arg5[%dma_start3A_444, %dma_start3A_450] : memref<52x128xi32, #tpu.memory_space<vmem>> -> memref<1x128xi32, #tpu.memory_space<vmem>>
    %dma_start3A_452 = tpu.memref_squeeze %dma_start3A_451 : memref<1x128xi32, #tpu.memory_space<vmem>> -> memref<128xi32, #tpu.memory_space<vmem>>
    %dma_start3A_453 = arith.constant 0 : i32
    %dma_start3A_454 = arith.constant 0 : i32
    %dma_start3A_455 = tpu.memref_slice %arg3[%dma_start3A_453, %dma_start3A_454] : memref<5324800x16xf32, #tpu.memory_space<hbm>> -> memref<5324800x16xf32, #tpu.memory_space<hbm>>
    tpu.enqueue_indirect_dma source(%dma_start3A_455 : memref<5324800x16xf32, #tpu.memory_space<hbm>>) target(%dma_start3A_449 : memref<128x16xf32, #tpu.memory_space<vmem>>) offsets(%dma_start3A_452 : memref<128xi32, #tpu.memory_space<vmem>>) semaphore(%arg7 : memref<!tpu.dma_semaphore, #tpu.memory_space<semaphore_mem>>)
    %dma_start3A_456 = arith.constant 38 : i32
    %dma_start3A_457 = arith.constant 38 : i32
    %dma_start3A_458 = arith.constant 0 : i32
    %dma_start3A_459 = arith.constant 0 : i32
    %dma_start3A_460 = tpu.memref_slice %arg6[%dma_start3A_457, %dma_start3A_458, %dma_start3A_459] : memref<52x128x16xf32, #tpu.memory_space<vmem>> -> memref<1x128x16xf32, #tpu.memory_space<vmem>>
    %dma_start3A_461 = tpu.memref_squeeze %dma_start3A_460 : memref<1x128x16xf32, #tpu.memory_space<vmem>> -> memref<128x16xf32, #tpu.memory_space<vmem>>
    %dma_start3A_462 = arith.constant 0 : i32
    %dma_start3A_463 = tpu.memref_slice %arg5[%dma_start3A_456, %dma_start3A_462] : memref<52x128xi32, #tpu.memory_space<vmem>> -> memref<1x128xi32, #tpu.memory_space<vmem>>
    %dma_start3A_464 = tpu.memref_squeeze %dma_start3A_463 : memref<1x128xi32, #tpu.memory_space<vmem>> -> memref<128xi32, #tpu.memory_space<vmem>>
    %dma_start3A_465 = arith.constant 0 : i32
    %dma_start3A_466 = arith.constant 0 : i32
    %dma_start3A_467 = tpu.memref_slice %arg3[%dma_start3A_465, %dma_start3A_466] : memref<5324800x16xf32, #tpu.memory_space<hbm>> -> memref<5324800x16xf32, #tpu.memory_space<hbm>>
    tpu.enqueue_indirect_dma source(%dma_start3A_467 : memref<5324800x16xf32, #tpu.memory_space<hbm>>) target(%dma_start3A_461 : memref<128x16xf32, #tpu.memory_space<vmem>>) offsets(%dma_start3A_464 : memref<128xi32, #tpu.memory_space<vmem>>) semaphore(%arg7 : memref<!tpu.dma_semaphore, #tpu.memory_space<semaphore_mem>>)
    %dma_start3A_468 = arith.constant 39 : i32
    %dma_start3A_469 = arith.constant 39 : i32
    %dma_start3A_470 = arith.constant 0 : i32
    %dma_start3A_471 = arith.constant 0 : i32
    %dma_start3A_472 = tpu.memref_slice %arg6[%dma_start3A_469, %dma_start3A_470, %dma_start3A_471] : memref<52x128x16xf32, #tpu.memory_space<vmem>> -> memref<1x128x16xf32, #tpu.memory_space<vmem>>
    %dma_start3A_473 = tpu.memref_squeeze %dma_start3A_472 : memref<1x128x16xf32, #tpu.memory_space<vmem>> -> memref<128x16xf32, #tpu.memory_space<vmem>>
    %dma_start3A_474 = arith.constant 0 : i32
    %dma_start3A_475 = tpu.memref_slice %arg5[%dma_start3A_468, %dma_start3A_474] : memref<52x128xi32, #tpu.memory_space<vmem>> -> memref<1x128xi32, #tpu.memory_space<vmem>>
    %dma_start3A_476 = tpu.memref_squeeze %dma_start3A_475 : memref<1x128xi32, #tpu.memory_space<vmem>> -> memref<128xi32, #tpu.memory_space<vmem>>
    %dma_start3A_477 = arith.constant 0 : i32
    %dma_start3A_478 = arith.constant 0 : i32
    %dma_start3A_479 = tpu.memref_slice %arg3[%dma_start3A_477, %dma_start3A_478] : memref<5324800x16xf32, #tpu.memory_space<hbm>> -> memref<5324800x16xf32, #tpu.memory_space<hbm>>
    tpu.enqueue_indirect_dma source(%dma_start3A_479 : memref<5324800x16xf32, #tpu.memory_space<hbm>>) target(%dma_start3A_473 : memref<128x16xf32, #tpu.memory_space<vmem>>) offsets(%dma_start3A_476 : memref<128xi32, #tpu.memory_space<vmem>>) semaphore(%arg7 : memref<!tpu.dma_semaphore, #tpu.memory_space<semaphore_mem>>)
    %dma_start3A_480 = arith.constant 40 : i32
    %dma_start3A_481 = arith.constant 40 : i32
    %dma_start3A_482 = arith.constant 0 : i32
    %dma_start3A_483 = arith.constant 0 : i32
    %dma_start3A_484 = tpu.memref_slice %arg6[%dma_start3A_481, %dma_start3A_482, %dma_start3A_483] : memref<52x128x16xf32, #tpu.memory_space<vmem>> -> memref<1x128x16xf32, #tpu.memory_space<vmem>>
    %dma_start3A_485 = tpu.memref_squeeze %dma_start3A_484 : memref<1x128x16xf32, #tpu.memory_space<vmem>> -> memref<128x16xf32, #tpu.memory_space<vmem>>
    %dma_start3A_486 = arith.constant 0 : i32
    %dma_start3A_487 = tpu.memref_slice %arg5[%dma_start3A_480, %dma_start3A_486] : memref<52x128xi32, #tpu.memory_space<vmem>> -> memref<1x128xi32, #tpu.memory_space<vmem>>
    %dma_start3A_488 = tpu.memref_squeeze %dma_start3A_487 : memref<1x128xi32, #tpu.memory_space<vmem>> -> memref<128xi32, #tpu.memory_space<vmem>>
    %dma_start3A_489 = arith.constant 0 : i32
    %dma_start3A_490 = arith.constant 0 : i32
    %dma_start3A_491 = tpu.memref_slice %arg3[%dma_start3A_489, %dma_start3A_490] : memref<5324800x16xf32, #tpu.memory_space<hbm>> -> memref<5324800x16xf32, #tpu.memory_space<hbm>>
    tpu.enqueue_indirect_dma source(%dma_start3A_491 : memref<5324800x16xf32, #tpu.memory_space<hbm>>) target(%dma_start3A_485 : memref<128x16xf32, #tpu.memory_space<vmem>>) offsets(%dma_start3A_488 : memref<128xi32, #tpu.memory_space<vmem>>) semaphore(%arg7 : memref<!tpu.dma_semaphore, #tpu.memory_space<semaphore_mem>>)
    %dma_start3A_492 = arith.constant 41 : i32
    %dma_start3A_493 = arith.constant 41 : i32
    %dma_start3A_494 = arith.constant 0 : i32
    %dma_start3A_495 = arith.constant 0 : i32
    %dma_start3A_496 = tpu.memref_slice %arg6[%dma_start3A_493, %dma_start3A_494, %dma_start3A_495] : memref<52x128x16xf32, #tpu.memory_space<vmem>> -> memref<1x128x16xf32, #tpu.memory_space<vmem>>
    %dma_start3A_497 = tpu.memref_squeeze %dma_start3A_496 : memref<1x128x16xf32, #tpu.memory_space<vmem>> -> memref<128x16xf32, #tpu.memory_space<vmem>>
    %dma_start3A_498 = arith.constant 0 : i32
    %dma_start3A_499 = tpu.memref_slice %arg5[%dma_start3A_492, %dma_start3A_498] : memref<52x128xi32, #tpu.memory_space<vmem>> -> memref<1x128xi32, #tpu.memory_space<vmem>>
    %dma_start3A_500 = tpu.memref_squeeze %dma_start3A_499 : memref<1x128xi32, #tpu.memory_space<vmem>> -> memref<128xi32, #tpu.memory_space<vmem>>
    %dma_start3A_501 = arith.constant 0 : i32
    %dma_start3A_502 = arith.constant 0 : i32
    %dma_start3A_503 = tpu.memref_slice %arg3[%dma_start3A_501, %dma_start3A_502] : memref<5324800x16xf32, #tpu.memory_space<hbm>> -> memref<5324800x16xf32, #tpu.memory_space<hbm>>
    tpu.enqueue_indirect_dma source(%dma_start3A_503 : memref<5324800x16xf32, #tpu.memory_space<hbm>>) target(%dma_start3A_497 : memref<128x16xf32, #tpu.memory_space<vmem>>) offsets(%dma_start3A_500 : memref<128xi32, #tpu.memory_space<vmem>>) semaphore(%arg7 : memref<!tpu.dma_semaphore, #tpu.memory_space<semaphore_mem>>)
    %dma_start3A_504 = arith.constant 42 : i32
    %dma_start3A_505 = arith.constant 42 : i32
    %dma_start3A_506 = arith.constant 0 : i32
    %dma_start3A_507 = arith.constant 0 : i32
    %dma_start3A_508 = tpu.memref_slice %arg6[%dma_start3A_505, %dma_start3A_506, %dma_start3A_507] : memref<52x128x16xf32, #tpu.memory_space<vmem>> -> memref<1x128x16xf32, #tpu.memory_space<vmem>>
    %dma_start3A_509 = tpu.memref_squeeze %dma_start3A_508 : memref<1x128x16xf32, #tpu.memory_space<vmem>> -> memref<128x16xf32, #tpu.memory_space<vmem>>
    %dma_start3A_510 = arith.constant 0 : i32
    %dma_start3A_511 = tpu.memref_slice %arg5[%dma_start3A_504, %dma_start3A_510] : memref<52x128xi32, #tpu.memory_space<vmem>> -> memref<1x128xi32, #tpu.memory_space<vmem>>
    %dma_start3A_512 = tpu.memref_squeeze %dma_start3A_511 : memref<1x128xi32, #tpu.memory_space<vmem>> -> memref<128xi32, #tpu.memory_space<vmem>>
    %dma_start3A_513 = arith.constant 0 : i32
    %dma_start3A_514 = arith.constant 0 : i32
    %dma_start3A_515 = tpu.memref_slice %arg3[%dma_start3A_513, %dma_start3A_514] : memref<5324800x16xf32, #tpu.memory_space<hbm>> -> memref<5324800x16xf32, #tpu.memory_space<hbm>>
    tpu.enqueue_indirect_dma source(%dma_start3A_515 : memref<5324800x16xf32, #tpu.memory_space<hbm>>) target(%dma_start3A_509 : memref<128x16xf32, #tpu.memory_space<vmem>>) offsets(%dma_start3A_512 : memref<128xi32, #tpu.memory_space<vmem>>) semaphore(%arg7 : memref<!tpu.dma_semaphore, #tpu.memory_space<semaphore_mem>>)
    %dma_start3A_516 = arith.constant 43 : i32
    %dma_start3A_517 = arith.constant 43 : i32
    %dma_start3A_518 = arith.constant 0 : i32
    %dma_start3A_519 = arith.constant 0 : i32
    %dma_start3A_520 = tpu.memref_slice %arg6[%dma_start3A_517, %dma_start3A_518, %dma_start3A_519] : memref<52x128x16xf32, #tpu.memory_space<vmem>> -> memref<1x128x16xf32, #tpu.memory_space<vmem>>
    %dma_start3A_521 = tpu.memref_squeeze %dma_start3A_520 : memref<1x128x16xf32, #tpu.memory_space<vmem>> -> memref<128x16xf32, #tpu.memory_space<vmem>>
    %dma_start3A_522 = arith.constant 0 : i32
    %dma_start3A_523 = tpu.memref_slice %arg5[%dma_start3A_516, %dma_start3A_522] : memref<52x128xi32, #tpu.memory_space<vmem>> -> memref<1x128xi32, #tpu.memory_space<vmem>>
    %dma_start3A_524 = tpu.memref_squeeze %dma_start3A_523 : memref<1x128xi32, #tpu.memory_space<vmem>> -> memref<128xi32, #tpu.memory_space<vmem>>
    %dma_start3A_525 = arith.constant 0 : i32
    %dma_start3A_526 = arith.constant 0 : i32
    %dma_start3A_527 = tpu.memref_slice %arg3[%dma_start3A_525, %dma_start3A_526] : memref<5324800x16xf32, #tpu.memory_space<hbm>> -> memref<5324800x16xf32, #tpu.memory_space<hbm>>
    tpu.enqueue_indirect_dma source(%dma_start3A_527 : memref<5324800x16xf32, #tpu.memory_space<hbm>>) target(%dma_start3A_521 : memref<128x16xf32, #tpu.memory_space<vmem>>) offsets(%dma_start3A_524 : memref<128xi32, #tpu.memory_space<vmem>>) semaphore(%arg7 : memref<!tpu.dma_semaphore, #tpu.memory_space<semaphore_mem>>)
    %dma_start3A_528 = arith.constant 44 : i32
    %dma_start3A_529 = arith.constant 44 : i32
    %dma_start3A_530 = arith.constant 0 : i32
    %dma_start3A_531 = arith.constant 0 : i32
    %dma_start3A_532 = tpu.memref_slice %arg6[%dma_start3A_529, %dma_start3A_530, %dma_start3A_531] : memref<52x128x16xf32, #tpu.memory_space<vmem>> -> memref<1x128x16xf32, #tpu.memory_space<vmem>>
    %dma_start3A_533 = tpu.memref_squeeze %dma_start3A_532 : memref<1x128x16xf32, #tpu.memory_space<vmem>> -> memref<128x16xf32, #tpu.memory_space<vmem>>
    %dma_start3A_534 = arith.constant 0 : i32
    %dma_start3A_535 = tpu.memref_slice %arg5[%dma_start3A_528, %dma_start3A_534] : memref<52x128xi32, #tpu.memory_space<vmem>> -> memref<1x128xi32, #tpu.memory_space<vmem>>
    %dma_start3A_536 = tpu.memref_squeeze %dma_start3A_535 : memref<1x128xi32, #tpu.memory_space<vmem>> -> memref<128xi32, #tpu.memory_space<vmem>>
    %dma_start3A_537 = arith.constant 0 : i32
    %dma_start3A_538 = arith.constant 0 : i32
    %dma_start3A_539 = tpu.memref_slice %arg3[%dma_start3A_537, %dma_start3A_538] : memref<5324800x16xf32, #tpu.memory_space<hbm>> -> memref<5324800x16xf32, #tpu.memory_space<hbm>>
    tpu.enqueue_indirect_dma source(%dma_start3A_539 : memref<5324800x16xf32, #tpu.memory_space<hbm>>) target(%dma_start3A_533 : memref<128x16xf32, #tpu.memory_space<vmem>>) offsets(%dma_start3A_536 : memref<128xi32, #tpu.memory_space<vmem>>) semaphore(%arg7 : memref<!tpu.dma_semaphore, #tpu.memory_space<semaphore_mem>>)
    %dma_start3A_540 = arith.constant 45 : i32
    %dma_start3A_541 = arith.constant 45 : i32
    %dma_start3A_542 = arith.constant 0 : i32
    %dma_start3A_543 = arith.constant 0 : i32
    %dma_start3A_544 = tpu.memref_slice %arg6[%dma_start3A_541, %dma_start3A_542, %dma_start3A_543] : memref<52x128x16xf32, #tpu.memory_space<vmem>> -> memref<1x128x16xf32, #tpu.memory_space<vmem>>
    %dma_start3A_545 = tpu.memref_squeeze %dma_start3A_544 : memref<1x128x16xf32, #tpu.memory_space<vmem>> -> memref<128x16xf32, #tpu.memory_space<vmem>>
    %dma_start3A_546 = arith.constant 0 : i32
    %dma_start3A_547 = tpu.memref_slice %arg5[%dma_start3A_540, %dma_start3A_546] : memref<52x128xi32, #tpu.memory_space<vmem>> -> memref<1x128xi32, #tpu.memory_space<vmem>>
    %dma_start3A_548 = tpu.memref_squeeze %dma_start3A_547 : memref<1x128xi32, #tpu.memory_space<vmem>> -> memref<128xi32, #tpu.memory_space<vmem>>
    %dma_start3A_549 = arith.constant 0 : i32
    %dma_start3A_550 = arith.constant 0 : i32
    %dma_start3A_551 = tpu.memref_slice %arg3[%dma_start3A_549, %dma_start3A_550] : memref<5324800x16xf32, #tpu.memory_space<hbm>> -> memref<5324800x16xf32, #tpu.memory_space<hbm>>
    tpu.enqueue_indirect_dma source(%dma_start3A_551 : memref<5324800x16xf32, #tpu.memory_space<hbm>>) target(%dma_start3A_545 : memref<128x16xf32, #tpu.memory_space<vmem>>) offsets(%dma_start3A_548 : memref<128xi32, #tpu.memory_space<vmem>>) semaphore(%arg7 : memref<!tpu.dma_semaphore, #tpu.memory_space<semaphore_mem>>)
    %dma_start3A_552 = arith.constant 46 : i32
    %dma_start3A_553 = arith.constant 46 : i32
    %dma_start3A_554 = arith.constant 0 : i32
    %dma_start3A_555 = arith.constant 0 : i32
    %dma_start3A_556 = tpu.memref_slice %arg6[%dma_start3A_553, %dma_start3A_554, %dma_start3A_555] : memref<52x128x16xf32, #tpu.memory_space<vmem>> -> memref<1x128x16xf32, #tpu.memory_space<vmem>>
    %dma_start3A_557 = tpu.memref_squeeze %dma_start3A_556 : memref<1x128x16xf32, #tpu.memory_space<vmem>> -> memref<128x16xf32, #tpu.memory_space<vmem>>
    %dma_start3A_558 = arith.constant 0 : i32
    %dma_start3A_559 = tpu.memref_slice %arg5[%dma_start3A_552, %dma_start3A_558] : memref<52x128xi32, #tpu.memory_space<vmem>> -> memref<1x128xi32, #tpu.memory_space<vmem>>
    %dma_start3A_560 = tpu.memref_squeeze %dma_start3A_559 : memref<1x128xi32, #tpu.memory_space<vmem>> -> memref<128xi32, #tpu.memory_space<vmem>>
    %dma_start3A_561 = arith.constant 0 : i32
    %dma_start3A_562 = arith.constant 0 : i32
    %dma_start3A_563 = tpu.memref_slice %arg3[%dma_start3A_561, %dma_start3A_562] : memref<5324800x16xf32, #tpu.memory_space<hbm>> -> memref<5324800x16xf32, #tpu.memory_space<hbm>>
    tpu.enqueue_indirect_dma source(%dma_start3A_563 : memref<5324800x16xf32, #tpu.memory_space<hbm>>) target(%dma_start3A_557 : memref<128x16xf32, #tpu.memory_space<vmem>>) offsets(%dma_start3A_560 : memref<128xi32, #tpu.memory_space<vmem>>) semaphore(%arg7 : memref<!tpu.dma_semaphore, #tpu.memory_space<semaphore_mem>>)
    %dma_start3A_564 = arith.constant 47 : i32
    %dma_start3A_565 = arith.constant 47 : i32
    %dma_start3A_566 = arith.constant 0 : i32
    %dma_start3A_567 = arith.constant 0 : i32
    %dma_start3A_568 = tpu.memref_slice %arg6[%dma_start3A_565, %dma_start3A_566, %dma_start3A_567] : memref<52x128x16xf32, #tpu.memory_space<vmem>> -> memref<1x128x16xf32, #tpu.memory_space<vmem>>
    %dma_start3A_569 = tpu.memref_squeeze %dma_start3A_568 : memref<1x128x16xf32, #tpu.memory_space<vmem>> -> memref<128x16xf32, #tpu.memory_space<vmem>>
    %dma_start3A_570 = arith.constant 0 : i32
    %dma_start3A_571 = tpu.memref_slice %arg5[%dma_start3A_564, %dma_start3A_570] : memref<52x128xi32, #tpu.memory_space<vmem>> -> memref<1x128xi32, #tpu.memory_space<vmem>>
    %dma_start3A_572 = tpu.memref_squeeze %dma_start3A_571 : memref<1x128xi32, #tpu.memory_space<vmem>> -> memref<128xi32, #tpu.memory_space<vmem>>
    %dma_start3A_573 = arith.constant 0 : i32
    %dma_start3A_574 = arith.constant 0 : i32
    %dma_start3A_575 = tpu.memref_slice %arg3[%dma_start3A_573, %dma_start3A_574] : memref<5324800x16xf32, #tpu.memory_space<hbm>> -> memref<5324800x16xf32, #tpu.memory_space<hbm>>
    tpu.enqueue_indirect_dma source(%dma_start3A_575 : memref<5324800x16xf32, #tpu.memory_space<hbm>>) target(%dma_start3A_569 : memref<128x16xf32, #tpu.memory_space<vmem>>) offsets(%dma_start3A_572 : memref<128xi32, #tpu.memory_space<vmem>>) semaphore(%arg7 : memref<!tpu.dma_semaphore, #tpu.memory_space<semaphore_mem>>)
    %dma_start3A_576 = arith.constant 48 : i32
    %dma_start3A_577 = arith.constant 48 : i32
    %dma_start3A_578 = arith.constant 0 : i32
    %dma_start3A_579 = arith.constant 0 : i32
    %dma_start3A_580 = tpu.memref_slice %arg6[%dma_start3A_577, %dma_start3A_578, %dma_start3A_579] : memref<52x128x16xf32, #tpu.memory_space<vmem>> -> memref<1x128x16xf32, #tpu.memory_space<vmem>>
    %dma_start3A_581 = tpu.memref_squeeze %dma_start3A_580 : memref<1x128x16xf32, #tpu.memory_space<vmem>> -> memref<128x16xf32, #tpu.memory_space<vmem>>
    %dma_start3A_582 = arith.constant 0 : i32
    %dma_start3A_583 = tpu.memref_slice %arg5[%dma_start3A_576, %dma_start3A_582] : memref<52x128xi32, #tpu.memory_space<vmem>> -> memref<1x128xi32, #tpu.memory_space<vmem>>
    %dma_start3A_584 = tpu.memref_squeeze %dma_start3A_583 : memref<1x128xi32, #tpu.memory_space<vmem>> -> memref<128xi32, #tpu.memory_space<vmem>>
    %dma_start3A_585 = arith.constant 0 : i32
    %dma_start3A_586 = arith.constant 0 : i32
    %dma_start3A_587 = tpu.memref_slice %arg3[%dma_start3A_585, %dma_start3A_586] : memref<5324800x16xf32, #tpu.memory_space<hbm>> -> memref<5324800x16xf32, #tpu.memory_space<hbm>>
    tpu.enqueue_indirect_dma source(%dma_start3A_587 : memref<5324800x16xf32, #tpu.memory_space<hbm>>) target(%dma_start3A_581 : memref<128x16xf32, #tpu.memory_space<vmem>>) offsets(%dma_start3A_584 : memref<128xi32, #tpu.memory_space<vmem>>) semaphore(%arg7 : memref<!tpu.dma_semaphore, #tpu.memory_space<semaphore_mem>>)
    %dma_start3A_588 = arith.constant 49 : i32
    %dma_start3A_589 = arith.constant 49 : i32
    %dma_start3A_590 = arith.constant 0 : i32
    %dma_start3A_591 = arith.constant 0 : i32
    %dma_start3A_592 = tpu.memref_slice %arg6[%dma_start3A_589, %dma_start3A_590, %dma_start3A_591] : memref<52x128x16xf32, #tpu.memory_space<vmem>> -> memref<1x128x16xf32, #tpu.memory_space<vmem>>
    %dma_start3A_593 = tpu.memref_squeeze %dma_start3A_592 : memref<1x128x16xf32, #tpu.memory_space<vmem>> -> memref<128x16xf32, #tpu.memory_space<vmem>>
    %dma_start3A_594 = arith.constant 0 : i32
    %dma_start3A_595 = tpu.memref_slice %arg5[%dma_start3A_588, %dma_start3A_594] : memref<52x128xi32, #tpu.memory_space<vmem>> -> memref<1x128xi32, #tpu.memory_space<vmem>>
    %dma_start3A_596 = tpu.memref_squeeze %dma_start3A_595 : memref<1x128xi32, #tpu.memory_space<vmem>> -> memref<128xi32, #tpu.memory_space<vmem>>
    %dma_start3A_597 = arith.constant 0 : i32
    %dma_start3A_598 = arith.constant 0 : i32
    %dma_start3A_599 = tpu.memref_slice %arg3[%dma_start3A_597, %dma_start3A_598] : memref<5324800x16xf32, #tpu.memory_space<hbm>> -> memref<5324800x16xf32, #tpu.memory_space<hbm>>
    tpu.enqueue_indirect_dma source(%dma_start3A_599 : memref<5324800x16xf32, #tpu.memory_space<hbm>>) target(%dma_start3A_593 : memref<128x16xf32, #tpu.memory_space<vmem>>) offsets(%dma_start3A_596 : memref<128xi32, #tpu.memory_space<vmem>>) semaphore(%arg7 : memref<!tpu.dma_semaphore, #tpu.memory_space<semaphore_mem>>)
    %dma_start3A_600 = arith.constant 50 : i32
    %dma_start3A_601 = arith.constant 50 : i32
    %dma_start3A_602 = arith.constant 0 : i32
    %dma_start3A_603 = arith.constant 0 : i32
    %dma_start3A_604 = tpu.memref_slice %arg6[%dma_start3A_601, %dma_start3A_602, %dma_start3A_603] : memref<52x128x16xf32, #tpu.memory_space<vmem>> -> memref<1x128x16xf32, #tpu.memory_space<vmem>>
    %dma_start3A_605 = tpu.memref_squeeze %dma_start3A_604 : memref<1x128x16xf32, #tpu.memory_space<vmem>> -> memref<128x16xf32, #tpu.memory_space<vmem>>
    %dma_start3A_606 = arith.constant 0 : i32
    %dma_start3A_607 = tpu.memref_slice %arg5[%dma_start3A_600, %dma_start3A_606] : memref<52x128xi32, #tpu.memory_space<vmem>> -> memref<1x128xi32, #tpu.memory_space<vmem>>
    %dma_start3A_608 = tpu.memref_squeeze %dma_start3A_607 : memref<1x128xi32, #tpu.memory_space<vmem>> -> memref<128xi32, #tpu.memory_space<vmem>>
    %dma_start3A_609 = arith.constant 0 : i32
    %dma_start3A_610 = arith.constant 0 : i32
    %dma_start3A_611 = tpu.memref_slice %arg3[%dma_start3A_609, %dma_start3A_610] : memref<5324800x16xf32, #tpu.memory_space<hbm>> -> memref<5324800x16xf32, #tpu.memory_space<hbm>>
    tpu.enqueue_indirect_dma source(%dma_start3A_611 : memref<5324800x16xf32, #tpu.memory_space<hbm>>) target(%dma_start3A_605 : memref<128x16xf32, #tpu.memory_space<vmem>>) offsets(%dma_start3A_608 : memref<128xi32, #tpu.memory_space<vmem>>) semaphore(%arg7 : memref<!tpu.dma_semaphore, #tpu.memory_space<semaphore_mem>>)
    %dma_start3A_612 = arith.constant 51 : i32
    %dma_start3A_613 = arith.constant 51 : i32
    %dma_start3A_614 = arith.constant 0 : i32
    %dma_start3A_615 = arith.constant 0 : i32
    %dma_start3A_616 = tpu.memref_slice %arg6[%dma_start3A_613, %dma_start3A_614, %dma_start3A_615] : memref<52x128x16xf32, #tpu.memory_space<vmem>> -> memref<1x128x16xf32, #tpu.memory_space<vmem>>
    %dma_start3A_617 = tpu.memref_squeeze %dma_start3A_616 : memref<1x128x16xf32, #tpu.memory_space<vmem>> -> memref<128x16xf32, #tpu.memory_space<vmem>>
    %dma_start3A_618 = arith.constant 0 : i32
    %dma_start3A_619 = tpu.memref_slice %arg5[%dma_start3A_612, %dma_start3A_618] : memref<52x128xi32, #tpu.memory_space<vmem>> -> memref<1x128xi32, #tpu.memory_space<vmem>>
    %dma_start3A_620 = tpu.memref_squeeze %dma_start3A_619 : memref<1x128xi32, #tpu.memory_space<vmem>> -> memref<128xi32, #tpu.memory_space<vmem>>
    %dma_start3A_621 = arith.constant 0 : i32
    %dma_start3A_622 = arith.constant 0 : i32
    %dma_start3A_623 = tpu.memref_slice %arg3[%dma_start3A_621, %dma_start3A_622] : memref<5324800x16xf32, #tpu.memory_space<hbm>> -> memref<5324800x16xf32, #tpu.memory_space<hbm>>
    tpu.enqueue_indirect_dma source(%dma_start3A_623 : memref<5324800x16xf32, #tpu.memory_space<hbm>>) target(%dma_start3A_617 : memref<128x16xf32, #tpu.memory_space<vmem>>) offsets(%dma_start3A_620 : memref<128xi32, #tpu.memory_space<vmem>>) semaphore(%arg7 : memref<!tpu.dma_semaphore, #tpu.memory_space<semaphore_mem>>)
    %dma_wait3A = arith.constant 0 : i32
    %dma_wait3A_624 = arith.constant 0 : i32
    %dma_wait3A_625 = arith.constant 0 : i32
    %dma_wait3A_626 = arith.constant 0 : i32
    %dma_wait3A_627 = tpu.memref_slice %arg6[%dma_wait3A_624, %dma_wait3A_625, %dma_wait3A_626] : memref<52x128x16xf32, #tpu.memory_space<vmem>> -> memref<1x128x16xf32, #tpu.memory_space<vmem>>
    %dma_wait3A_628 = tpu.memref_squeeze %dma_wait3A_627 : memref<1x128x16xf32, #tpu.memory_space<vmem>> -> memref<128x16xf32, #tpu.memory_space<vmem>>
    %dma_wait3A_629 = arith.constant 0 : i32
    %dma_wait3A_630 = tpu.memref_slice %arg5[%dma_wait3A, %dma_wait3A_629] : memref<52x128xi32, #tpu.memory_space<vmem>> -> memref<1x128xi32, #tpu.memory_space<vmem>>
    %dma_wait3A_631 = tpu.memref_squeeze %dma_wait3A_630 : memref<1x128xi32, #tpu.memory_space<vmem>> -> memref<128xi32, #tpu.memory_space<vmem>>
    %dma_wait3A_632 = arith.constant 0 : i32
    %dma_wait3A_633 = arith.constant 0 : i32
    %dma_wait3A_634 = tpu.memref_slice %arg3[%dma_wait3A_632, %dma_wait3A_633] : memref<5324800x16xf32, #tpu.memory_space<hbm>> -> memref<5324800x16xf32, #tpu.memory_space<hbm>>
    tpu.wait_indirect_dma semaphore(%arg7 : memref<!tpu.dma_semaphore, #tpu.memory_space<semaphore_mem>>) src(%dma_wait3A_634 : memref<5324800x16xf32, #tpu.memory_space<hbm>>) dst(%dma_wait3A_628 : memref<128x16xf32, #tpu.memory_space<vmem>>)
    %dma_wait3A_635 = arith.constant 1 : i32
    %dma_wait3A_636 = arith.constant 1 : i32
    %dma_wait3A_637 = arith.constant 0 : i32
    %dma_wait3A_638 = arith.constant 0 : i32
    %dma_wait3A_639 = tpu.memref_slice %arg6[%dma_wait3A_636, %dma_wait3A_637, %dma_wait3A_638] : memref<52x128x16xf32, #tpu.memory_space<vmem>> -> memref<1x128x16xf32, #tpu.memory_space<vmem>>
    %dma_wait3A_640 = tpu.memref_squeeze %dma_wait3A_639 : memref<1x128x16xf32, #tpu.memory_space<vmem>> -> memref<128x16xf32, #tpu.memory_space<vmem>>
    %dma_wait3A_641 = arith.constant 0 : i32
    %dma_wait3A_642 = tpu.memref_slice %arg5[%dma_wait3A_635, %dma_wait3A_641] : memref<52x128xi32, #tpu.memory_space<vmem>> -> memref<1x128xi32, #tpu.memory_space<vmem>>
    %dma_wait3A_643 = tpu.memref_squeeze %dma_wait3A_642 : memref<1x128xi32, #tpu.memory_space<vmem>> -> memref<128xi32, #tpu.memory_space<vmem>>
    %dma_wait3A_644 = arith.constant 0 : i32
    %dma_wait3A_645 = arith.constant 0 : i32
    %dma_wait3A_646 = tpu.memref_slice %arg3[%dma_wait3A_644, %dma_wait3A_645] : memref<5324800x16xf32, #tpu.memory_space<hbm>> -> memref<5324800x16xf32, #tpu.memory_space<hbm>>
    tpu.wait_indirect_dma semaphore(%arg7 : memref<!tpu.dma_semaphore, #tpu.memory_space<semaphore_mem>>) src(%dma_wait3A_646 : memref<5324800x16xf32, #tpu.memory_space<hbm>>) dst(%dma_wait3A_640 : memref<128x16xf32, #tpu.memory_space<vmem>>)
    %dma_wait3A_647 = arith.constant 2 : i32
    %dma_wait3A_648 = arith.constant 2 : i32
    %dma_wait3A_649 = arith.constant 0 : i32
    %dma_wait3A_650 = arith.constant 0 : i32
    %dma_wait3A_651 = tpu.memref_slice %arg6[%dma_wait3A_648, %dma_wait3A_649, %dma_wait3A_650] : memref<52x128x16xf32, #tpu.memory_space<vmem>> -> memref<1x128x16xf32, #tpu.memory_space<vmem>>
    %dma_wait3A_652 = tpu.memref_squeeze %dma_wait3A_651 : memref<1x128x16xf32, #tpu.memory_space<vmem>> -> memref<128x16xf32, #tpu.memory_space<vmem>>
    %dma_wait3A_653 = arith.constant 0 : i32
    %dma_wait3A_654 = tpu.memref_slice %arg5[%dma_wait3A_647, %dma_wait3A_653] : memref<52x128xi32, #tpu.memory_space<vmem>> -> memref<1x128xi32, #tpu.memory_space<vmem>>
    %dma_wait3A_655 = tpu.memref_squeeze %dma_wait3A_654 : memref<1x128xi32, #tpu.memory_space<vmem>> -> memref<128xi32, #tpu.memory_space<vmem>>
    %dma_wait3A_656 = arith.constant 0 : i32
    %dma_wait3A_657 = arith.constant 0 : i32
    %dma_wait3A_658 = tpu.memref_slice %arg3[%dma_wait3A_656, %dma_wait3A_657] : memref<5324800x16xf32, #tpu.memory_space<hbm>> -> memref<5324800x16xf32, #tpu.memory_space<hbm>>
    tpu.wait_indirect_dma semaphore(%arg7 : memref<!tpu.dma_semaphore, #tpu.memory_space<semaphore_mem>>) src(%dma_wait3A_658 : memref<5324800x16xf32, #tpu.memory_space<hbm>>) dst(%dma_wait3A_652 : memref<128x16xf32, #tpu.memory_space<vmem>>)
    %dma_wait3A_659 = arith.constant 3 : i32
    %dma_wait3A_660 = arith.constant 3 : i32
    %dma_wait3A_661 = arith.constant 0 : i32
    %dma_wait3A_662 = arith.constant 0 : i32
    %dma_wait3A_663 = tpu.memref_slice %arg6[%dma_wait3A_660, %dma_wait3A_661, %dma_wait3A_662] : memref<52x128x16xf32, #tpu.memory_space<vmem>> -> memref<1x128x16xf32, #tpu.memory_space<vmem>>
    %dma_wait3A_664 = tpu.memref_squeeze %dma_wait3A_663 : memref<1x128x16xf32, #tpu.memory_space<vmem>> -> memref<128x16xf32, #tpu.memory_space<vmem>>
    %dma_wait3A_665 = arith.constant 0 : i32
    %dma_wait3A_666 = tpu.memref_slice %arg5[%dma_wait3A_659, %dma_wait3A_665] : memref<52x128xi32, #tpu.memory_space<vmem>> -> memref<1x128xi32, #tpu.memory_space<vmem>>
    %dma_wait3A_667 = tpu.memref_squeeze %dma_wait3A_666 : memref<1x128xi32, #tpu.memory_space<vmem>> -> memref<128xi32, #tpu.memory_space<vmem>>
    %dma_wait3A_668 = arith.constant 0 : i32
    %dma_wait3A_669 = arith.constant 0 : i32
    %dma_wait3A_670 = tpu.memref_slice %arg3[%dma_wait3A_668, %dma_wait3A_669] : memref<5324800x16xf32, #tpu.memory_space<hbm>> -> memref<5324800x16xf32, #tpu.memory_space<hbm>>
    tpu.wait_indirect_dma semaphore(%arg7 : memref<!tpu.dma_semaphore, #tpu.memory_space<semaphore_mem>>) src(%dma_wait3A_670 : memref<5324800x16xf32, #tpu.memory_space<hbm>>) dst(%dma_wait3A_664 : memref<128x16xf32, #tpu.memory_space<vmem>>)
    %dma_wait3A_671 = arith.constant 4 : i32
    %dma_wait3A_672 = arith.constant 4 : i32
    %dma_wait3A_673 = arith.constant 0 : i32
    %dma_wait3A_674 = arith.constant 0 : i32
    %dma_wait3A_675 = tpu.memref_slice %arg6[%dma_wait3A_672, %dma_wait3A_673, %dma_wait3A_674] : memref<52x128x16xf32, #tpu.memory_space<vmem>> -> memref<1x128x16xf32, #tpu.memory_space<vmem>>
    %dma_wait3A_676 = tpu.memref_squeeze %dma_wait3A_675 : memref<1x128x16xf32, #tpu.memory_space<vmem>> -> memref<128x16xf32, #tpu.memory_space<vmem>>
    %dma_wait3A_677 = arith.constant 0 : i32
    %dma_wait3A_678 = tpu.memref_slice %arg5[%dma_wait3A_671, %dma_wait3A_677] : memref<52x128xi32, #tpu.memory_space<vmem>> -> memref<1x128xi32, #tpu.memory_space<vmem>>
    %dma_wait3A_679 = tpu.memref_squeeze %dma_wait3A_678 : memref<1x128xi32, #tpu.memory_space<vmem>> -> memref<128xi32, #tpu.memory_space<vmem>>
    %dma_wait3A_680 = arith.constant 0 : i32
    %dma_wait3A_681 = arith.constant 0 : i32
    %dma_wait3A_682 = tpu.memref_slice %arg3[%dma_wait3A_680, %dma_wait3A_681] : memref<5324800x16xf32, #tpu.memory_space<hbm>> -> memref<5324800x16xf32, #tpu.memory_space<hbm>>
    tpu.wait_indirect_dma semaphore(%arg7 : memref<!tpu.dma_semaphore, #tpu.memory_space<semaphore_mem>>) src(%dma_wait3A_682 : memref<5324800x16xf32, #tpu.memory_space<hbm>>) dst(%dma_wait3A_676 : memref<128x16xf32, #tpu.memory_space<vmem>>)
    %dma_wait3A_683 = arith.constant 5 : i32
    %dma_wait3A_684 = arith.constant 5 : i32
    %dma_wait3A_685 = arith.constant 0 : i32
    %dma_wait3A_686 = arith.constant 0 : i32
    %dma_wait3A_687 = tpu.memref_slice %arg6[%dma_wait3A_684, %dma_wait3A_685, %dma_wait3A_686] : memref<52x128x16xf32, #tpu.memory_space<vmem>> -> memref<1x128x16xf32, #tpu.memory_space<vmem>>
    %dma_wait3A_688 = tpu.memref_squeeze %dma_wait3A_687 : memref<1x128x16xf32, #tpu.memory_space<vmem>> -> memref<128x16xf32, #tpu.memory_space<vmem>>
    %dma_wait3A_689 = arith.constant 0 : i32
    %dma_wait3A_690 = tpu.memref_slice %arg5[%dma_wait3A_683, %dma_wait3A_689] : memref<52x128xi32, #tpu.memory_space<vmem>> -> memref<1x128xi32, #tpu.memory_space<vmem>>
    %dma_wait3A_691 = tpu.memref_squeeze %dma_wait3A_690 : memref<1x128xi32, #tpu.memory_space<vmem>> -> memref<128xi32, #tpu.memory_space<vmem>>
    %dma_wait3A_692 = arith.constant 0 : i32
    %dma_wait3A_693 = arith.constant 0 : i32
    %dma_wait3A_694 = tpu.memref_slice %arg3[%dma_wait3A_692, %dma_wait3A_693] : memref<5324800x16xf32, #tpu.memory_space<hbm>> -> memref<5324800x16xf32, #tpu.memory_space<hbm>>
    tpu.wait_indirect_dma semaphore(%arg7 : memref<!tpu.dma_semaphore, #tpu.memory_space<semaphore_mem>>) src(%dma_wait3A_694 : memref<5324800x16xf32, #tpu.memory_space<hbm>>) dst(%dma_wait3A_688 : memref<128x16xf32, #tpu.memory_space<vmem>>)
    %dma_wait3A_695 = arith.constant 6 : i32
    %dma_wait3A_696 = arith.constant 6 : i32
    %dma_wait3A_697 = arith.constant 0 : i32
    %dma_wait3A_698 = arith.constant 0 : i32
    %dma_wait3A_699 = tpu.memref_slice %arg6[%dma_wait3A_696, %dma_wait3A_697, %dma_wait3A_698] : memref<52x128x16xf32, #tpu.memory_space<vmem>> -> memref<1x128x16xf32, #tpu.memory_space<vmem>>
    %dma_wait3A_700 = tpu.memref_squeeze %dma_wait3A_699 : memref<1x128x16xf32, #tpu.memory_space<vmem>> -> memref<128x16xf32, #tpu.memory_space<vmem>>
    %dma_wait3A_701 = arith.constant 0 : i32
    %dma_wait3A_702 = tpu.memref_slice %arg5[%dma_wait3A_695, %dma_wait3A_701] : memref<52x128xi32, #tpu.memory_space<vmem>> -> memref<1x128xi32, #tpu.memory_space<vmem>>
    %dma_wait3A_703 = tpu.memref_squeeze %dma_wait3A_702 : memref<1x128xi32, #tpu.memory_space<vmem>> -> memref<128xi32, #tpu.memory_space<vmem>>
    %dma_wait3A_704 = arith.constant 0 : i32
    %dma_wait3A_705 = arith.constant 0 : i32
    %dma_wait3A_706 = tpu.memref_slice %arg3[%dma_wait3A_704, %dma_wait3A_705] : memref<5324800x16xf32, #tpu.memory_space<hbm>> -> memref<5324800x16xf32, #tpu.memory_space<hbm>>
    tpu.wait_indirect_dma semaphore(%arg7 : memref<!tpu.dma_semaphore, #tpu.memory_space<semaphore_mem>>) src(%dma_wait3A_706 : memref<5324800x16xf32, #tpu.memory_space<hbm>>) dst(%dma_wait3A_700 : memref<128x16xf32, #tpu.memory_space<vmem>>)
    %dma_wait3A_707 = arith.constant 7 : i32
    %dma_wait3A_708 = arith.constant 7 : i32
    %dma_wait3A_709 = arith.constant 0 : i32
    %dma_wait3A_710 = arith.constant 0 : i32
    %dma_wait3A_711 = tpu.memref_slice %arg6[%dma_wait3A_708, %dma_wait3A_709, %dma_wait3A_710] : memref<52x128x16xf32, #tpu.memory_space<vmem>> -> memref<1x128x16xf32, #tpu.memory_space<vmem>>
    %dma_wait3A_712 = tpu.memref_squeeze %dma_wait3A_711 : memref<1x128x16xf32, #tpu.memory_space<vmem>> -> memref<128x16xf32, #tpu.memory_space<vmem>>
    %dma_wait3A_713 = arith.constant 0 : i32
    %dma_wait3A_714 = tpu.memref_slice %arg5[%dma_wait3A_707, %dma_wait3A_713] : memref<52x128xi32, #tpu.memory_space<vmem>> -> memref<1x128xi32, #tpu.memory_space<vmem>>
    %dma_wait3A_715 = tpu.memref_squeeze %dma_wait3A_714 : memref<1x128xi32, #tpu.memory_space<vmem>> -> memref<128xi32, #tpu.memory_space<vmem>>
    %dma_wait3A_716 = arith.constant 0 : i32
    %dma_wait3A_717 = arith.constant 0 : i32
    %dma_wait3A_718 = tpu.memref_slice %arg3[%dma_wait3A_716, %dma_wait3A_717] : memref<5324800x16xf32, #tpu.memory_space<hbm>> -> memref<5324800x16xf32, #tpu.memory_space<hbm>>
    tpu.wait_indirect_dma semaphore(%arg7 : memref<!tpu.dma_semaphore, #tpu.memory_space<semaphore_mem>>) src(%dma_wait3A_718 : memref<5324800x16xf32, #tpu.memory_space<hbm>>) dst(%dma_wait3A_712 : memref<128x16xf32, #tpu.memory_space<vmem>>)
    %dma_wait3A_719 = arith.constant 8 : i32
    %dma_wait3A_720 = arith.constant 8 : i32
    %dma_wait3A_721 = arith.constant 0 : i32
    %dma_wait3A_722 = arith.constant 0 : i32
    %dma_wait3A_723 = tpu.memref_slice %arg6[%dma_wait3A_720, %dma_wait3A_721, %dma_wait3A_722] : memref<52x128x16xf32, #tpu.memory_space<vmem>> -> memref<1x128x16xf32, #tpu.memory_space<vmem>>
    %dma_wait3A_724 = tpu.memref_squeeze %dma_wait3A_723 : memref<1x128x16xf32, #tpu.memory_space<vmem>> -> memref<128x16xf32, #tpu.memory_space<vmem>>
    %dma_wait3A_725 = arith.constant 0 : i32
    %dma_wait3A_726 = tpu.memref_slice %arg5[%dma_wait3A_719, %dma_wait3A_725] : memref<52x128xi32, #tpu.memory_space<vmem>> -> memref<1x128xi32, #tpu.memory_space<vmem>>
    %dma_wait3A_727 = tpu.memref_squeeze %dma_wait3A_726 : memref<1x128xi32, #tpu.memory_space<vmem>> -> memref<128xi32, #tpu.memory_space<vmem>>
    %dma_wait3A_728 = arith.constant 0 : i32
    %dma_wait3A_729 = arith.constant 0 : i32
    %dma_wait3A_730 = tpu.memref_slice %arg3[%dma_wait3A_728, %dma_wait3A_729] : memref<5324800x16xf32, #tpu.memory_space<hbm>> -> memref<5324800x16xf32, #tpu.memory_space<hbm>>
    tpu.wait_indirect_dma semaphore(%arg7 : memref<!tpu.dma_semaphore, #tpu.memory_space<semaphore_mem>>) src(%dma_wait3A_730 : memref<5324800x16xf32, #tpu.memory_space<hbm>>) dst(%dma_wait3A_724 : memref<128x16xf32, #tpu.memory_space<vmem>>)
    %dma_wait3A_731 = arith.constant 9 : i32
    %dma_wait3A_732 = arith.constant 9 : i32
    %dma_wait3A_733 = arith.constant 0 : i32
    %dma_wait3A_734 = arith.constant 0 : i32
    %dma_wait3A_735 = tpu.memref_slice %arg6[%dma_wait3A_732, %dma_wait3A_733, %dma_wait3A_734] : memref<52x128x16xf32, #tpu.memory_space<vmem>> -> memref<1x128x16xf32, #tpu.memory_space<vmem>>
    %dma_wait3A_736 = tpu.memref_squeeze %dma_wait3A_735 : memref<1x128x16xf32, #tpu.memory_space<vmem>> -> memref<128x16xf32, #tpu.memory_space<vmem>>
    %dma_wait3A_737 = arith.constant 0 : i32
    %dma_wait3A_738 = tpu.memref_slice %arg5[%dma_wait3A_731, %dma_wait3A_737] : memref<52x128xi32, #tpu.memory_space<vmem>> -> memref<1x128xi32, #tpu.memory_space<vmem>>
    %dma_wait3A_739 = tpu.memref_squeeze %dma_wait3A_738 : memref<1x128xi32, #tpu.memory_space<vmem>> -> memref<128xi32, #tpu.memory_space<vmem>>
    %dma_wait3A_740 = arith.constant 0 : i32
    %dma_wait3A_741 = arith.constant 0 : i32
    %dma_wait3A_742 = tpu.memref_slice %arg3[%dma_wait3A_740, %dma_wait3A_741] : memref<5324800x16xf32, #tpu.memory_space<hbm>> -> memref<5324800x16xf32, #tpu.memory_space<hbm>>
    tpu.wait_indirect_dma semaphore(%arg7 : memref<!tpu.dma_semaphore, #tpu.memory_space<semaphore_mem>>) src(%dma_wait3A_742 : memref<5324800x16xf32, #tpu.memory_space<hbm>>) dst(%dma_wait3A_736 : memref<128x16xf32, #tpu.memory_space<vmem>>)
    %dma_wait3A_743 = arith.constant 10 : i32
    %dma_wait3A_744 = arith.constant 10 : i32
    %dma_wait3A_745 = arith.constant 0 : i32
    %dma_wait3A_746 = arith.constant 0 : i32
    %dma_wait3A_747 = tpu.memref_slice %arg6[%dma_wait3A_744, %dma_wait3A_745, %dma_wait3A_746] : memref<52x128x16xf32, #tpu.memory_space<vmem>> -> memref<1x128x16xf32, #tpu.memory_space<vmem>>
    %dma_wait3A_748 = tpu.memref_squeeze %dma_wait3A_747 : memref<1x128x16xf32, #tpu.memory_space<vmem>> -> memref<128x16xf32, #tpu.memory_space<vmem>>
    %dma_wait3A_749 = arith.constant 0 : i32
    %dma_wait3A_750 = tpu.memref_slice %arg5[%dma_wait3A_743, %dma_wait3A_749] : memref<52x128xi32, #tpu.memory_space<vmem>> -> memref<1x128xi32, #tpu.memory_space<vmem>>
    %dma_wait3A_751 = tpu.memref_squeeze %dma_wait3A_750 : memref<1x128xi32, #tpu.memory_space<vmem>> -> memref<128xi32, #tpu.memory_space<vmem>>
    %dma_wait3A_752 = arith.constant 0 : i32
    %dma_wait3A_753 = arith.constant 0 : i32
    %dma_wait3A_754 = tpu.memref_slice %arg3[%dma_wait3A_752, %dma_wait3A_753] : memref<5324800x16xf32, #tpu.memory_space<hbm>> -> memref<5324800x16xf32, #tpu.memory_space<hbm>>
    tpu.wait_indirect_dma semaphore(%arg7 : memref<!tpu.dma_semaphore, #tpu.memory_space<semaphore_mem>>) src(%dma_wait3A_754 : memref<5324800x16xf32, #tpu.memory_space<hbm>>) dst(%dma_wait3A_748 : memref<128x16xf32, #tpu.memory_space<vmem>>)
    %dma_wait3A_755 = arith.constant 11 : i32
    %dma_wait3A_756 = arith.constant 11 : i32
    %dma_wait3A_757 = arith.constant 0 : i32
    %dma_wait3A_758 = arith.constant 0 : i32
    %dma_wait3A_759 = tpu.memref_slice %arg6[%dma_wait3A_756, %dma_wait3A_757, %dma_wait3A_758] : memref<52x128x16xf32, #tpu.memory_space<vmem>> -> memref<1x128x16xf32, #tpu.memory_space<vmem>>
    %dma_wait3A_760 = tpu.memref_squeeze %dma_wait3A_759 : memref<1x128x16xf32, #tpu.memory_space<vmem>> -> memref<128x16xf32, #tpu.memory_space<vmem>>
    %dma_wait3A_761 = arith.constant 0 : i32
    %dma_wait3A_762 = tpu.memref_slice %arg5[%dma_wait3A_755, %dma_wait3A_761] : memref<52x128xi32, #tpu.memory_space<vmem>> -> memref<1x128xi32, #tpu.memory_space<vmem>>
    %dma_wait3A_763 = tpu.memref_squeeze %dma_wait3A_762 : memref<1x128xi32, #tpu.memory_space<vmem>> -> memref<128xi32, #tpu.memory_space<vmem>>
    %dma_wait3A_764 = arith.constant 0 : i32
    %dma_wait3A_765 = arith.constant 0 : i32
    %dma_wait3A_766 = tpu.memref_slice %arg3[%dma_wait3A_764, %dma_wait3A_765] : memref<5324800x16xf32, #tpu.memory_space<hbm>> -> memref<5324800x16xf32, #tpu.memory_space<hbm>>
    tpu.wait_indirect_dma semaphore(%arg7 : memref<!tpu.dma_semaphore, #tpu.memory_space<semaphore_mem>>) src(%dma_wait3A_766 : memref<5324800x16xf32, #tpu.memory_space<hbm>>) dst(%dma_wait3A_760 : memref<128x16xf32, #tpu.memory_space<vmem>>)
    %dma_wait3A_767 = arith.constant 12 : i32
    %dma_wait3A_768 = arith.constant 12 : i32
    %dma_wait3A_769 = arith.constant 0 : i32
    %dma_wait3A_770 = arith.constant 0 : i32
    %dma_wait3A_771 = tpu.memref_slice %arg6[%dma_wait3A_768, %dma_wait3A_769, %dma_wait3A_770] : memref<52x128x16xf32, #tpu.memory_space<vmem>> -> memref<1x128x16xf32, #tpu.memory_space<vmem>>
    %dma_wait3A_772 = tpu.memref_squeeze %dma_wait3A_771 : memref<1x128x16xf32, #tpu.memory_space<vmem>> -> memref<128x16xf32, #tpu.memory_space<vmem>>
    %dma_wait3A_773 = arith.constant 0 : i32
    %dma_wait3A_774 = tpu.memref_slice %arg5[%dma_wait3A_767, %dma_wait3A_773] : memref<52x128xi32, #tpu.memory_space<vmem>> -> memref<1x128xi32, #tpu.memory_space<vmem>>
    %dma_wait3A_775 = tpu.memref_squeeze %dma_wait3A_774 : memref<1x128xi32, #tpu.memory_space<vmem>> -> memref<128xi32, #tpu.memory_space<vmem>>
    %dma_wait3A_776 = arith.constant 0 : i32
    %dma_wait3A_777 = arith.constant 0 : i32
    %dma_wait3A_778 = tpu.memref_slice %arg3[%dma_wait3A_776, %dma_wait3A_777] : memref<5324800x16xf32, #tpu.memory_space<hbm>> -> memref<5324800x16xf32, #tpu.memory_space<hbm>>
    tpu.wait_indirect_dma semaphore(%arg7 : memref<!tpu.dma_semaphore, #tpu.memory_space<semaphore_mem>>) src(%dma_wait3A_778 : memref<5324800x16xf32, #tpu.memory_space<hbm>>) dst(%dma_wait3A_772 : memref<128x16xf32, #tpu.memory_space<vmem>>)
    %dma_wait3A_779 = arith.constant 13 : i32
    %dma_wait3A_780 = arith.constant 13 : i32
    %dma_wait3A_781 = arith.constant 0 : i32
    %dma_wait3A_782 = arith.constant 0 : i32
    %dma_wait3A_783 = tpu.memref_slice %arg6[%dma_wait3A_780, %dma_wait3A_781, %dma_wait3A_782] : memref<52x128x16xf32, #tpu.memory_space<vmem>> -> memref<1x128x16xf32, #tpu.memory_space<vmem>>
    %dma_wait3A_784 = tpu.memref_squeeze %dma_wait3A_783 : memref<1x128x16xf32, #tpu.memory_space<vmem>> -> memref<128x16xf32, #tpu.memory_space<vmem>>
    %dma_wait3A_785 = arith.constant 0 : i32
    %dma_wait3A_786 = tpu.memref_slice %arg5[%dma_wait3A_779, %dma_wait3A_785] : memref<52x128xi32, #tpu.memory_space<vmem>> -> memref<1x128xi32, #tpu.memory_space<vmem>>
    %dma_wait3A_787 = tpu.memref_squeeze %dma_wait3A_786 : memref<1x128xi32, #tpu.memory_space<vmem>> -> memref<128xi32, #tpu.memory_space<vmem>>
    %dma_wait3A_788 = arith.constant 0 : i32
    %dma_wait3A_789 = arith.constant 0 : i32
    %dma_wait3A_790 = tpu.memref_slice %arg3[%dma_wait3A_788, %dma_wait3A_789] : memref<5324800x16xf32, #tpu.memory_space<hbm>> -> memref<5324800x16xf32, #tpu.memory_space<hbm>>
    tpu.wait_indirect_dma semaphore(%arg7 : memref<!tpu.dma_semaphore, #tpu.memory_space<semaphore_mem>>) src(%dma_wait3A_790 : memref<5324800x16xf32, #tpu.memory_space<hbm>>) dst(%dma_wait3A_784 : memref<128x16xf32, #tpu.memory_space<vmem>>)
    %dma_wait3A_791 = arith.constant 14 : i32
    %dma_wait3A_792 = arith.constant 14 : i32
    %dma_wait3A_793 = arith.constant 0 : i32
    %dma_wait3A_794 = arith.constant 0 : i32
    %dma_wait3A_795 = tpu.memref_slice %arg6[%dma_wait3A_792, %dma_wait3A_793, %dma_wait3A_794] : memref<52x128x16xf32, #tpu.memory_space<vmem>> -> memref<1x128x16xf32, #tpu.memory_space<vmem>>
    %dma_wait3A_796 = tpu.memref_squeeze %dma_wait3A_795 : memref<1x128x16xf32, #tpu.memory_space<vmem>> -> memref<128x16xf32, #tpu.memory_space<vmem>>
    %dma_wait3A_797 = arith.constant 0 : i32
    %dma_wait3A_798 = tpu.memref_slice %arg5[%dma_wait3A_791, %dma_wait3A_797] : memref<52x128xi32, #tpu.memory_space<vmem>> -> memref<1x128xi32, #tpu.memory_space<vmem>>
    %dma_wait3A_799 = tpu.memref_squeeze %dma_wait3A_798 : memref<1x128xi32, #tpu.memory_space<vmem>> -> memref<128xi32, #tpu.memory_space<vmem>>
    %dma_wait3A_800 = arith.constant 0 : i32
    %dma_wait3A_801 = arith.constant 0 : i32
    %dma_wait3A_802 = tpu.memref_slice %arg3[%dma_wait3A_800, %dma_wait3A_801] : memref<5324800x16xf32, #tpu.memory_space<hbm>> -> memref<5324800x16xf32, #tpu.memory_space<hbm>>
    tpu.wait_indirect_dma semaphore(%arg7 : memref<!tpu.dma_semaphore, #tpu.memory_space<semaphore_mem>>) src(%dma_wait3A_802 : memref<5324800x16xf32, #tpu.memory_space<hbm>>) dst(%dma_wait3A_796 : memref<128x16xf32, #tpu.memory_space<vmem>>)
    %dma_wait3A_803 = arith.constant 15 : i32
    %dma_wait3A_804 = arith.constant 15 : i32
    %dma_wait3A_805 = arith.constant 0 : i32
    %dma_wait3A_806 = arith.constant 0 : i32
    %dma_wait3A_807 = tpu.memref_slice %arg6[%dma_wait3A_804, %dma_wait3A_805, %dma_wait3A_806] : memref<52x128x16xf32, #tpu.memory_space<vmem>> -> memref<1x128x16xf32, #tpu.memory_space<vmem>>
    %dma_wait3A_808 = tpu.memref_squeeze %dma_wait3A_807 : memref<1x128x16xf32, #tpu.memory_space<vmem>> -> memref<128x16xf32, #tpu.memory_space<vmem>>
    %dma_wait3A_809 = arith.constant 0 : i32
    %dma_wait3A_810 = tpu.memref_slice %arg5[%dma_wait3A_803, %dma_wait3A_809] : memref<52x128xi32, #tpu.memory_space<vmem>> -> memref<1x128xi32, #tpu.memory_space<vmem>>
    %dma_wait3A_811 = tpu.memref_squeeze %dma_wait3A_810 : memref<1x128xi32, #tpu.memory_space<vmem>> -> memref<128xi32, #tpu.memory_space<vmem>>
    %dma_wait3A_812 = arith.constant 0 : i32
    %dma_wait3A_813 = arith.constant 0 : i32
    %dma_wait3A_814 = tpu.memref_slice %arg3[%dma_wait3A_812, %dma_wait3A_813] : memref<5324800x16xf32, #tpu.memory_space<hbm>> -> memref<5324800x16xf32, #tpu.memory_space<hbm>>
    tpu.wait_indirect_dma semaphore(%arg7 : memref<!tpu.dma_semaphore, #tpu.memory_space<semaphore_mem>>) src(%dma_wait3A_814 : memref<5324800x16xf32, #tpu.memory_space<hbm>>) dst(%dma_wait3A_808 : memref<128x16xf32, #tpu.memory_space<vmem>>)
    %dma_wait3A_815 = arith.constant 16 : i32
    %dma_wait3A_816 = arith.constant 16 : i32
    %dma_wait3A_817 = arith.constant 0 : i32
    %dma_wait3A_818 = arith.constant 0 : i32
    %dma_wait3A_819 = tpu.memref_slice %arg6[%dma_wait3A_816, %dma_wait3A_817, %dma_wait3A_818] : memref<52x128x16xf32, #tpu.memory_space<vmem>> -> memref<1x128x16xf32, #tpu.memory_space<vmem>>
    %dma_wait3A_820 = tpu.memref_squeeze %dma_wait3A_819 : memref<1x128x16xf32, #tpu.memory_space<vmem>> -> memref<128x16xf32, #tpu.memory_space<vmem>>
    %dma_wait3A_821 = arith.constant 0 : i32
    %dma_wait3A_822 = tpu.memref_slice %arg5[%dma_wait3A_815, %dma_wait3A_821] : memref<52x128xi32, #tpu.memory_space<vmem>> -> memref<1x128xi32, #tpu.memory_space<vmem>>
    %dma_wait3A_823 = tpu.memref_squeeze %dma_wait3A_822 : memref<1x128xi32, #tpu.memory_space<vmem>> -> memref<128xi32, #tpu.memory_space<vmem>>
    %dma_wait3A_824 = arith.constant 0 : i32
    %dma_wait3A_825 = arith.constant 0 : i32
    %dma_wait3A_826 = tpu.memref_slice %arg3[%dma_wait3A_824, %dma_wait3A_825] : memref<5324800x16xf32, #tpu.memory_space<hbm>> -> memref<5324800x16xf32, #tpu.memory_space<hbm>>
    tpu.wait_indirect_dma semaphore(%arg7 : memref<!tpu.dma_semaphore, #tpu.memory_space<semaphore_mem>>) src(%dma_wait3A_826 : memref<5324800x16xf32, #tpu.memory_space<hbm>>) dst(%dma_wait3A_820 : memref<128x16xf32, #tpu.memory_space<vmem>>)
    %dma_wait3A_827 = arith.constant 17 : i32
    %dma_wait3A_828 = arith.constant 17 : i32
    %dma_wait3A_829 = arith.constant 0 : i32
    %dma_wait3A_830 = arith.constant 0 : i32
    %dma_wait3A_831 = tpu.memref_slice %arg6[%dma_wait3A_828, %dma_wait3A_829, %dma_wait3A_830] : memref<52x128x16xf32, #tpu.memory_space<vmem>> -> memref<1x128x16xf32, #tpu.memory_space<vmem>>
    %dma_wait3A_832 = tpu.memref_squeeze %dma_wait3A_831 : memref<1x128x16xf32, #tpu.memory_space<vmem>> -> memref<128x16xf32, #tpu.memory_space<vmem>>
    %dma_wait3A_833 = arith.constant 0 : i32
    %dma_wait3A_834 = tpu.memref_slice %arg5[%dma_wait3A_827, %dma_wait3A_833] : memref<52x128xi32, #tpu.memory_space<vmem>> -> memref<1x128xi32, #tpu.memory_space<vmem>>
    %dma_wait3A_835 = tpu.memref_squeeze %dma_wait3A_834 : memref<1x128xi32, #tpu.memory_space<vmem>> -> memref<128xi32, #tpu.memory_space<vmem>>
    %dma_wait3A_836 = arith.constant 0 : i32
    %dma_wait3A_837 = arith.constant 0 : i32
    %dma_wait3A_838 = tpu.memref_slice %arg3[%dma_wait3A_836, %dma_wait3A_837] : memref<5324800x16xf32, #tpu.memory_space<hbm>> -> memref<5324800x16xf32, #tpu.memory_space<hbm>>
    tpu.wait_indirect_dma semaphore(%arg7 : memref<!tpu.dma_semaphore, #tpu.memory_space<semaphore_mem>>) src(%dma_wait3A_838 : memref<5324800x16xf32, #tpu.memory_space<hbm>>) dst(%dma_wait3A_832 : memref<128x16xf32, #tpu.memory_space<vmem>>)
    %dma_wait3A_839 = arith.constant 18 : i32
    %dma_wait3A_840 = arith.constant 18 : i32
    %dma_wait3A_841 = arith.constant 0 : i32
    %dma_wait3A_842 = arith.constant 0 : i32
    %dma_wait3A_843 = tpu.memref_slice %arg6[%dma_wait3A_840, %dma_wait3A_841, %dma_wait3A_842] : memref<52x128x16xf32, #tpu.memory_space<vmem>> -> memref<1x128x16xf32, #tpu.memory_space<vmem>>
    %dma_wait3A_844 = tpu.memref_squeeze %dma_wait3A_843 : memref<1x128x16xf32, #tpu.memory_space<vmem>> -> memref<128x16xf32, #tpu.memory_space<vmem>>
    %dma_wait3A_845 = arith.constant 0 : i32
    %dma_wait3A_846 = tpu.memref_slice %arg5[%dma_wait3A_839, %dma_wait3A_845] : memref<52x128xi32, #tpu.memory_space<vmem>> -> memref<1x128xi32, #tpu.memory_space<vmem>>
    %dma_wait3A_847 = tpu.memref_squeeze %dma_wait3A_846 : memref<1x128xi32, #tpu.memory_space<vmem>> -> memref<128xi32, #tpu.memory_space<vmem>>
    %dma_wait3A_848 = arith.constant 0 : i32
    %dma_wait3A_849 = arith.constant 0 : i32
    %dma_wait3A_850 = tpu.memref_slice %arg3[%dma_wait3A_848, %dma_wait3A_849] : memref<5324800x16xf32, #tpu.memory_space<hbm>> -> memref<5324800x16xf32, #tpu.memory_space<hbm>>
    tpu.wait_indirect_dma semaphore(%arg7 : memref<!tpu.dma_semaphore, #tpu.memory_space<semaphore_mem>>) src(%dma_wait3A_850 : memref<5324800x16xf32, #tpu.memory_space<hbm>>) dst(%dma_wait3A_844 : memref<128x16xf32, #tpu.memory_space<vmem>>)
    %dma_wait3A_851 = arith.constant 19 : i32
    %dma_wait3A_852 = arith.constant 19 : i32
    %dma_wait3A_853 = arith.constant 0 : i32
    %dma_wait3A_854 = arith.constant 0 : i32
    %dma_wait3A_855 = tpu.memref_slice %arg6[%dma_wait3A_852, %dma_wait3A_853, %dma_wait3A_854] : memref<52x128x16xf32, #tpu.memory_space<vmem>> -> memref<1x128x16xf32, #tpu.memory_space<vmem>>
    %dma_wait3A_856 = tpu.memref_squeeze %dma_wait3A_855 : memref<1x128x16xf32, #tpu.memory_space<vmem>> -> memref<128x16xf32, #tpu.memory_space<vmem>>
    %dma_wait3A_857 = arith.constant 0 : i32
    %dma_wait3A_858 = tpu.memref_slice %arg5[%dma_wait3A_851, %dma_wait3A_857] : memref<52x128xi32, #tpu.memory_space<vmem>> -> memref<1x128xi32, #tpu.memory_space<vmem>>
    %dma_wait3A_859 = tpu.memref_squeeze %dma_wait3A_858 : memref<1x128xi32, #tpu.memory_space<vmem>> -> memref<128xi32, #tpu.memory_space<vmem>>
    %dma_wait3A_860 = arith.constant 0 : i32
    %dma_wait3A_861 = arith.constant 0 : i32
    %dma_wait3A_862 = tpu.memref_slice %arg3[%dma_wait3A_860, %dma_wait3A_861] : memref<5324800x16xf32, #tpu.memory_space<hbm>> -> memref<5324800x16xf32, #tpu.memory_space<hbm>>
    tpu.wait_indirect_dma semaphore(%arg7 : memref<!tpu.dma_semaphore, #tpu.memory_space<semaphore_mem>>) src(%dma_wait3A_862 : memref<5324800x16xf32, #tpu.memory_space<hbm>>) dst(%dma_wait3A_856 : memref<128x16xf32, #tpu.memory_space<vmem>>)
    %dma_wait3A_863 = arith.constant 20 : i32
    %dma_wait3A_864 = arith.constant 20 : i32
    %dma_wait3A_865 = arith.constant 0 : i32
    %dma_wait3A_866 = arith.constant 0 : i32
    %dma_wait3A_867 = tpu.memref_slice %arg6[%dma_wait3A_864, %dma_wait3A_865, %dma_wait3A_866] : memref<52x128x16xf32, #tpu.memory_space<vmem>> -> memref<1x128x16xf32, #tpu.memory_space<vmem>>
    %dma_wait3A_868 = tpu.memref_squeeze %dma_wait3A_867 : memref<1x128x16xf32, #tpu.memory_space<vmem>> -> memref<128x16xf32, #tpu.memory_space<vmem>>
    %dma_wait3A_869 = arith.constant 0 : i32
    %dma_wait3A_870 = tpu.memref_slice %arg5[%dma_wait3A_863, %dma_wait3A_869] : memref<52x128xi32, #tpu.memory_space<vmem>> -> memref<1x128xi32, #tpu.memory_space<vmem>>
    %dma_wait3A_871 = tpu.memref_squeeze %dma_wait3A_870 : memref<1x128xi32, #tpu.memory_space<vmem>> -> memref<128xi32, #tpu.memory_space<vmem>>
    %dma_wait3A_872 = arith.constant 0 : i32
    %dma_wait3A_873 = arith.constant 0 : i32
    %dma_wait3A_874 = tpu.memref_slice %arg3[%dma_wait3A_872, %dma_wait3A_873] : memref<5324800x16xf32, #tpu.memory_space<hbm>> -> memref<5324800x16xf32, #tpu.memory_space<hbm>>
    tpu.wait_indirect_dma semaphore(%arg7 : memref<!tpu.dma_semaphore, #tpu.memory_space<semaphore_mem>>) src(%dma_wait3A_874 : memref<5324800x16xf32, #tpu.memory_space<hbm>>) dst(%dma_wait3A_868 : memref<128x16xf32, #tpu.memory_space<vmem>>)
    %dma_wait3A_875 = arith.constant 21 : i32
    %dma_wait3A_876 = arith.constant 21 : i32
    %dma_wait3A_877 = arith.constant 0 : i32
    %dma_wait3A_878 = arith.constant 0 : i32
    %dma_wait3A_879 = tpu.memref_slice %arg6[%dma_wait3A_876, %dma_wait3A_877, %dma_wait3A_878] : memref<52x128x16xf32, #tpu.memory_space<vmem>> -> memref<1x128x16xf32, #tpu.memory_space<vmem>>
    %dma_wait3A_880 = tpu.memref_squeeze %dma_wait3A_879 : memref<1x128x16xf32, #tpu.memory_space<vmem>> -> memref<128x16xf32, #tpu.memory_space<vmem>>
    %dma_wait3A_881 = arith.constant 0 : i32
    %dma_wait3A_882 = tpu.memref_slice %arg5[%dma_wait3A_875, %dma_wait3A_881] : memref<52x128xi32, #tpu.memory_space<vmem>> -> memref<1x128xi32, #tpu.memory_space<vmem>>
    %dma_wait3A_883 = tpu.memref_squeeze %dma_wait3A_882 : memref<1x128xi32, #tpu.memory_space<vmem>> -> memref<128xi32, #tpu.memory_space<vmem>>
    %dma_wait3A_884 = arith.constant 0 : i32
    %dma_wait3A_885 = arith.constant 0 : i32
    %dma_wait3A_886 = tpu.memref_slice %arg3[%dma_wait3A_884, %dma_wait3A_885] : memref<5324800x16xf32, #tpu.memory_space<hbm>> -> memref<5324800x16xf32, #tpu.memory_space<hbm>>
    tpu.wait_indirect_dma semaphore(%arg7 : memref<!tpu.dma_semaphore, #tpu.memory_space<semaphore_mem>>) src(%dma_wait3A_886 : memref<5324800x16xf32, #tpu.memory_space<hbm>>) dst(%dma_wait3A_880 : memref<128x16xf32, #tpu.memory_space<vmem>>)
    %dma_wait3A_887 = arith.constant 22 : i32
    %dma_wait3A_888 = arith.constant 22 : i32
    %dma_wait3A_889 = arith.constant 0 : i32
    %dma_wait3A_890 = arith.constant 0 : i32
    %dma_wait3A_891 = tpu.memref_slice %arg6[%dma_wait3A_888, %dma_wait3A_889, %dma_wait3A_890] : memref<52x128x16xf32, #tpu.memory_space<vmem>> -> memref<1x128x16xf32, #tpu.memory_space<vmem>>
    %dma_wait3A_892 = tpu.memref_squeeze %dma_wait3A_891 : memref<1x128x16xf32, #tpu.memory_space<vmem>> -> memref<128x16xf32, #tpu.memory_space<vmem>>
    %dma_wait3A_893 = arith.constant 0 : i32
    %dma_wait3A_894 = tpu.memref_slice %arg5[%dma_wait3A_887, %dma_wait3A_893] : memref<52x128xi32, #tpu.memory_space<vmem>> -> memref<1x128xi32, #tpu.memory_space<vmem>>
    %dma_wait3A_895 = tpu.memref_squeeze %dma_wait3A_894 : memref<1x128xi32, #tpu.memory_space<vmem>> -> memref<128xi32, #tpu.memory_space<vmem>>
    %dma_wait3A_896 = arith.constant 0 : i32
    %dma_wait3A_897 = arith.constant 0 : i32
    %dma_wait3A_898 = tpu.memref_slice %arg3[%dma_wait3A_896, %dma_wait3A_897] : memref<5324800x16xf32, #tpu.memory_space<hbm>> -> memref<5324800x16xf32, #tpu.memory_space<hbm>>
    tpu.wait_indirect_dma semaphore(%arg7 : memref<!tpu.dma_semaphore, #tpu.memory_space<semaphore_mem>>) src(%dma_wait3A_898 : memref<5324800x16xf32, #tpu.memory_space<hbm>>) dst(%dma_wait3A_892 : memref<128x16xf32, #tpu.memory_space<vmem>>)
    %dma_wait3A_899 = arith.constant 23 : i32
    %dma_wait3A_900 = arith.constant 23 : i32
    %dma_wait3A_901 = arith.constant 0 : i32
    %dma_wait3A_902 = arith.constant 0 : i32
    %dma_wait3A_903 = tpu.memref_slice %arg6[%dma_wait3A_900, %dma_wait3A_901, %dma_wait3A_902] : memref<52x128x16xf32, #tpu.memory_space<vmem>> -> memref<1x128x16xf32, #tpu.memory_space<vmem>>
    %dma_wait3A_904 = tpu.memref_squeeze %dma_wait3A_903 : memref<1x128x16xf32, #tpu.memory_space<vmem>> -> memref<128x16xf32, #tpu.memory_space<vmem>>
    %dma_wait3A_905 = arith.constant 0 : i32
    %dma_wait3A_906 = tpu.memref_slice %arg5[%dma_wait3A_899, %dma_wait3A_905] : memref<52x128xi32, #tpu.memory_space<vmem>> -> memref<1x128xi32, #tpu.memory_space<vmem>>
    %dma_wait3A_907 = tpu.memref_squeeze %dma_wait3A_906 : memref<1x128xi32, #tpu.memory_space<vmem>> -> memref<128xi32, #tpu.memory_space<vmem>>
    %dma_wait3A_908 = arith.constant 0 : i32
    %dma_wait3A_909 = arith.constant 0 : i32
    %dma_wait3A_910 = tpu.memref_slice %arg3[%dma_wait3A_908, %dma_wait3A_909] : memref<5324800x16xf32, #tpu.memory_space<hbm>> -> memref<5324800x16xf32, #tpu.memory_space<hbm>>
    tpu.wait_indirect_dma semaphore(%arg7 : memref<!tpu.dma_semaphore, #tpu.memory_space<semaphore_mem>>) src(%dma_wait3A_910 : memref<5324800x16xf32, #tpu.memory_space<hbm>>) dst(%dma_wait3A_904 : memref<128x16xf32, #tpu.memory_space<vmem>>)
    %dma_wait3A_911 = arith.constant 24 : i32
    %dma_wait3A_912 = arith.constant 24 : i32
    %dma_wait3A_913 = arith.constant 0 : i32
    %dma_wait3A_914 = arith.constant 0 : i32
    %dma_wait3A_915 = tpu.memref_slice %arg6[%dma_wait3A_912, %dma_wait3A_913, %dma_wait3A_914] : memref<52x128x16xf32, #tpu.memory_space<vmem>> -> memref<1x128x16xf32, #tpu.memory_space<vmem>>
    %dma_wait3A_916 = tpu.memref_squeeze %dma_wait3A_915 : memref<1x128x16xf32, #tpu.memory_space<vmem>> -> memref<128x16xf32, #tpu.memory_space<vmem>>
    %dma_wait3A_917 = arith.constant 0 : i32
    %dma_wait3A_918 = tpu.memref_slice %arg5[%dma_wait3A_911, %dma_wait3A_917] : memref<52x128xi32, #tpu.memory_space<vmem>> -> memref<1x128xi32, #tpu.memory_space<vmem>>
    %dma_wait3A_919 = tpu.memref_squeeze %dma_wait3A_918 : memref<1x128xi32, #tpu.memory_space<vmem>> -> memref<128xi32, #tpu.memory_space<vmem>>
    %dma_wait3A_920 = arith.constant 0 : i32
    %dma_wait3A_921 = arith.constant 0 : i32
    %dma_wait3A_922 = tpu.memref_slice %arg3[%dma_wait3A_920, %dma_wait3A_921] : memref<5324800x16xf32, #tpu.memory_space<hbm>> -> memref<5324800x16xf32, #tpu.memory_space<hbm>>
    tpu.wait_indirect_dma semaphore(%arg7 : memref<!tpu.dma_semaphore, #tpu.memory_space<semaphore_mem>>) src(%dma_wait3A_922 : memref<5324800x16xf32, #tpu.memory_space<hbm>>) dst(%dma_wait3A_916 : memref<128x16xf32, #tpu.memory_space<vmem>>)
    %dma_wait3A_923 = arith.constant 25 : i32
    %dma_wait3A_924 = arith.constant 25 : i32
    %dma_wait3A_925 = arith.constant 0 : i32
    %dma_wait3A_926 = arith.constant 0 : i32
    %dma_wait3A_927 = tpu.memref_slice %arg6[%dma_wait3A_924, %dma_wait3A_925, %dma_wait3A_926] : memref<52x128x16xf32, #tpu.memory_space<vmem>> -> memref<1x128x16xf32, #tpu.memory_space<vmem>>
    %dma_wait3A_928 = tpu.memref_squeeze %dma_wait3A_927 : memref<1x128x16xf32, #tpu.memory_space<vmem>> -> memref<128x16xf32, #tpu.memory_space<vmem>>
    %dma_wait3A_929 = arith.constant 0 : i32
    %dma_wait3A_930 = tpu.memref_slice %arg5[%dma_wait3A_923, %dma_wait3A_929] : memref<52x128xi32, #tpu.memory_space<vmem>> -> memref<1x128xi32, #tpu.memory_space<vmem>>
    %dma_wait3A_931 = tpu.memref_squeeze %dma_wait3A_930 : memref<1x128xi32, #tpu.memory_space<vmem>> -> memref<128xi32, #tpu.memory_space<vmem>>
    %dma_wait3A_932 = arith.constant 0 : i32
    %dma_wait3A_933 = arith.constant 0 : i32
    %dma_wait3A_934 = tpu.memref_slice %arg3[%dma_wait3A_932, %dma_wait3A_933] : memref<5324800x16xf32, #tpu.memory_space<hbm>> -> memref<5324800x16xf32, #tpu.memory_space<hbm>>
    tpu.wait_indirect_dma semaphore(%arg7 : memref<!tpu.dma_semaphore, #tpu.memory_space<semaphore_mem>>) src(%dma_wait3A_934 : memref<5324800x16xf32, #tpu.memory_space<hbm>>) dst(%dma_wait3A_928 : memref<128x16xf32, #tpu.memory_space<vmem>>)
    %dma_wait3A_935 = arith.constant 26 : i32
    %dma_wait3A_936 = arith.constant 26 : i32
    %dma_wait3A_937 = arith.constant 0 : i32
    %dma_wait3A_938 = arith.constant 0 : i32
    %dma_wait3A_939 = tpu.memref_slice %arg6[%dma_wait3A_936, %dma_wait3A_937, %dma_wait3A_938] : memref<52x128x16xf32, #tpu.memory_space<vmem>> -> memref<1x128x16xf32, #tpu.memory_space<vmem>>
    %dma_wait3A_940 = tpu.memref_squeeze %dma_wait3A_939 : memref<1x128x16xf32, #tpu.memory_space<vmem>> -> memref<128x16xf32, #tpu.memory_space<vmem>>
    %dma_wait3A_941 = arith.constant 0 : i32
    %dma_wait3A_942 = tpu.memref_slice %arg5[%dma_wait3A_935, %dma_wait3A_941] : memref<52x128xi32, #tpu.memory_space<vmem>> -> memref<1x128xi32, #tpu.memory_space<vmem>>
    %dma_wait3A_943 = tpu.memref_squeeze %dma_wait3A_942 : memref<1x128xi32, #tpu.memory_space<vmem>> -> memref<128xi32, #tpu.memory_space<vmem>>
    %dma_wait3A_944 = arith.constant 0 : i32
    %dma_wait3A_945 = arith.constant 0 : i32
    %dma_wait3A_946 = tpu.memref_slice %arg3[%dma_wait3A_944, %dma_wait3A_945] : memref<5324800x16xf32, #tpu.memory_space<hbm>> -> memref<5324800x16xf32, #tpu.memory_space<hbm>>
    tpu.wait_indirect_dma semaphore(%arg7 : memref<!tpu.dma_semaphore, #tpu.memory_space<semaphore_mem>>) src(%dma_wait3A_946 : memref<5324800x16xf32, #tpu.memory_space<hbm>>) dst(%dma_wait3A_940 : memref<128x16xf32, #tpu.memory_space<vmem>>)
    %dma_wait3A_947 = arith.constant 27 : i32
    %dma_wait3A_948 = arith.constant 27 : i32
    %dma_wait3A_949 = arith.constant 0 : i32
    %dma_wait3A_950 = arith.constant 0 : i32
    %dma_wait3A_951 = tpu.memref_slice %arg6[%dma_wait3A_948, %dma_wait3A_949, %dma_wait3A_950] : memref<52x128x16xf32, #tpu.memory_space<vmem>> -> memref<1x128x16xf32, #tpu.memory_space<vmem>>
    %dma_wait3A_952 = tpu.memref_squeeze %dma_wait3A_951 : memref<1x128x16xf32, #tpu.memory_space<vmem>> -> memref<128x16xf32, #tpu.memory_space<vmem>>
    %dma_wait3A_953 = arith.constant 0 : i32
    %dma_wait3A_954 = tpu.memref_slice %arg5[%dma_wait3A_947, %dma_wait3A_953] : memref<52x128xi32, #tpu.memory_space<vmem>> -> memref<1x128xi32, #tpu.memory_space<vmem>>
    %dma_wait3A_955 = tpu.memref_squeeze %dma_wait3A_954 : memref<1x128xi32, #tpu.memory_space<vmem>> -> memref<128xi32, #tpu.memory_space<vmem>>
    %dma_wait3A_956 = arith.constant 0 : i32
    %dma_wait3A_957 = arith.constant 0 : i32
    %dma_wait3A_958 = tpu.memref_slice %arg3[%dma_wait3A_956, %dma_wait3A_957] : memref<5324800x16xf32, #tpu.memory_space<hbm>> -> memref<5324800x16xf32, #tpu.memory_space<hbm>>
    tpu.wait_indirect_dma semaphore(%arg7 : memref<!tpu.dma_semaphore, #tpu.memory_space<semaphore_mem>>) src(%dma_wait3A_958 : memref<5324800x16xf32, #tpu.memory_space<hbm>>) dst(%dma_wait3A_952 : memref<128x16xf32, #tpu.memory_space<vmem>>)
    %dma_wait3A_959 = arith.constant 28 : i32
    %dma_wait3A_960 = arith.constant 28 : i32
    %dma_wait3A_961 = arith.constant 0 : i32
    %dma_wait3A_962 = arith.constant 0 : i32
    %dma_wait3A_963 = tpu.memref_slice %arg6[%dma_wait3A_960, %dma_wait3A_961, %dma_wait3A_962] : memref<52x128x16xf32, #tpu.memory_space<vmem>> -> memref<1x128x16xf32, #tpu.memory_space<vmem>>
    %dma_wait3A_964 = tpu.memref_squeeze %dma_wait3A_963 : memref<1x128x16xf32, #tpu.memory_space<vmem>> -> memref<128x16xf32, #tpu.memory_space<vmem>>
    %dma_wait3A_965 = arith.constant 0 : i32
    %dma_wait3A_966 = tpu.memref_slice %arg5[%dma_wait3A_959, %dma_wait3A_965] : memref<52x128xi32, #tpu.memory_space<vmem>> -> memref<1x128xi32, #tpu.memory_space<vmem>>
    %dma_wait3A_967 = tpu.memref_squeeze %dma_wait3A_966 : memref<1x128xi32, #tpu.memory_space<vmem>> -> memref<128xi32, #tpu.memory_space<vmem>>
    %dma_wait3A_968 = arith.constant 0 : i32
    %dma_wait3A_969 = arith.constant 0 : i32
    %dma_wait3A_970 = tpu.memref_slice %arg3[%dma_wait3A_968, %dma_wait3A_969] : memref<5324800x16xf32, #tpu.memory_space<hbm>> -> memref<5324800x16xf32, #tpu.memory_space<hbm>>
    tpu.wait_indirect_dma semaphore(%arg7 : memref<!tpu.dma_semaphore, #tpu.memory_space<semaphore_mem>>) src(%dma_wait3A_970 : memref<5324800x16xf32, #tpu.memory_space<hbm>>) dst(%dma_wait3A_964 : memref<128x16xf32, #tpu.memory_space<vmem>>)
    %dma_wait3A_971 = arith.constant 29 : i32
    %dma_wait3A_972 = arith.constant 29 : i32
    %dma_wait3A_973 = arith.constant 0 : i32
    %dma_wait3A_974 = arith.constant 0 : i32
    %dma_wait3A_975 = tpu.memref_slice %arg6[%dma_wait3A_972, %dma_wait3A_973, %dma_wait3A_974] : memref<52x128x16xf32, #tpu.memory_space<vmem>> -> memref<1x128x16xf32, #tpu.memory_space<vmem>>
    %dma_wait3A_976 = tpu.memref_squeeze %dma_wait3A_975 : memref<1x128x16xf32, #tpu.memory_space<vmem>> -> memref<128x16xf32, #tpu.memory_space<vmem>>
    %dma_wait3A_977 = arith.constant 0 : i32
    %dma_wait3A_978 = tpu.memref_slice %arg5[%dma_wait3A_971, %dma_wait3A_977] : memref<52x128xi32, #tpu.memory_space<vmem>> -> memref<1x128xi32, #tpu.memory_space<vmem>>
    %dma_wait3A_979 = tpu.memref_squeeze %dma_wait3A_978 : memref<1x128xi32, #tpu.memory_space<vmem>> -> memref<128xi32, #tpu.memory_space<vmem>>
    %dma_wait3A_980 = arith.constant 0 : i32
    %dma_wait3A_981 = arith.constant 0 : i32
    %dma_wait3A_982 = tpu.memref_slice %arg3[%dma_wait3A_980, %dma_wait3A_981] : memref<5324800x16xf32, #tpu.memory_space<hbm>> -> memref<5324800x16xf32, #tpu.memory_space<hbm>>
    tpu.wait_indirect_dma semaphore(%arg7 : memref<!tpu.dma_semaphore, #tpu.memory_space<semaphore_mem>>) src(%dma_wait3A_982 : memref<5324800x16xf32, #tpu.memory_space<hbm>>) dst(%dma_wait3A_976 : memref<128x16xf32, #tpu.memory_space<vmem>>)
    %dma_wait3A_983 = arith.constant 30 : i32
    %dma_wait3A_984 = arith.constant 30 : i32
    %dma_wait3A_985 = arith.constant 0 : i32
    %dma_wait3A_986 = arith.constant 0 : i32
    %dma_wait3A_987 = tpu.memref_slice %arg6[%dma_wait3A_984, %dma_wait3A_985, %dma_wait3A_986] : memref<52x128x16xf32, #tpu.memory_space<vmem>> -> memref<1x128x16xf32, #tpu.memory_space<vmem>>
    %dma_wait3A_988 = tpu.memref_squeeze %dma_wait3A_987 : memref<1x128x16xf32, #tpu.memory_space<vmem>> -> memref<128x16xf32, #tpu.memory_space<vmem>>
    %dma_wait3A_989 = arith.constant 0 : i32
    %dma_wait3A_990 = tpu.memref_slice %arg5[%dma_wait3A_983, %dma_wait3A_989] : memref<52x128xi32, #tpu.memory_space<vmem>> -> memref<1x128xi32, #tpu.memory_space<vmem>>
    %dma_wait3A_991 = tpu.memref_squeeze %dma_wait3A_990 : memref<1x128xi32, #tpu.memory_space<vmem>> -> memref<128xi32, #tpu.memory_space<vmem>>
    %dma_wait3A_992 = arith.constant 0 : i32
    %dma_wait3A_993 = arith.constant 0 : i32
    %dma_wait3A_994 = tpu.memref_slice %arg3[%dma_wait3A_992, %dma_wait3A_993] : memref<5324800x16xf32, #tpu.memory_space<hbm>> -> memref<5324800x16xf32, #tpu.memory_space<hbm>>
    tpu.wait_indirect_dma semaphore(%arg7 : memref<!tpu.dma_semaphore, #tpu.memory_space<semaphore_mem>>) src(%dma_wait3A_994 : memref<5324800x16xf32, #tpu.memory_space<hbm>>) dst(%dma_wait3A_988 : memref<128x16xf32, #tpu.memory_space<vmem>>)
    %dma_wait3A_995 = arith.constant 31 : i32
    %dma_wait3A_996 = arith.constant 31 : i32
    %dma_wait3A_997 = arith.constant 0 : i32
    %dma_wait3A_998 = arith.constant 0 : i32
    %dma_wait3A_999 = tpu.memref_slice %arg6[%dma_wait3A_996, %dma_wait3A_997, %dma_wait3A_998] : memref<52x128x16xf32, #tpu.memory_space<vmem>> -> memref<1x128x16xf32, #tpu.memory_space<vmem>>
    %dma_wait3A_1000 = tpu.memref_squeeze %dma_wait3A_999 : memref<1x128x16xf32, #tpu.memory_space<vmem>> -> memref<128x16xf32, #tpu.memory_space<vmem>>
    %dma_wait3A_1001 = arith.constant 0 : i32
    %dma_wait3A_1002 = tpu.memref_slice %arg5[%dma_wait3A_995, %dma_wait3A_1001] : memref<52x128xi32, #tpu.memory_space<vmem>> -> memref<1x128xi32, #tpu.memory_space<vmem>>
    %dma_wait3A_1003 = tpu.memref_squeeze %dma_wait3A_1002 : memref<1x128xi32, #tpu.memory_space<vmem>> -> memref<128xi32, #tpu.memory_space<vmem>>
    %dma_wait3A_1004 = arith.constant 0 : i32
    %dma_wait3A_1005 = arith.constant 0 : i32
    %dma_wait3A_1006 = tpu.memref_slice %arg3[%dma_wait3A_1004, %dma_wait3A_1005] : memref<5324800x16xf32, #tpu.memory_space<hbm>> -> memref<5324800x16xf32, #tpu.memory_space<hbm>>
    tpu.wait_indirect_dma semaphore(%arg7 : memref<!tpu.dma_semaphore, #tpu.memory_space<semaphore_mem>>) src(%dma_wait3A_1006 : memref<5324800x16xf32, #tpu.memory_space<hbm>>) dst(%dma_wait3A_1000 : memref<128x16xf32, #tpu.memory_space<vmem>>)
    %dma_wait3A_1007 = arith.constant 32 : i32
    %dma_wait3A_1008 = arith.constant 32 : i32
    %dma_wait3A_1009 = arith.constant 0 : i32
    %dma_wait3A_1010 = arith.constant 0 : i32
    %dma_wait3A_1011 = tpu.memref_slice %arg6[%dma_wait3A_1008, %dma_wait3A_1009, %dma_wait3A_1010] : memref<52x128x16xf32, #tpu.memory_space<vmem>> -> memref<1x128x16xf32, #tpu.memory_space<vmem>>
    %dma_wait3A_1012 = tpu.memref_squeeze %dma_wait3A_1011 : memref<1x128x16xf32, #tpu.memory_space<vmem>> -> memref<128x16xf32, #tpu.memory_space<vmem>>
    %dma_wait3A_1013 = arith.constant 0 : i32
    %dma_wait3A_1014 = tpu.memref_slice %arg5[%dma_wait3A_1007, %dma_wait3A_1013] : memref<52x128xi32, #tpu.memory_space<vmem>> -> memref<1x128xi32, #tpu.memory_space<vmem>>
    %dma_wait3A_1015 = tpu.memref_squeeze %dma_wait3A_1014 : memref<1x128xi32, #tpu.memory_space<vmem>> -> memref<128xi32, #tpu.memory_space<vmem>>
    %dma_wait3A_1016 = arith.constant 0 : i32
    %dma_wait3A_1017 = arith.constant 0 : i32
    %dma_wait3A_1018 = tpu.memref_slice %arg3[%dma_wait3A_1016, %dma_wait3A_1017] : memref<5324800x16xf32, #tpu.memory_space<hbm>> -> memref<5324800x16xf32, #tpu.memory_space<hbm>>
    tpu.wait_indirect_dma semaphore(%arg7 : memref<!tpu.dma_semaphore, #tpu.memory_space<semaphore_mem>>) src(%dma_wait3A_1018 : memref<5324800x16xf32, #tpu.memory_space<hbm>>) dst(%dma_wait3A_1012 : memref<128x16xf32, #tpu.memory_space<vmem>>)
    %dma_wait3A_1019 = arith.constant 33 : i32
    %dma_wait3A_1020 = arith.constant 33 : i32
    %dma_wait3A_1021 = arith.constant 0 : i32
    %dma_wait3A_1022 = arith.constant 0 : i32
    %dma_wait3A_1023 = tpu.memref_slice %arg6[%dma_wait3A_1020, %dma_wait3A_1021, %dma_wait3A_1022] : memref<52x128x16xf32, #tpu.memory_space<vmem>> -> memref<1x128x16xf32, #tpu.memory_space<vmem>>
    %dma_wait3A_1024 = tpu.memref_squeeze %dma_wait3A_1023 : memref<1x128x16xf32, #tpu.memory_space<vmem>> -> memref<128x16xf32, #tpu.memory_space<vmem>>
    %dma_wait3A_1025 = arith.constant 0 : i32
    %dma_wait3A_1026 = tpu.memref_slice %arg5[%dma_wait3A_1019, %dma_wait3A_1025] : memref<52x128xi32, #tpu.memory_space<vmem>> -> memref<1x128xi32, #tpu.memory_space<vmem>>
    %dma_wait3A_1027 = tpu.memref_squeeze %dma_wait3A_1026 : memref<1x128xi32, #tpu.memory_space<vmem>> -> memref<128xi32, #tpu.memory_space<vmem>>
    %dma_wait3A_1028 = arith.constant 0 : i32
    %dma_wait3A_1029 = arith.constant 0 : i32
    %dma_wait3A_1030 = tpu.memref_slice %arg3[%dma_wait3A_1028, %dma_wait3A_1029] : memref<5324800x16xf32, #tpu.memory_space<hbm>> -> memref<5324800x16xf32, #tpu.memory_space<hbm>>
    tpu.wait_indirect_dma semaphore(%arg7 : memref<!tpu.dma_semaphore, #tpu.memory_space<semaphore_mem>>) src(%dma_wait3A_1030 : memref<5324800x16xf32, #tpu.memory_space<hbm>>) dst(%dma_wait3A_1024 : memref<128x16xf32, #tpu.memory_space<vmem>>)
    %dma_wait3A_1031 = arith.constant 34 : i32
    %dma_wait3A_1032 = arith.constant 34 : i32
    %dma_wait3A_1033 = arith.constant 0 : i32
    %dma_wait3A_1034 = arith.constant 0 : i32
    %dma_wait3A_1035 = tpu.memref_slice %arg6[%dma_wait3A_1032, %dma_wait3A_1033, %dma_wait3A_1034] : memref<52x128x16xf32, #tpu.memory_space<vmem>> -> memref<1x128x16xf32, #tpu.memory_space<vmem>>
    %dma_wait3A_1036 = tpu.memref_squeeze %dma_wait3A_1035 : memref<1x128x16xf32, #tpu.memory_space<vmem>> -> memref<128x16xf32, #tpu.memory_space<vmem>>
    %dma_wait3A_1037 = arith.constant 0 : i32
    %dma_wait3A_1038 = tpu.memref_slice %arg5[%dma_wait3A_1031, %dma_wait3A_1037] : memref<52x128xi32, #tpu.memory_space<vmem>> -> memref<1x128xi32, #tpu.memory_space<vmem>>
    %dma_wait3A_1039 = tpu.memref_squeeze %dma_wait3A_1038 : memref<1x128xi32, #tpu.memory_space<vmem>> -> memref<128xi32, #tpu.memory_space<vmem>>
    %dma_wait3A_1040 = arith.constant 0 : i32
    %dma_wait3A_1041 = arith.constant 0 : i32
    %dma_wait3A_1042 = tpu.memref_slice %arg3[%dma_wait3A_1040, %dma_wait3A_1041] : memref<5324800x16xf32, #tpu.memory_space<hbm>> -> memref<5324800x16xf32, #tpu.memory_space<hbm>>
    tpu.wait_indirect_dma semaphore(%arg7 : memref<!tpu.dma_semaphore, #tpu.memory_space<semaphore_mem>>) src(%dma_wait3A_1042 : memref<5324800x16xf32, #tpu.memory_space<hbm>>) dst(%dma_wait3A_1036 : memref<128x16xf32, #tpu.memory_space<vmem>>)
    %dma_wait3A_1043 = arith.constant 35 : i32
    %dma_wait3A_1044 = arith.constant 35 : i32
    %dma_wait3A_1045 = arith.constant 0 : i32
    %dma_wait3A_1046 = arith.constant 0 : i32
    %dma_wait3A_1047 = tpu.memref_slice %arg6[%dma_wait3A_1044, %dma_wait3A_1045, %dma_wait3A_1046] : memref<52x128x16xf32, #tpu.memory_space<vmem>> -> memref<1x128x16xf32, #tpu.memory_space<vmem>>
    %dma_wait3A_1048 = tpu.memref_squeeze %dma_wait3A_1047 : memref<1x128x16xf32, #tpu.memory_space<vmem>> -> memref<128x16xf32, #tpu.memory_space<vmem>>
    %dma_wait3A_1049 = arith.constant 0 : i32
    %dma_wait3A_1050 = tpu.memref_slice %arg5[%dma_wait3A_1043, %dma_wait3A_1049] : memref<52x128xi32, #tpu.memory_space<vmem>> -> memref<1x128xi32, #tpu.memory_space<vmem>>
    %dma_wait3A_1051 = tpu.memref_squeeze %dma_wait3A_1050 : memref<1x128xi32, #tpu.memory_space<vmem>> -> memref<128xi32, #tpu.memory_space<vmem>>
    %dma_wait3A_1052 = arith.constant 0 : i32
    %dma_wait3A_1053 = arith.constant 0 : i32
    %dma_wait3A_1054 = tpu.memref_slice %arg3[%dma_wait3A_1052, %dma_wait3A_1053] : memref<5324800x16xf32, #tpu.memory_space<hbm>> -> memref<5324800x16xf32, #tpu.memory_space<hbm>>
    tpu.wait_indirect_dma semaphore(%arg7 : memref<!tpu.dma_semaphore, #tpu.memory_space<semaphore_mem>>) src(%dma_wait3A_1054 : memref<5324800x16xf32, #tpu.memory_space<hbm>>) dst(%dma_wait3A_1048 : memref<128x16xf32, #tpu.memory_space<vmem>>)
    %dma_wait3A_1055 = arith.constant 36 : i32
    %dma_wait3A_1056 = arith.constant 36 : i32
    %dma_wait3A_1057 = arith.constant 0 : i32
    %dma_wait3A_1058 = arith.constant 0 : i32
    %dma_wait3A_1059 = tpu.memref_slice %arg6[%dma_wait3A_1056, %dma_wait3A_1057, %dma_wait3A_1058] : memref<52x128x16xf32, #tpu.memory_space<vmem>> -> memref<1x128x16xf32, #tpu.memory_space<vmem>>
    %dma_wait3A_1060 = tpu.memref_squeeze %dma_wait3A_1059 : memref<1x128x16xf32, #tpu.memory_space<vmem>> -> memref<128x16xf32, #tpu.memory_space<vmem>>
    %dma_wait3A_1061 = arith.constant 0 : i32
    %dma_wait3A_1062 = tpu.memref_slice %arg5[%dma_wait3A_1055, %dma_wait3A_1061] : memref<52x128xi32, #tpu.memory_space<vmem>> -> memref<1x128xi32, #tpu.memory_space<vmem>>
    %dma_wait3A_1063 = tpu.memref_squeeze %dma_wait3A_1062 : memref<1x128xi32, #tpu.memory_space<vmem>> -> memref<128xi32, #tpu.memory_space<vmem>>
    %dma_wait3A_1064 = arith.constant 0 : i32
    %dma_wait3A_1065 = arith.constant 0 : i32
    %dma_wait3A_1066 = tpu.memref_slice %arg3[%dma_wait3A_1064, %dma_wait3A_1065] : memref<5324800x16xf32, #tpu.memory_space<hbm>> -> memref<5324800x16xf32, #tpu.memory_space<hbm>>
    tpu.wait_indirect_dma semaphore(%arg7 : memref<!tpu.dma_semaphore, #tpu.memory_space<semaphore_mem>>) src(%dma_wait3A_1066 : memref<5324800x16xf32, #tpu.memory_space<hbm>>) dst(%dma_wait3A_1060 : memref<128x16xf32, #tpu.memory_space<vmem>>)
    %dma_wait3A_1067 = arith.constant 37 : i32
    %dma_wait3A_1068 = arith.constant 37 : i32
    %dma_wait3A_1069 = arith.constant 0 : i32
    %dma_wait3A_1070 = arith.constant 0 : i32
    %dma_wait3A_1071 = tpu.memref_slice %arg6[%dma_wait3A_1068, %dma_wait3A_1069, %dma_wait3A_1070] : memref<52x128x16xf32, #tpu.memory_space<vmem>> -> memref<1x128x16xf32, #tpu.memory_space<vmem>>
    %dma_wait3A_1072 = tpu.memref_squeeze %dma_wait3A_1071 : memref<1x128x16xf32, #tpu.memory_space<vmem>> -> memref<128x16xf32, #tpu.memory_space<vmem>>
    %dma_wait3A_1073 = arith.constant 0 : i32
    %dma_wait3A_1074 = tpu.memref_slice %arg5[%dma_wait3A_1067, %dma_wait3A_1073] : memref<52x128xi32, #tpu.memory_space<vmem>> -> memref<1x128xi32, #tpu.memory_space<vmem>>
    %dma_wait3A_1075 = tpu.memref_squeeze %dma_wait3A_1074 : memref<1x128xi32, #tpu.memory_space<vmem>> -> memref<128xi32, #tpu.memory_space<vmem>>
    %dma_wait3A_1076 = arith.constant 0 : i32
    %dma_wait3A_1077 = arith.constant 0 : i32
    %dma_wait3A_1078 = tpu.memref_slice %arg3[%dma_wait3A_1076, %dma_wait3A_1077] : memref<5324800x16xf32, #tpu.memory_space<hbm>> -> memref<5324800x16xf32, #tpu.memory_space<hbm>>
    tpu.wait_indirect_dma semaphore(%arg7 : memref<!tpu.dma_semaphore, #tpu.memory_space<semaphore_mem>>) src(%dma_wait3A_1078 : memref<5324800x16xf32, #tpu.memory_space<hbm>>) dst(%dma_wait3A_1072 : memref<128x16xf32, #tpu.memory_space<vmem>>)
    %dma_wait3A_1079 = arith.constant 38 : i32
    %dma_wait3A_1080 = arith.constant 38 : i32
    %dma_wait3A_1081 = arith.constant 0 : i32
    %dma_wait3A_1082 = arith.constant 0 : i32
    %dma_wait3A_1083 = tpu.memref_slice %arg6[%dma_wait3A_1080, %dma_wait3A_1081, %dma_wait3A_1082] : memref<52x128x16xf32, #tpu.memory_space<vmem>> -> memref<1x128x16xf32, #tpu.memory_space<vmem>>
    %dma_wait3A_1084 = tpu.memref_squeeze %dma_wait3A_1083 : memref<1x128x16xf32, #tpu.memory_space<vmem>> -> memref<128x16xf32, #tpu.memory_space<vmem>>
    %dma_wait3A_1085 = arith.constant 0 : i32
    %dma_wait3A_1086 = tpu.memref_slice %arg5[%dma_wait3A_1079, %dma_wait3A_1085] : memref<52x128xi32, #tpu.memory_space<vmem>> -> memref<1x128xi32, #tpu.memory_space<vmem>>
    %dma_wait3A_1087 = tpu.memref_squeeze %dma_wait3A_1086 : memref<1x128xi32, #tpu.memory_space<vmem>> -> memref<128xi32, #tpu.memory_space<vmem>>
    %dma_wait3A_1088 = arith.constant 0 : i32
    %dma_wait3A_1089 = arith.constant 0 : i32
    %dma_wait3A_1090 = tpu.memref_slice %arg3[%dma_wait3A_1088, %dma_wait3A_1089] : memref<5324800x16xf32, #tpu.memory_space<hbm>> -> memref<5324800x16xf32, #tpu.memory_space<hbm>>
    tpu.wait_indirect_dma semaphore(%arg7 : memref<!tpu.dma_semaphore, #tpu.memory_space<semaphore_mem>>) src(%dma_wait3A_1090 : memref<5324800x16xf32, #tpu.memory_space<hbm>>) dst(%dma_wait3A_1084 : memref<128x16xf32, #tpu.memory_space<vmem>>)
    %dma_wait3A_1091 = arith.constant 39 : i32
    %dma_wait3A_1092 = arith.constant 39 : i32
    %dma_wait3A_1093 = arith.constant 0 : i32
    %dma_wait3A_1094 = arith.constant 0 : i32
    %dma_wait3A_1095 = tpu.memref_slice %arg6[%dma_wait3A_1092, %dma_wait3A_1093, %dma_wait3A_1094] : memref<52x128x16xf32, #tpu.memory_space<vmem>> -> memref<1x128x16xf32, #tpu.memory_space<vmem>>
    %dma_wait3A_1096 = tpu.memref_squeeze %dma_wait3A_1095 : memref<1x128x16xf32, #tpu.memory_space<vmem>> -> memref<128x16xf32, #tpu.memory_space<vmem>>
    %dma_wait3A_1097 = arith.constant 0 : i32
    %dma_wait3A_1098 = tpu.memref_slice %arg5[%dma_wait3A_1091, %dma_wait3A_1097] : memref<52x128xi32, #tpu.memory_space<vmem>> -> memref<1x128xi32, #tpu.memory_space<vmem>>
    %dma_wait3A_1099 = tpu.memref_squeeze %dma_wait3A_1098 : memref<1x128xi32, #tpu.memory_space<vmem>> -> memref<128xi32, #tpu.memory_space<vmem>>
    %dma_wait3A_1100 = arith.constant 0 : i32
    %dma_wait3A_1101 = arith.constant 0 : i32
    %dma_wait3A_1102 = tpu.memref_slice %arg3[%dma_wait3A_1100, %dma_wait3A_1101] : memref<5324800x16xf32, #tpu.memory_space<hbm>> -> memref<5324800x16xf32, #tpu.memory_space<hbm>>
    tpu.wait_indirect_dma semaphore(%arg7 : memref<!tpu.dma_semaphore, #tpu.memory_space<semaphore_mem>>) src(%dma_wait3A_1102 : memref<5324800x16xf32, #tpu.memory_space<hbm>>) dst(%dma_wait3A_1096 : memref<128x16xf32, #tpu.memory_space<vmem>>)
    %dma_wait3A_1103 = arith.constant 40 : i32
    %dma_wait3A_1104 = arith.constant 40 : i32
    %dma_wait3A_1105 = arith.constant 0 : i32
    %dma_wait3A_1106 = arith.constant 0 : i32
    %dma_wait3A_1107 = tpu.memref_slice %arg6[%dma_wait3A_1104, %dma_wait3A_1105, %dma_wait3A_1106] : memref<52x128x16xf32, #tpu.memory_space<vmem>> -> memref<1x128x16xf32, #tpu.memory_space<vmem>>
    %dma_wait3A_1108 = tpu.memref_squeeze %dma_wait3A_1107 : memref<1x128x16xf32, #tpu.memory_space<vmem>> -> memref<128x16xf32, #tpu.memory_space<vmem>>
    %dma_wait3A_1109 = arith.constant 0 : i32
    %dma_wait3A_1110 = tpu.memref_slice %arg5[%dma_wait3A_1103, %dma_wait3A_1109] : memref<52x128xi32, #tpu.memory_space<vmem>> -> memref<1x128xi32, #tpu.memory_space<vmem>>
    %dma_wait3A_1111 = tpu.memref_squeeze %dma_wait3A_1110 : memref<1x128xi32, #tpu.memory_space<vmem>> -> memref<128xi32, #tpu.memory_space<vmem>>
    %dma_wait3A_1112 = arith.constant 0 : i32
    %dma_wait3A_1113 = arith.constant 0 : i32
    %dma_wait3A_1114 = tpu.memref_slice %arg3[%dma_wait3A_1112, %dma_wait3A_1113] : memref<5324800x16xf32, #tpu.memory_space<hbm>> -> memref<5324800x16xf32, #tpu.memory_space<hbm>>
    tpu.wait_indirect_dma semaphore(%arg7 : memref<!tpu.dma_semaphore, #tpu.memory_space<semaphore_mem>>) src(%dma_wait3A_1114 : memref<5324800x16xf32, #tpu.memory_space<hbm>>) dst(%dma_wait3A_1108 : memref<128x16xf32, #tpu.memory_space<vmem>>)
    %dma_wait3A_1115 = arith.constant 41 : i32
    %dma_wait3A_1116 = arith.constant 41 : i32
    %dma_wait3A_1117 = arith.constant 0 : i32
    %dma_wait3A_1118 = arith.constant 0 : i32
    %dma_wait3A_1119 = tpu.memref_slice %arg6[%dma_wait3A_1116, %dma_wait3A_1117, %dma_wait3A_1118] : memref<52x128x16xf32, #tpu.memory_space<vmem>> -> memref<1x128x16xf32, #tpu.memory_space<vmem>>
    %dma_wait3A_1120 = tpu.memref_squeeze %dma_wait3A_1119 : memref<1x128x16xf32, #tpu.memory_space<vmem>> -> memref<128x16xf32, #tpu.memory_space<vmem>>
    %dma_wait3A_1121 = arith.constant 0 : i32
    %dma_wait3A_1122 = tpu.memref_slice %arg5[%dma_wait3A_1115, %dma_wait3A_1121] : memref<52x128xi32, #tpu.memory_space<vmem>> -> memref<1x128xi32, #tpu.memory_space<vmem>>
    %dma_wait3A_1123 = tpu.memref_squeeze %dma_wait3A_1122 : memref<1x128xi32, #tpu.memory_space<vmem>> -> memref<128xi32, #tpu.memory_space<vmem>>
    %dma_wait3A_1124 = arith.constant 0 : i32
    %dma_wait3A_1125 = arith.constant 0 : i32
    %dma_wait3A_1126 = tpu.memref_slice %arg3[%dma_wait3A_1124, %dma_wait3A_1125] : memref<5324800x16xf32, #tpu.memory_space<hbm>> -> memref<5324800x16xf32, #tpu.memory_space<hbm>>
    tpu.wait_indirect_dma semaphore(%arg7 : memref<!tpu.dma_semaphore, #tpu.memory_space<semaphore_mem>>) src(%dma_wait3A_1126 : memref<5324800x16xf32, #tpu.memory_space<hbm>>) dst(%dma_wait3A_1120 : memref<128x16xf32, #tpu.memory_space<vmem>>)
    %dma_wait3A_1127 = arith.constant 42 : i32
    %dma_wait3A_1128 = arith.constant 42 : i32
    %dma_wait3A_1129 = arith.constant 0 : i32
    %dma_wait3A_1130 = arith.constant 0 : i32
    %dma_wait3A_1131 = tpu.memref_slice %arg6[%dma_wait3A_1128, %dma_wait3A_1129, %dma_wait3A_1130] : memref<52x128x16xf32, #tpu.memory_space<vmem>> -> memref<1x128x16xf32, #tpu.memory_space<vmem>>
    %dma_wait3A_1132 = tpu.memref_squeeze %dma_wait3A_1131 : memref<1x128x16xf32, #tpu.memory_space<vmem>> -> memref<128x16xf32, #tpu.memory_space<vmem>>
    %dma_wait3A_1133 = arith.constant 0 : i32
    %dma_wait3A_1134 = tpu.memref_slice %arg5[%dma_wait3A_1127, %dma_wait3A_1133] : memref<52x128xi32, #tpu.memory_space<vmem>> -> memref<1x128xi32, #tpu.memory_space<vmem>>
    %dma_wait3A_1135 = tpu.memref_squeeze %dma_wait3A_1134 : memref<1x128xi32, #tpu.memory_space<vmem>> -> memref<128xi32, #tpu.memory_space<vmem>>
    %dma_wait3A_1136 = arith.constant 0 : i32
    %dma_wait3A_1137 = arith.constant 0 : i32
    %dma_wait3A_1138 = tpu.memref_slice %arg3[%dma_wait3A_1136, %dma_wait3A_1137] : memref<5324800x16xf32, #tpu.memory_space<hbm>> -> memref<5324800x16xf32, #tpu.memory_space<hbm>>
    tpu.wait_indirect_dma semaphore(%arg7 : memref<!tpu.dma_semaphore, #tpu.memory_space<semaphore_mem>>) src(%dma_wait3A_1138 : memref<5324800x16xf32, #tpu.memory_space<hbm>>) dst(%dma_wait3A_1132 : memref<128x16xf32, #tpu.memory_space<vmem>>)
    %dma_wait3A_1139 = arith.constant 43 : i32
    %dma_wait3A_1140 = arith.constant 43 : i32
    %dma_wait3A_1141 = arith.constant 0 : i32
    %dma_wait3A_1142 = arith.constant 0 : i32
    %dma_wait3A_1143 = tpu.memref_slice %arg6[%dma_wait3A_1140, %dma_wait3A_1141, %dma_wait3A_1142] : memref<52x128x16xf32, #tpu.memory_space<vmem>> -> memref<1x128x16xf32, #tpu.memory_space<vmem>>
    %dma_wait3A_1144 = tpu.memref_squeeze %dma_wait3A_1143 : memref<1x128x16xf32, #tpu.memory_space<vmem>> -> memref<128x16xf32, #tpu.memory_space<vmem>>
    %dma_wait3A_1145 = arith.constant 0 : i32
    %dma_wait3A_1146 = tpu.memref_slice %arg5[%dma_wait3A_1139, %dma_wait3A_1145] : memref<52x128xi32, #tpu.memory_space<vmem>> -> memref<1x128xi32, #tpu.memory_space<vmem>>
    %dma_wait3A_1147 = tpu.memref_squeeze %dma_wait3A_1146 : memref<1x128xi32, #tpu.memory_space<vmem>> -> memref<128xi32, #tpu.memory_space<vmem>>
    %dma_wait3A_1148 = arith.constant 0 : i32
    %dma_wait3A_1149 = arith.constant 0 : i32
    %dma_wait3A_1150 = tpu.memref_slice %arg3[%dma_wait3A_1148, %dma_wait3A_1149] : memref<5324800x16xf32, #tpu.memory_space<hbm>> -> memref<5324800x16xf32, #tpu.memory_space<hbm>>
    tpu.wait_indirect_dma semaphore(%arg7 : memref<!tpu.dma_semaphore, #tpu.memory_space<semaphore_mem>>) src(%dma_wait3A_1150 : memref<5324800x16xf32, #tpu.memory_space<hbm>>) dst(%dma_wait3A_1144 : memref<128x16xf32, #tpu.memory_space<vmem>>)
    %dma_wait3A_1151 = arith.constant 44 : i32
    %dma_wait3A_1152 = arith.constant 44 : i32
    %dma_wait3A_1153 = arith.constant 0 : i32
    %dma_wait3A_1154 = arith.constant 0 : i32
    %dma_wait3A_1155 = tpu.memref_slice %arg6[%dma_wait3A_1152, %dma_wait3A_1153, %dma_wait3A_1154] : memref<52x128x16xf32, #tpu.memory_space<vmem>> -> memref<1x128x16xf32, #tpu.memory_space<vmem>>
    %dma_wait3A_1156 = tpu.memref_squeeze %dma_wait3A_1155 : memref<1x128x16xf32, #tpu.memory_space<vmem>> -> memref<128x16xf32, #tpu.memory_space<vmem>>
    %dma_wait3A_1157 = arith.constant 0 : i32
    %dma_wait3A_1158 = tpu.memref_slice %arg5[%dma_wait3A_1151, %dma_wait3A_1157] : memref<52x128xi32, #tpu.memory_space<vmem>> -> memref<1x128xi32, #tpu.memory_space<vmem>>
    %dma_wait3A_1159 = tpu.memref_squeeze %dma_wait3A_1158 : memref<1x128xi32, #tpu.memory_space<vmem>> -> memref<128xi32, #tpu.memory_space<vmem>>
    %dma_wait3A_1160 = arith.constant 0 : i32
    %dma_wait3A_1161 = arith.constant 0 : i32
    %dma_wait3A_1162 = tpu.memref_slice %arg3[%dma_wait3A_1160, %dma_wait3A_1161] : memref<5324800x16xf32, #tpu.memory_space<hbm>> -> memref<5324800x16xf32, #tpu.memory_space<hbm>>
    tpu.wait_indirect_dma semaphore(%arg7 : memref<!tpu.dma_semaphore, #tpu.memory_space<semaphore_mem>>) src(%dma_wait3A_1162 : memref<5324800x16xf32, #tpu.memory_space<hbm>>) dst(%dma_wait3A_1156 : memref<128x16xf32, #tpu.memory_space<vmem>>)
    %dma_wait3A_1163 = arith.constant 45 : i32
    %dma_wait3A_1164 = arith.constant 45 : i32
    %dma_wait3A_1165 = arith.constant 0 : i32
    %dma_wait3A_1166 = arith.constant 0 : i32
    %dma_wait3A_1167 = tpu.memref_slice %arg6[%dma_wait3A_1164, %dma_wait3A_1165, %dma_wait3A_1166] : memref<52x128x16xf32, #tpu.memory_space<vmem>> -> memref<1x128x16xf32, #tpu.memory_space<vmem>>
    %dma_wait3A_1168 = tpu.memref_squeeze %dma_wait3A_1167 : memref<1x128x16xf32, #tpu.memory_space<vmem>> -> memref<128x16xf32, #tpu.memory_space<vmem>>
    %dma_wait3A_1169 = arith.constant 0 : i32
    %dma_wait3A_1170 = tpu.memref_slice %arg5[%dma_wait3A_1163, %dma_wait3A_1169] : memref<52x128xi32, #tpu.memory_space<vmem>> -> memref<1x128xi32, #tpu.memory_space<vmem>>
    %dma_wait3A_1171 = tpu.memref_squeeze %dma_wait3A_1170 : memref<1x128xi32, #tpu.memory_space<vmem>> -> memref<128xi32, #tpu.memory_space<vmem>>
    %dma_wait3A_1172 = arith.constant 0 : i32
    %dma_wait3A_1173 = arith.constant 0 : i32
    %dma_wait3A_1174 = tpu.memref_slice %arg3[%dma_wait3A_1172, %dma_wait3A_1173] : memref<5324800x16xf32, #tpu.memory_space<hbm>> -> memref<5324800x16xf32, #tpu.memory_space<hbm>>
    tpu.wait_indirect_dma semaphore(%arg7 : memref<!tpu.dma_semaphore, #tpu.memory_space<semaphore_mem>>) src(%dma_wait3A_1174 : memref<5324800x16xf32, #tpu.memory_space<hbm>>) dst(%dma_wait3A_1168 : memref<128x16xf32, #tpu.memory_space<vmem>>)
    %dma_wait3A_1175 = arith.constant 46 : i32
    %dma_wait3A_1176 = arith.constant 46 : i32
    %dma_wait3A_1177 = arith.constant 0 : i32
    %dma_wait3A_1178 = arith.constant 0 : i32
    %dma_wait3A_1179 = tpu.memref_slice %arg6[%dma_wait3A_1176, %dma_wait3A_1177, %dma_wait3A_1178] : memref<52x128x16xf32, #tpu.memory_space<vmem>> -> memref<1x128x16xf32, #tpu.memory_space<vmem>>
    %dma_wait3A_1180 = tpu.memref_squeeze %dma_wait3A_1179 : memref<1x128x16xf32, #tpu.memory_space<vmem>> -> memref<128x16xf32, #tpu.memory_space<vmem>>
    %dma_wait3A_1181 = arith.constant 0 : i32
    %dma_wait3A_1182 = tpu.memref_slice %arg5[%dma_wait3A_1175, %dma_wait3A_1181] : memref<52x128xi32, #tpu.memory_space<vmem>> -> memref<1x128xi32, #tpu.memory_space<vmem>>
    %dma_wait3A_1183 = tpu.memref_squeeze %dma_wait3A_1182 : memref<1x128xi32, #tpu.memory_space<vmem>> -> memref<128xi32, #tpu.memory_space<vmem>>
    %dma_wait3A_1184 = arith.constant 0 : i32
    %dma_wait3A_1185 = arith.constant 0 : i32
    %dma_wait3A_1186 = tpu.memref_slice %arg3[%dma_wait3A_1184, %dma_wait3A_1185] : memref<5324800x16xf32, #tpu.memory_space<hbm>> -> memref<5324800x16xf32, #tpu.memory_space<hbm>>
    tpu.wait_indirect_dma semaphore(%arg7 : memref<!tpu.dma_semaphore, #tpu.memory_space<semaphore_mem>>) src(%dma_wait3A_1186 : memref<5324800x16xf32, #tpu.memory_space<hbm>>) dst(%dma_wait3A_1180 : memref<128x16xf32, #tpu.memory_space<vmem>>)
    %dma_wait3A_1187 = arith.constant 47 : i32
    %dma_wait3A_1188 = arith.constant 47 : i32
    %dma_wait3A_1189 = arith.constant 0 : i32
    %dma_wait3A_1190 = arith.constant 0 : i32
    %dma_wait3A_1191 = tpu.memref_slice %arg6[%dma_wait3A_1188, %dma_wait3A_1189, %dma_wait3A_1190] : memref<52x128x16xf32, #tpu.memory_space<vmem>> -> memref<1x128x16xf32, #tpu.memory_space<vmem>>
    %dma_wait3A_1192 = tpu.memref_squeeze %dma_wait3A_1191 : memref<1x128x16xf32, #tpu.memory_space<vmem>> -> memref<128x16xf32, #tpu.memory_space<vmem>>
    %dma_wait3A_1193 = arith.constant 0 : i32
    %dma_wait3A_1194 = tpu.memref_slice %arg5[%dma_wait3A_1187, %dma_wait3A_1193] : memref<52x128xi32, #tpu.memory_space<vmem>> -> memref<1x128xi32, #tpu.memory_space<vmem>>
    %dma_wait3A_1195 = tpu.memref_squeeze %dma_wait3A_1194 : memref<1x128xi32, #tpu.memory_space<vmem>> -> memref<128xi32, #tpu.memory_space<vmem>>
    %dma_wait3A_1196 = arith.constant 0 : i32
    %dma_wait3A_1197 = arith.constant 0 : i32
    %dma_wait3A_1198 = tpu.memref_slice %arg3[%dma_wait3A_1196, %dma_wait3A_1197] : memref<5324800x16xf32, #tpu.memory_space<hbm>> -> memref<5324800x16xf32, #tpu.memory_space<hbm>>
    tpu.wait_indirect_dma semaphore(%arg7 : memref<!tpu.dma_semaphore, #tpu.memory_space<semaphore_mem>>) src(%dma_wait3A_1198 : memref<5324800x16xf32, #tpu.memory_space<hbm>>) dst(%dma_wait3A_1192 : memref<128x16xf32, #tpu.memory_space<vmem>>)
    %dma_wait3A_1199 = arith.constant 48 : i32
    %dma_wait3A_1200 = arith.constant 48 : i32
    %dma_wait3A_1201 = arith.constant 0 : i32
    %dma_wait3A_1202 = arith.constant 0 : i32
    %dma_wait3A_1203 = tpu.memref_slice %arg6[%dma_wait3A_1200, %dma_wait3A_1201, %dma_wait3A_1202] : memref<52x128x16xf32, #tpu.memory_space<vmem>> -> memref<1x128x16xf32, #tpu.memory_space<vmem>>
    %dma_wait3A_1204 = tpu.memref_squeeze %dma_wait3A_1203 : memref<1x128x16xf32, #tpu.memory_space<vmem>> -> memref<128x16xf32, #tpu.memory_space<vmem>>
    %dma_wait3A_1205 = arith.constant 0 : i32
    %dma_wait3A_1206 = tpu.memref_slice %arg5[%dma_wait3A_1199, %dma_wait3A_1205] : memref<52x128xi32, #tpu.memory_space<vmem>> -> memref<1x128xi32, #tpu.memory_space<vmem>>
    %dma_wait3A_1207 = tpu.memref_squeeze %dma_wait3A_1206 : memref<1x128xi32, #tpu.memory_space<vmem>> -> memref<128xi32, #tpu.memory_space<vmem>>
    %dma_wait3A_1208 = arith.constant 0 : i32
    %dma_wait3A_1209 = arith.constant 0 : i32
    %dma_wait3A_1210 = tpu.memref_slice %arg3[%dma_wait3A_1208, %dma_wait3A_1209] : memref<5324800x16xf32, #tpu.memory_space<hbm>> -> memref<5324800x16xf32, #tpu.memory_space<hbm>>
    tpu.wait_indirect_dma semaphore(%arg7 : memref<!tpu.dma_semaphore, #tpu.memory_space<semaphore_mem>>) src(%dma_wait3A_1210 : memref<5324800x16xf32, #tpu.memory_space<hbm>>) dst(%dma_wait3A_1204 : memref<128x16xf32, #tpu.memory_space<vmem>>)
    %dma_wait3A_1211 = arith.constant 49 : i32
    %dma_wait3A_1212 = arith.constant 49 : i32
    %dma_wait3A_1213 = arith.constant 0 : i32
    %dma_wait3A_1214 = arith.constant 0 : i32
    %dma_wait3A_1215 = tpu.memref_slice %arg6[%dma_wait3A_1212, %dma_wait3A_1213, %dma_wait3A_1214] : memref<52x128x16xf32, #tpu.memory_space<vmem>> -> memref<1x128x16xf32, #tpu.memory_space<vmem>>
    %dma_wait3A_1216 = tpu.memref_squeeze %dma_wait3A_1215 : memref<1x128x16xf32, #tpu.memory_space<vmem>> -> memref<128x16xf32, #tpu.memory_space<vmem>>
    %dma_wait3A_1217 = arith.constant 0 : i32
    %dma_wait3A_1218 = tpu.memref_slice %arg5[%dma_wait3A_1211, %dma_wait3A_1217] : memref<52x128xi32, #tpu.memory_space<vmem>> -> memref<1x128xi32, #tpu.memory_space<vmem>>
    %dma_wait3A_1219 = tpu.memref_squeeze %dma_wait3A_1218 : memref<1x128xi32, #tpu.memory_space<vmem>> -> memref<128xi32, #tpu.memory_space<vmem>>
    %dma_wait3A_1220 = arith.constant 0 : i32
    %dma_wait3A_1221 = arith.constant 0 : i32
    %dma_wait3A_1222 = tpu.memref_slice %arg3[%dma_wait3A_1220, %dma_wait3A_1221] : memref<5324800x16xf32, #tpu.memory_space<hbm>> -> memref<5324800x16xf32, #tpu.memory_space<hbm>>
    tpu.wait_indirect_dma semaphore(%arg7 : memref<!tpu.dma_semaphore, #tpu.memory_space<semaphore_mem>>) src(%dma_wait3A_1222 : memref<5324800x16xf32, #tpu.memory_space<hbm>>) dst(%dma_wait3A_1216 : memref<128x16xf32, #tpu.memory_space<vmem>>)
    %dma_wait3A_1223 = arith.constant 50 : i32
    %dma_wait3A_1224 = arith.constant 50 : i32
    %dma_wait3A_1225 = arith.constant 0 : i32
    %dma_wait3A_1226 = arith.constant 0 : i32
    %dma_wait3A_1227 = tpu.memref_slice %arg6[%dma_wait3A_1224, %dma_wait3A_1225, %dma_wait3A_1226] : memref<52x128x16xf32, #tpu.memory_space<vmem>> -> memref<1x128x16xf32, #tpu.memory_space<vmem>>
    %dma_wait3A_1228 = tpu.memref_squeeze %dma_wait3A_1227 : memref<1x128x16xf32, #tpu.memory_space<vmem>> -> memref<128x16xf32, #tpu.memory_space<vmem>>
    %dma_wait3A_1229 = arith.constant 0 : i32
    %dma_wait3A_1230 = tpu.memref_slice %arg5[%dma_wait3A_1223, %dma_wait3A_1229] : memref<52x128xi32, #tpu.memory_space<vmem>> -> memref<1x128xi32, #tpu.memory_space<vmem>>
    %dma_wait3A_1231 = tpu.memref_squeeze %dma_wait3A_1230 : memref<1x128xi32, #tpu.memory_space<vmem>> -> memref<128xi32, #tpu.memory_space<vmem>>
    %dma_wait3A_1232 = arith.constant 0 : i32
    %dma_wait3A_1233 = arith.constant 0 : i32
    %dma_wait3A_1234 = tpu.memref_slice %arg3[%dma_wait3A_1232, %dma_wait3A_1233] : memref<5324800x16xf32, #tpu.memory_space<hbm>> -> memref<5324800x16xf32, #tpu.memory_space<hbm>>
    tpu.wait_indirect_dma semaphore(%arg7 : memref<!tpu.dma_semaphore, #tpu.memory_space<semaphore_mem>>) src(%dma_wait3A_1234 : memref<5324800x16xf32, #tpu.memory_space<hbm>>) dst(%dma_wait3A_1228 : memref<128x16xf32, #tpu.memory_space<vmem>>)
    %dma_wait3A_1235 = arith.constant 51 : i32
    %dma_wait3A_1236 = arith.constant 51 : i32
    %dma_wait3A_1237 = arith.constant 0 : i32
    %dma_wait3A_1238 = arith.constant 0 : i32
    %dma_wait3A_1239 = tpu.memref_slice %arg6[%dma_wait3A_1236, %dma_wait3A_1237, %dma_wait3A_1238] : memref<52x128x16xf32, #tpu.memory_space<vmem>> -> memref<1x128x16xf32, #tpu.memory_space<vmem>>
    %dma_wait3A_1240 = tpu.memref_squeeze %dma_wait3A_1239 : memref<1x128x16xf32, #tpu.memory_space<vmem>> -> memref<128x16xf32, #tpu.memory_space<vmem>>
    %dma_wait3A_1241 = arith.constant 0 : i32
    %dma_wait3A_1242 = tpu.memref_slice %arg5[%dma_wait3A_1235, %dma_wait3A_1241] : memref<52x128xi32, #tpu.memory_space<vmem>> -> memref<1x128xi32, #tpu.memory_space<vmem>>
    %dma_wait3A_1243 = tpu.memref_squeeze %dma_wait3A_1242 : memref<1x128xi32, #tpu.memory_space<vmem>> -> memref<128xi32, #tpu.memory_space<vmem>>
    %dma_wait3A_1244 = arith.constant 0 : i32
    %dma_wait3A_1245 = arith.constant 0 : i32
    %dma_wait3A_1246 = tpu.memref_slice %arg3[%dma_wait3A_1244, %dma_wait3A_1245] : memref<5324800x16xf32, #tpu.memory_space<hbm>> -> memref<5324800x16xf32, #tpu.memory_space<hbm>>
    tpu.wait_indirect_dma semaphore(%arg7 : memref<!tpu.dma_semaphore, #tpu.memory_space<semaphore_mem>>) src(%dma_wait3A_1246 : memref<5324800x16xf32, #tpu.memory_space<hbm>>) dst(%dma_wait3A_1240 : memref<128x16xf32, #tpu.memory_space<vmem>>)
    "tpu.region"() ({
      %run_scoped3A = tpu.sem_alloc : memref<!tpu.dma_semaphore, #tpu.memory_space<semaphore_mem>>
      %dma_start3A_1247 = arith.constant 0 : i32
      %dma_start3A_1248 = arith.constant 0 : i32
      %dma_start3A_1249 = arith.constant 0 : i32
      %dma_start3A_1250 = tpu.memref_slice %arg4[%add3A, %dma_start3A_1247, %dma_start3A_1248, %dma_start3A_1249] : memref<32x52x128x16xf32, #tpu.memory_space<hbm>> -> memref<1x52x128x16xf32, #tpu.memory_space<hbm>>
      %dma_start3A_1251 = tpu.memref_squeeze %dma_start3A_1250 : memref<1x52x128x16xf32, #tpu.memory_space<hbm>> -> memref<52x128x16xf32, #tpu.memory_space<hbm>>
      %dma_start3A_1252 = arith.constant 0 : i32
      %dma_start3A_1253 = arith.constant 0 : i32
      %dma_start3A_1254 = arith.constant 0 : i32
      %dma_start3A_1255 = tpu.memref_slice %arg4[%add3A, %dma_start3A_1252, %dma_start3A_1253, %dma_start3A_1254] : memref<32x52x128x16xf32, #tpu.memory_space<hbm>> -> memref<1x52x128x16xf32, #tpu.memory_space<hbm>>
      %dma_start3A_1256 = tpu.memref_squeeze %dma_start3A_1255 : memref<1x52x128x16xf32, #tpu.memory_space<hbm>> -> memref<52x128x16xf32, #tpu.memory_space<hbm>>
      tpu.enqueue_dma source(%arg6 : memref<52x128x16xf32, #tpu.memory_space<vmem>>) target(%dma_start3A_1256 : memref<52x128x16xf32, #tpu.memory_space<hbm>>) target_semaphore(%run_scoped3A : memref<!tpu.dma_semaphore, #tpu.memory_space<semaphore_mem>>)
      %dma_wait3A_1257 = arith.constant 0 : i32
      %dma_wait3A_1258 = arith.constant 0 : i32
      %dma_wait3A_1259 = arith.constant 0 : i32
      %dma_wait3A_1260 = tpu.memref_slice %arg4[%add3A, %dma_wait3A_1257, %dma_wait3A_1258, %dma_wait3A_1259] : memref<32x52x128x16xf32, #tpu.memory_space<hbm>> -> memref<1x52x128x16xf32, #tpu.memory_space<hbm>>
      %dma_wait3A_1261 = tpu.memref_squeeze %dma_wait3A_1260 : memref<1x52x128x16xf32, #tpu.memory_space<hbm>> -> memref<52x128x16xf32, #tpu.memory_space<hbm>>
      %dma_wait3A_1262 = arith.constant 0 : i32
      %dma_wait3A_1263 = arith.constant 0 : i32
      %dma_wait3A_1264 = arith.constant 0 : i32
      %dma_wait3A_1265 = tpu.memref_slice %arg4[%add3A, %dma_wait3A_1262, %dma_wait3A_1263, %dma_wait3A_1264] : memref<32x52x128x16xf32, #tpu.memory_space<hbm>> -> memref<1x52x128x16xf32, #tpu.memory_space<hbm>>
      %dma_wait3A_1266 = tpu.memref_squeeze %dma_wait3A_1265 : memref<1x52x128x16xf32, #tpu.memory_space<hbm>> -> memref<52x128x16xf32, #tpu.memory_space<hbm>>
      tpu.wait_dma2 semaphore(%run_scoped3A : memref<!tpu.dma_semaphore, #tpu.memory_space<semaphore_mem>>) src(%arg6 : memref<52x128x16xf32, #tpu.memory_space<vmem>>) dst(%dma_wait3A_1266 : memref<52x128x16xf32, #tpu.memory_space<hbm>>)
      tpu.yield
    }) : () -> ()
    return
  }
}

module attributes {stable_mosaic.version = 14 : i64} {
  func.func @body(%arg0: i32, %arg1: i32, %arg2: memref<1x16x51200xf32, #tpu.memory_space<vmem>>, %arg3: memref<1x6400x128xf32, #tpu.memory_space<vmem>>) attributes {dimension_semantics = [#tpu.dimension_semantics<arbitrary>, #tpu.dimension_semantics<arbitrary>], iteration_bounds = array<i64: 52, 2>, scalar_prefetch = 0 : i64, scratch_operands = 0 : i64, tpu.core_type = #tpu.core_type<tc>, window_params = [{transform_indices = @transform_0, window_bounds = array<i64: 1, 16, 51200>}, {transform_indices = @transform_1, window_bounds = array<i64: 1, 6400, 128>}]} {
    %get3A = arith.constant 0 : index
    %get3A_0 = arith.constant 0 : index
    %get3A_1 = arith.constant 0 : index
    %get3A_2 = vector.load %arg2[%get3A, %get3A_0, %get3A_1] : memref<1x16x51200xf32, #tpu.memory_space<vmem>>, vector<1x16x51200xf32>
    %get3A_3 = vector.shape_cast %get3A_2 : vector<1x16x51200xf32> to vector<16x51200xf32>
    %slice3A = vector.extract_strided_slice %get3A_3 {offsets = [0, 0], sizes = [16, 6400], strides = [1, 1]} : vector<16x51200xf32> to vector<16x6400xf32>
    %slice3A_4 = vector.extract_strided_slice %get3A_3 {offsets = [0, 6400], sizes = [16, 6400], strides = [1, 1]} : vector<16x51200xf32> to vector<16x6400xf32>
    %slice3A_5 = vector.extract_strided_slice %get3A_3 {offsets = [0, 12800], sizes = [16, 6400], strides = [1, 1]} : vector<16x51200xf32> to vector<16x6400xf32>
    %slice3A_6 = vector.extract_strided_slice %get3A_3 {offsets = [0, 19200], sizes = [16, 6400], strides = [1, 1]} : vector<16x51200xf32> to vector<16x6400xf32>
    %slice3A_7 = vector.extract_strided_slice %get3A_3 {offsets = [0, 25600], sizes = [16, 6400], strides = [1, 1]} : vector<16x51200xf32> to vector<16x6400xf32>
    %slice3A_8 = vector.extract_strided_slice %get3A_3 {offsets = [0, 32000], sizes = [16, 6400], strides = [1, 1]} : vector<16x51200xf32> to vector<16x6400xf32>
    %slice3A_9 = vector.extract_strided_slice %get3A_3 {offsets = [0, 38400], sizes = [16, 6400], strides = [1, 1]} : vector<16x51200xf32> to vector<16x6400xf32>
    %slice3A_10 = vector.extract_strided_slice %get3A_3 {offsets = [0, 44800], sizes = [16, 6400], strides = [1, 1]} : vector<16x51200xf32> to vector<16x6400xf32>
    %concatenate3A = tpu.concatenate %slice3A, %slice3A_4, %slice3A_5, %slice3A_6, %slice3A_7, %slice3A_8, %slice3A_9, %slice3A_10 in 0 : vector<16x6400xf32>, vector<16x6400xf32>, vector<16x6400xf32>, vector<16x6400xf32>, vector<16x6400xf32>, vector<16x6400xf32>, vector<16x6400xf32>, vector<16x6400xf32> -> vector<128x6400xf32>
    %transpose3A = tpu.transpose %concatenate3A, [1, 0] : vector<128x6400xf32> -> vector<6400x128xf32>
    %swap3A = arith.constant 0 : index
    %swap3A_11 = arith.constant 0 : index
    %swap3A_12 = arith.constant 0 : index
    %swap3A_13 = vector.load %arg3[%swap3A, %swap3A_11, %swap3A_12] : memref<1x6400x128xf32, #tpu.memory_space<vmem>>, vector<1x6400x128xf32>
    %swap3A_14 = vector.shape_cast %swap3A_13 : vector<1x6400x128xf32> to vector<6400x128xf32>
    %swap3A_15 = vector.shape_cast %transpose3A : vector<6400x128xf32> to vector<1x6400x128xf32>
    tpu.vector_store %arg3[%swap3A, %swap3A_11, %swap3A_12], %swap3A_15 {strides = array<i32>} : memref<1x6400x128xf32, #tpu.memory_space<vmem>>, vector<1x6400x128xf32>,
    return
  }
  func.func @transform_0(%arg0: i32, %arg1: i32) -> (i32, i32, i32) {
    %c0_i32 = arith.constant 0 : i32
    %c0_i32_0 = arith.constant 0 : i32
    return %arg0, %c0_i32, %arg1 : i32, i32, i32
  }
  func.func @transform_1(%arg0: i32, %arg1: i32) -> (i32, i32, i32) {
    %c0_i32 = arith.constant 0 : i32
    %c0_i32_0 = arith.constant 0 : i32
    return %arg0, %arg1, %c0_i32 : i32, i32, i32
  }
}

module attributes {stable_mosaic.version = 14 : i64} {
  func.func @_tc_body(%arg0: i32, %arg1: memref<13x512xf32, #tpu.memory_space<vmem>>, %arg2: memref<832x512xf32, #tpu.memory_space<vmem>>, %arg3: memref<512x13xf32, #tpu.memory_space<vmem>>, %arg4: memref<512x1xf32, #tpu.memory_space<vmem>>, %arg5: memref<256x512xf32, #tpu.memory_space<vmem>>, %arg6: memref<256x1xf32, #tpu.memory_space<vmem>>, %arg7: memref<32x256xf32, #tpu.memory_space<vmem>>, %arg8: memref<32x1xf32, #tpu.memory_space<vmem>>, %arg9: memref<512x32xf32, #tpu.memory_space<vmem>>, %arg10: memref<512x351xf32, #tpu.memory_space<vmem>>, %arg11: memref<512x1xf32, #tpu.memory_space<vmem>>, %arg12: memref<512x512xf32, #tpu.memory_space<vmem>>, %arg13: memref<512x1xf32, #tpu.memory_space<vmem>>, %arg14: memref<256x512xf32, #tpu.memory_space<vmem>>, %arg15: memref<256x1xf32, #tpu.memory_space<vmem>>, %arg16: memref<1x256xf32, #tpu.memory_space<vmem>>, %arg17: memref<1x1xf32, #tpu.memory_space<vmem>>, %arg18: memref<1x512xf32, #tpu.memory_space<vmem>>) attributes {dimension_semantics = [#tpu.dimension_semantics<arbitrary>], iteration_bounds = array<i64: 8>, scalar_prefetch = 0 : i64, scratch_operands = 0 : i64, tpu.core_type = #tpu.core_type<tc>, window_params = [{transform_indices = @transform_0, window_bounds = array<i64: 13, 512>}, {transform_indices = @transform_1, window_bounds = array<i64: 832, 512>}, {pipeline_mode = #tpu.pipeline_mode<synchronous>, transform_indices = @transform_2, window_bounds = array<i64: 512, 13>}, {pipeline_mode = #tpu.pipeline_mode<synchronous>, transform_indices = @transform_3, window_bounds = array<i64: 512, 1>}, {pipeline_mode = #tpu.pipeline_mode<synchronous>, transform_indices = @transform_4, window_bounds = array<i64: 256, 512>}, {pipeline_mode = #tpu.pipeline_mode<synchronous>, transform_indices = @transform_5, window_bounds = array<i64: 256, 1>}, {pipeline_mode = #tpu.pipeline_mode<synchronous>, transform_indices = @transform_6, window_bounds = array<i64: 32, 256>}, {pipeline_mode = #tpu.pipeline_mode<synchronous>, transform_indices = @transform_7, window_bounds = array<i64: 32, 1>}, {pipeline_mode = #tpu.pipeline_mode<synchronous>, transform_indices = @transform_8, window_bounds = array<i64: 512, 32>}, {pipeline_mode = #tpu.pipeline_mode<synchronous>, transform_indices = @transform_9, window_bounds = array<i64: 512, 351>}, {pipeline_mode = #tpu.pipeline_mode<synchronous>, transform_indices = @transform_10, window_bounds = array<i64: 512, 1>}, {pipeline_mode = #tpu.pipeline_mode<synchronous>, transform_indices = @transform_11, window_bounds = array<i64: 512, 512>}, {pipeline_mode = #tpu.pipeline_mode<synchronous>, transform_indices = @transform_12, window_bounds = array<i64: 512, 1>}, {pipeline_mode = #tpu.pipeline_mode<synchronous>, transform_indices = @transform_13, window_bounds = array<i64: 256, 512>}, {pipeline_mode = #tpu.pipeline_mode<synchronous>, transform_indices = @transform_14, window_bounds = array<i64: 256, 1>}, {pipeline_mode = #tpu.pipeline_mode<synchronous>, transform_indices = @transform_15, window_bounds = array<i64: 1, 256>}, {pipeline_mode = #tpu.pipeline_mode<synchronous>, transform_indices = @transform_16, window_bounds = array<i64: 1, 1>}, {transform_indices = @transform_17, window_bounds = array<i64: 1, 512>}]} {
    %get3A = arith.constant 0 : index
    %get3A_0 = arith.constant 0 : index
    %get3A_1 = vector.load %arg3[%get3A, %get3A_0] : memref<512x13xf32, #tpu.memory_space<vmem>>, vector<512x13xf32>
    %get3A_2 = arith.constant 0 : index
    %get3A_3 = arith.constant 0 : index
    %get3A_4 = vector.load %arg1[%get3A_2, %get3A_3] : memref<13x512xf32, #tpu.memory_space<vmem>>, vector<13x512xf32>
    %dot_general3A = arith.constant dense<0.000000e+00> : vector<512x512xf32>
    %dot_general3A_5 = tpu.matmul %get3A_1, %get3A_4, %dot_general3A {dimension_numbers = #tpu.dot_dimension_numbers<[1], [0], [0], [1], [0, 0, 1, 1], [], []>, transpose_lhs_hint = false} : vector<512x13xf32>, vector<13x512xf32>, vector<512x512xf32> -> vector<512x512xf32>
    %get3A_6 = arith.constant 0 : index
    %get3A_7 = arith.constant 0 : index
    %get3A_8 = vector.load %arg4[%get3A_6, %get3A_7] : memref<512x1xf32, #tpu.memory_space<vmem>>, vector<512x1xf32>
    %add3A = vector.broadcast %get3A_8 : vector<512x1xf32> to vector<512x512xf32>
    %add3A_9 = arith.addf %dot_general3A_5, %add3A : vector<512x512xf32>
    %max3A = arith.constant 0.000000e+00 : f32
    %max3A_10 = vector.broadcast %max3A : f32 to vector<512x512xf32>
    %max3A_11 = arith.maximumf %add3A_9, %max3A_10 : vector<512x512xf32>
    %get3A_12 = arith.constant 0 : index
    %get3A_13 = arith.constant 0 : index
    %get3A_14 = vector.load %arg5[%get3A_12, %get3A_13] : memref<256x512xf32, #tpu.memory_space<vmem>>, vector<256x512xf32>
    %dot_general3A_15 = arith.constant dense<0.000000e+00> : vector<256x512xf32>
    %dot_general3A_16 = tpu.matmul %get3A_14, %max3A_11, %dot_general3A_15 {dimension_numbers = #tpu.dot_dimension_numbers<[1], [0], [0], [1], [0, 0, 1, 1], [], []>, transpose_lhs_hint = false} : vector<256x512xf32>, vector<512x512xf32>, vector<256x512xf32> -> vector<256x512xf32>
    %get3A_17 = arith.constant 0 : index
    %get3A_18 = arith.constant 0 : index
    %get3A_19 = vector.load %arg6[%get3A_17, %get3A_18] : memref<256x1xf32, #tpu.memory_space<vmem>>, vector<256x1xf32>
    %add3A_20 = vector.broadcast %get3A_19 : vector<256x1xf32> to vector<256x512xf32>
    %add3A_21 = arith.addf %dot_general3A_16, %add3A_20 : vector<256x512xf32>
    %max3A_22 = arith.constant 0.000000e+00 : f32
    %max3A_23 = vector.broadcast %max3A_22 : f32 to vector<256x512xf32>
    %max3A_24 = arith.maximumf %add3A_21, %max3A_23 : vector<256x512xf32>
    %get3A_25 = arith.constant 0 : index
    %get3A_26 = arith.constant 0 : index
    %get3A_27 = vector.load %arg7[%get3A_25, %get3A_26] : memref<32x256xf32, #tpu.memory_space<vmem>>, vector<32x256xf32>
    %dot_general3A_28 = arith.constant dense<0.000000e+00> : vector<32x512xf32>
    %dot_general3A_29 = tpu.matmul %get3A_27, %max3A_24, %dot_general3A_28 {dimension_numbers = #tpu.dot_dimension_numbers<[1], [0], [0], [1], [0, 0, 1, 1], [], []>, transpose_lhs_hint = false} : vector<32x256xf32>, vector<256x512xf32>, vector<32x512xf32> -> vector<32x512xf32>
    %get3A_30 = arith.constant 0 : index
    %get3A_31 = arith.constant 0 : index
    %get3A_32 = vector.load %arg8[%get3A_30, %get3A_31] : memref<32x1xf32, #tpu.memory_space<vmem>>, vector<32x1xf32>
    %add3A_33 = vector.broadcast %get3A_32 : vector<32x1xf32> to vector<32x512xf32>
    %add3A_34 = arith.addf %dot_general3A_29, %add3A_33 : vector<32x512xf32>
    %max3A_35 = arith.constant 0.000000e+00 : f32
    %max3A_36 = vector.broadcast %max3A_35 : f32 to vector<32x512xf32>
    %max3A_37 = arith.maximumf %add3A_34, %max3A_36 : vector<32x512xf32>
    %get3A_38 = arith.constant 0 : index
    %get3A_39 = arith.constant 0 : index
    %get3A_40 = vector.load %arg2[%get3A_38, %get3A_39] : memref<832x512xf32, #tpu.memory_space<vmem>>, vector<832x512xf32>
    %concatenate3A = tpu.concatenate %max3A_37, %get3A_40 in 0 : vector<32x512xf32>, vector<832x512xf32> -> vector<864x512xf32>
    %slice3A = vector.extract_strided_slice %concatenate3A {offsets = [32, 0], sizes = [832, 512], strides = [1, 1]} : vector<864x512xf32> to vector<832x512xf32>
    %slice3A_41 = vector.extract_strided_slice %concatenate3A {offsets = [0, 0], sizes = [32, 512], strides = [1, 1]} : vector<864x512xf32> to vector<32x512xf32>
    %concatenate3A_42 = tpu.concatenate %slice3A, %slice3A_41 in 0 : vector<832x512xf32>, vector<32x512xf32> -> vector<864x512xf32>
    %mul3A = arith.mulf %concatenate3A, %concatenate3A_42 : vector<864x512xf32>
    %reshape3A = vector.shape_cast %mul3A : vector<864x512xf32> to vector<27x32x512xf32>
    %slice3A_43 = vector.extract_strided_slice %reshape3A {offsets = [0, 0, 0], sizes = [27, 16, 512], strides = [1, 1, 1]} : vector<27x32x512xf32> to vector<27x16x512xf32>
    %slice3A_44 = vector.extract_strided_slice %reshape3A {offsets = [0, 16, 0], sizes = [27, 16, 512], strides = [1, 1, 1]} : vector<27x32x512xf32> to vector<27x16x512xf32>
    %add3A_45 = arith.addf %slice3A_43, %slice3A_44 : vector<27x16x512xf32>
    %slice3A_46 = vector.extract_strided_slice %add3A_45 {offsets = [0, 0, 0], sizes = [27, 8, 512], strides = [1, 1, 1]} : vector<27x16x512xf32> to vector<27x8x512xf32>
    %slice3A_47 = vector.extract_strided_slice %add3A_45 {offsets = [0, 8, 0], sizes = [27, 8, 512], strides = [1, 1, 1]} : vector<27x16x512xf32> to vector<27x8x512xf32>
    %add3A_48 = arith.addf %slice3A_46, %slice3A_47 : vector<27x8x512xf32>
    %slice3A_49 = vector.extract_strided_slice %add3A_48 {offsets = [0, 0, 0], sizes = [27, 4, 512], strides = [1, 1, 1]} : vector<27x8x512xf32> to vector<27x4x512xf32>
    %slice3A_50 = vector.extract_strided_slice %add3A_48 {offsets = [0, 4, 0], sizes = [27, 4, 512], strides = [1, 1, 1]} : vector<27x8x512xf32> to vector<27x4x512xf32>
    %add3A_51 = arith.addf %slice3A_49, %slice3A_50 : vector<27x4x512xf32>
    %slice3A_52 = vector.extract_strided_slice %add3A_51 {offsets = [0, 0, 0], sizes = [27, 2, 512], strides = [1, 1, 1]} : vector<27x4x512xf32> to vector<27x2x512xf32>
    %slice3A_53 = vector.extract_strided_slice %add3A_51 {offsets = [0, 2, 0], sizes = [27, 2, 512], strides = [1, 1, 1]} : vector<27x4x512xf32> to vector<27x2x512xf32>
    %add3A_54 = arith.addf %slice3A_52, %slice3A_53 : vector<27x2x512xf32>
    %slice3A_55 = vector.extract_strided_slice %add3A_54 {offsets = [0, 0, 0], sizes = [27, 1, 512], strides = [1, 1, 1]} : vector<27x2x512xf32> to vector<27x1x512xf32>
    %squeeze3A = vector.shape_cast %slice3A_55 : vector<27x1x512xf32> to vector<27x512xf32>
    %slice3A_56 = vector.extract_strided_slice %add3A_54 {offsets = [0, 1, 0], sizes = [27, 1, 512], strides = [1, 1, 1]} : vector<27x2x512xf32> to vector<27x1x512xf32>
    %squeeze3A_57 = vector.shape_cast %slice3A_56 : vector<27x1x512xf32> to vector<27x512xf32>
    %add3A_58 = arith.addf %squeeze3A, %squeeze3A_57 : vector<27x512xf32>
    %slice3A_59 = vector.extract_strided_slice %concatenate3A {offsets = [64, 0], sizes = [800, 512], strides = [1, 1]} : vector<864x512xf32> to vector<800x512xf32>
    %slice3A_60 = vector.extract_strided_slice %concatenate3A {offsets = [0, 0], sizes = [64, 512], strides = [1, 1]} : vector<864x512xf32> to vector<64x512xf32>
    %concatenate3A_61 = tpu.concatenate %slice3A_59, %slice3A_60 in 0 : vector<800x512xf32>, vector<64x512xf32> -> vector<864x512xf32>
    %mul3A_62 = arith.mulf %concatenate3A, %concatenate3A_61 : vector<864x512xf32>
    %reshape3A_63 = vector.shape_cast %mul3A_62 : vector<864x512xf32> to vector<27x32x512xf32>
    %slice3A_64 = vector.extract_strided_slice %reshape3A_63 {offsets = [0, 0, 0], sizes = [27, 16, 512], strides = [1, 1, 1]} : vector<27x32x512xf32> to vector<27x16x512xf32>
    %slice3A_65 = vector.extract_strided_slice %reshape3A_63 {offsets = [0, 16, 0], sizes = [27, 16, 512], strides = [1, 1, 1]} : vector<27x32x512xf32> to vector<27x16x512xf32>
    %add3A_66 = arith.addf %slice3A_64, %slice3A_65 : vector<27x16x512xf32>
    %slice3A_67 = vector.extract_strided_slice %add3A_66 {offsets = [0, 0, 0], sizes = [27, 8, 512], strides = [1, 1, 1]} : vector<27x16x512xf32> to vector<27x8x512xf32>
    %slice3A_68 = vector.extract_strided_slice %add3A_66 {offsets = [0, 8, 0], sizes = [27, 8, 512], strides = [1, 1, 1]} : vector<27x16x512xf32> to vector<27x8x512xf32>
    %add3A_69 = arith.addf %slice3A_67, %slice3A_68 : vector<27x8x512xf32>
    %slice3A_70 = vector.extract_strided_slice %add3A_69 {offsets = [0, 0, 0], sizes = [27, 4, 512], strides = [1, 1, 1]} : vector<27x8x512xf32> to vector<27x4x512xf32>
    %slice3A_71 = vector.extract_strided_slice %add3A_69 {offsets = [0, 4, 0], sizes = [27, 4, 512], strides = [1, 1, 1]} : vector<27x8x512xf32> to vector<27x4x512xf32>
    %add3A_72 = arith.addf %slice3A_70, %slice3A_71 : vector<27x4x512xf32>
    %slice3A_73 = vector.extract_strided_slice %add3A_72 {offsets = [0, 0, 0], sizes = [27, 2, 512], strides = [1, 1, 1]} : vector<27x4x512xf32> to vector<27x2x512xf32>
    %slice3A_74 = vector.extract_strided_slice %add3A_72 {offsets = [0, 2, 0], sizes = [27, 2, 512], strides = [1, 1, 1]} : vector<27x4x512xf32> to vector<27x2x512xf32>
    %add3A_75 = arith.addf %slice3A_73, %slice3A_74 : vector<27x2x512xf32>
    %slice3A_76 = vector.extract_strided_slice %add3A_75 {offsets = [0, 0, 0], sizes = [27, 1, 512], strides = [1, 1, 1]} : vector<27x2x512xf32> to vector<27x1x512xf32>
    %squeeze3A_77 = vector.shape_cast %slice3A_76 : vector<27x1x512xf32> to vector<27x512xf32>
    %slice3A_78 = vector.extract_strided_slice %add3A_75 {offsets = [0, 1, 0], sizes = [27, 1, 512], strides = [1, 1, 1]} : vector<27x2x512xf32> to vector<27x1x512xf32>
    %squeeze3A_79 = vector.shape_cast %slice3A_78 : vector<27x1x512xf32> to vector<27x512xf32>
    %add3A_80 = arith.addf %squeeze3A_77, %squeeze3A_79 : vector<27x512xf32>
    %slice3A_81 = vector.extract_strided_slice %concatenate3A {offsets = [96, 0], sizes = [768, 512], strides = [1, 1]} : vector<864x512xf32> to vector<768x512xf32>
    %slice3A_82 = vector.extract_strided_slice %concatenate3A {offsets = [0, 0], sizes = [96, 512], strides = [1, 1]} : vector<864x512xf32> to vector<96x512xf32>
    %concatenate3A_83 = tpu.concatenate %slice3A_81, %slice3A_82 in 0 : vector<768x512xf32>, vector<96x512xf32> -> vector<864x512xf32>
    %mul3A_84 = arith.mulf %concatenate3A, %concatenate3A_83 : vector<864x512xf32>
    %reshape3A_85 = vector.shape_cast %mul3A_84 : vector<864x512xf32> to vector<27x32x512xf32>
    %slice3A_86 = vector.extract_strided_slice %reshape3A_85 {offsets = [0, 0, 0], sizes = [27, 16, 512], strides = [1, 1, 1]} : vector<27x32x512xf32> to vector<27x16x512xf32>
    %slice3A_87 = vector.extract_strided_slice %reshape3A_85 {offsets = [0, 16, 0], sizes = [27, 16, 512], strides = [1, 1, 1]} : vector<27x32x512xf32> to vector<27x16x512xf32>
    %add3A_88 = arith.addf %slice3A_86, %slice3A_87 : vector<27x16x512xf32>
    %slice3A_89 = vector.extract_strided_slice %add3A_88 {offsets = [0, 0, 0], sizes = [27, 8, 512], strides = [1, 1, 1]} : vector<27x16x512xf32> to vector<27x8x512xf32>
    %slice3A_90 = vector.extract_strided_slice %add3A_88 {offsets = [0, 8, 0], sizes = [27, 8, 512], strides = [1, 1, 1]} : vector<27x16x512xf32> to vector<27x8x512xf32>
    %add3A_91 = arith.addf %slice3A_89, %slice3A_90 : vector<27x8x512xf32>
    %slice3A_92 = vector.extract_strided_slice %add3A_91 {offsets = [0, 0, 0], sizes = [27, 4, 512], strides = [1, 1, 1]} : vector<27x8x512xf32> to vector<27x4x512xf32>
    %slice3A_93 = vector.extract_strided_slice %add3A_91 {offsets = [0, 4, 0], sizes = [27, 4, 512], strides = [1, 1, 1]} : vector<27x8x512xf32> to vector<27x4x512xf32>
    %add3A_94 = arith.addf %slice3A_92, %slice3A_93 : vector<27x4x512xf32>
    %slice3A_95 = vector.extract_strided_slice %add3A_94 {offsets = [0, 0, 0], sizes = [27, 2, 512], strides = [1, 1, 1]} : vector<27x4x512xf32> to vector<27x2x512xf32>
    %slice3A_96 = vector.extract_strided_slice %add3A_94 {offsets = [0, 2, 0], sizes = [27, 2, 512], strides = [1, 1, 1]} : vector<27x4x512xf32> to vector<27x2x512xf32>
    %add3A_97 = arith.addf %slice3A_95, %slice3A_96 : vector<27x2x512xf32>
    %slice3A_98 = vector.extract_strided_slice %add3A_97 {offsets = [0, 0, 0], sizes = [27, 1, 512], strides = [1, 1, 1]} : vector<27x2x512xf32> to vector<27x1x512xf32>
    %squeeze3A_99 = vector.shape_cast %slice3A_98 : vector<27x1x512xf32> to vector<27x512xf32>
    %slice3A_100 = vector.extract_strided_slice %add3A_97 {offsets = [0, 1, 0], sizes = [27, 1, 512], strides = [1, 1, 1]} : vector<27x2x512xf32> to vector<27x1x512xf32>
    %squeeze3A_101 = vector.shape_cast %slice3A_100 : vector<27x1x512xf32> to vector<27x512xf32>
    %add3A_102 = arith.addf %squeeze3A_99, %squeeze3A_101 : vector<27x512xf32>
    %slice3A_103 = vector.extract_strided_slice %concatenate3A {offsets = [128, 0], sizes = [736, 512], strides = [1, 1]} : vector<864x512xf32> to vector<736x512xf32>
    %slice3A_104 = vector.extract_strided_slice %concatenate3A {offsets = [0, 0], sizes = [128, 512], strides = [1, 1]} : vector<864x512xf32> to vector<128x512xf32>
    %concatenate3A_105 = tpu.concatenate %slice3A_103, %slice3A_104 in 0 : vector<736x512xf32>, vector<128x512xf32> -> vector<864x512xf32>
    %mul3A_106 = arith.mulf %concatenate3A, %concatenate3A_105 : vector<864x512xf32>
    %reshape3A_107 = vector.shape_cast %mul3A_106 : vector<864x512xf32> to vector<27x32x512xf32>
    %slice3A_108 = vector.extract_strided_slice %reshape3A_107 {offsets = [0, 0, 0], sizes = [27, 16, 512], strides = [1, 1, 1]} : vector<27x32x512xf32> to vector<27x16x512xf32>
    %slice3A_109 = vector.extract_strided_slice %reshape3A_107 {offsets = [0, 16, 0], sizes = [27, 16, 512], strides = [1, 1, 1]} : vector<27x32x512xf32> to vector<27x16x512xf32>
    %add3A_110 = arith.addf %slice3A_108, %slice3A_109 : vector<27x16x512xf32>
    %slice3A_111 = vector.extract_strided_slice %add3A_110 {offsets = [0, 0, 0], sizes = [27, 8, 512], strides = [1, 1, 1]} : vector<27x16x512xf32> to vector<27x8x512xf32>
    %slice3A_112 = vector.extract_strided_slice %add3A_110 {offsets = [0, 8, 0], sizes = [27, 8, 512], strides = [1, 1, 1]} : vector<27x16x512xf32> to vector<27x8x512xf32>
    %add3A_113 = arith.addf %slice3A_111, %slice3A_112 : vector<27x8x512xf32>
    %slice3A_114 = vector.extract_strided_slice %add3A_113 {offsets = [0, 0, 0], sizes = [27, 4, 512], strides = [1, 1, 1]} : vector<27x8x512xf32> to vector<27x4x512xf32>
    %slice3A_115 = vector.extract_strided_slice %add3A_113 {offsets = [0, 4, 0], sizes = [27, 4, 512], strides = [1, 1, 1]} : vector<27x8x512xf32> to vector<27x4x512xf32>
    %add3A_116 = arith.addf %slice3A_114, %slice3A_115 : vector<27x4x512xf32>
    %slice3A_117 = vector.extract_strided_slice %add3A_116 {offsets = [0, 0, 0], sizes = [27, 2, 512], strides = [1, 1, 1]} : vector<27x4x512xf32> to vector<27x2x512xf32>
    %slice3A_118 = vector.extract_strided_slice %add3A_116 {offsets = [0, 2, 0], sizes = [27, 2, 512], strides = [1, 1, 1]} : vector<27x4x512xf32> to vector<27x2x512xf32>
    %add3A_119 = arith.addf %slice3A_117, %slice3A_118 : vector<27x2x512xf32>
    %slice3A_120 = vector.extract_strided_slice %add3A_119 {offsets = [0, 0, 0], sizes = [27, 1, 512], strides = [1, 1, 1]} : vector<27x2x512xf32> to vector<27x1x512xf32>
    %squeeze3A_121 = vector.shape_cast %slice3A_120 : vector<27x1x512xf32> to vector<27x512xf32>
    %slice3A_122 = vector.extract_strided_slice %add3A_119 {offsets = [0, 1, 0], sizes = [27, 1, 512], strides = [1, 1, 1]} : vector<27x2x512xf32> to vector<27x1x512xf32>
    %squeeze3A_123 = vector.shape_cast %slice3A_122 : vector<27x1x512xf32> to vector<27x512xf32>
    %add3A_124 = arith.addf %squeeze3A_121, %squeeze3A_123 : vector<27x512xf32>
    %slice3A_125 = vector.extract_strided_slice %concatenate3A {offsets = [160, 0], sizes = [704, 512], strides = [1, 1]} : vector<864x512xf32> to vector<704x512xf32>
    %slice3A_126 = vector.extract_strided_slice %concatenate3A {offsets = [0, 0], sizes = [160, 512], strides = [1, 1]} : vector<864x512xf32> to vector<160x512xf32>
    %concatenate3A_127 = tpu.concatenate %slice3A_125, %slice3A_126 in 0 : vector<704x512xf32>, vector<160x512xf32> -> vector<864x512xf32>
    %mul3A_128 = arith.mulf %concatenate3A, %concatenate3A_127 : vector<864x512xf32>
    %reshape3A_129 = vector.shape_cast %mul3A_128 : vector<864x512xf32> to vector<27x32x512xf32>
    %slice3A_130 = vector.extract_strided_slice %reshape3A_129 {offsets = [0, 0, 0], sizes = [27, 16, 512], strides = [1, 1, 1]} : vector<27x32x512xf32> to vector<27x16x512xf32>
    %slice3A_131 = vector.extract_strided_slice %reshape3A_129 {offsets = [0, 16, 0], sizes = [27, 16, 512], strides = [1, 1, 1]} : vector<27x32x512xf32> to vector<27x16x512xf32>
    %add3A_132 = arith.addf %slice3A_130, %slice3A_131 : vector<27x16x512xf32>
    %slice3A_133 = vector.extract_strided_slice %add3A_132 {offsets = [0, 0, 0], sizes = [27, 8, 512], strides = [1, 1, 1]} : vector<27x16x512xf32> to vector<27x8x512xf32>
    %slice3A_134 = vector.extract_strided_slice %add3A_132 {offsets = [0, 8, 0], sizes = [27, 8, 512], strides = [1, 1, 1]} : vector<27x16x512xf32> to vector<27x8x512xf32>
    %add3A_135 = arith.addf %slice3A_133, %slice3A_134 : vector<27x8x512xf32>
    %slice3A_136 = vector.extract_strided_slice %add3A_135 {offsets = [0, 0, 0], sizes = [27, 4, 512], strides = [1, 1, 1]} : vector<27x8x512xf32> to vector<27x4x512xf32>
    %slice3A_137 = vector.extract_strided_slice %add3A_135 {offsets = [0, 4, 0], sizes = [27, 4, 512], strides = [1, 1, 1]} : vector<27x8x512xf32> to vector<27x4x512xf32>
    %add3A_138 = arith.addf %slice3A_136, %slice3A_137 : vector<27x4x512xf32>
    %slice3A_139 = vector.extract_strided_slice %add3A_138 {offsets = [0, 0, 0], sizes = [27, 2, 512], strides = [1, 1, 1]} : vector<27x4x512xf32> to vector<27x2x512xf32>
    %slice3A_140 = vector.extract_strided_slice %add3A_138 {offsets = [0, 2, 0], sizes = [27, 2, 512], strides = [1, 1, 1]} : vector<27x4x512xf32> to vector<27x2x512xf32>
    %add3A_141 = arith.addf %slice3A_139, %slice3A_140 : vector<27x2x512xf32>
    %slice3A_142 = vector.extract_strided_slice %add3A_141 {offsets = [0, 0, 0], sizes = [27, 1, 512], strides = [1, 1, 1]} : vector<27x2x512xf32> to vector<27x1x512xf32>
    %squeeze3A_143 = vector.shape_cast %slice3A_142 : vector<27x1x512xf32> to vector<27x512xf32>
    %slice3A_144 = vector.extract_strided_slice %add3A_141 {offsets = [0, 1, 0], sizes = [27, 1, 512], strides = [1, 1, 1]} : vector<27x2x512xf32> to vector<27x1x512xf32>
    %squeeze3A_145 = vector.shape_cast %slice3A_144 : vector<27x1x512xf32> to vector<27x512xf32>
    %add3A_146 = arith.addf %squeeze3A_143, %squeeze3A_145 : vector<27x512xf32>
    %slice3A_147 = vector.extract_strided_slice %concatenate3A {offsets = [192, 0], sizes = [672, 512], strides = [1, 1]} : vector<864x512xf32> to vector<672x512xf32>
    %slice3A_148 = vector.extract_strided_slice %concatenate3A {offsets = [0, 0], sizes = [192, 512], strides = [1, 1]} : vector<864x512xf32> to vector<192x512xf32>
    %concatenate3A_149 = tpu.concatenate %slice3A_147, %slice3A_148 in 0 : vector<672x512xf32>, vector<192x512xf32> -> vector<864x512xf32>
    %mul3A_150 = arith.mulf %concatenate3A, %concatenate3A_149 : vector<864x512xf32>
    %reshape3A_151 = vector.shape_cast %mul3A_150 : vector<864x512xf32> to vector<27x32x512xf32>
    %slice3A_152 = vector.extract_strided_slice %reshape3A_151 {offsets = [0, 0, 0], sizes = [27, 16, 512], strides = [1, 1, 1]} : vector<27x32x512xf32> to vector<27x16x512xf32>
    %slice3A_153 = vector.extract_strided_slice %reshape3A_151 {offsets = [0, 16, 0], sizes = [27, 16, 512], strides = [1, 1, 1]} : vector<27x32x512xf32> to vector<27x16x512xf32>
    %add3A_154 = arith.addf %slice3A_152, %slice3A_153 : vector<27x16x512xf32>
    %slice3A_155 = vector.extract_strided_slice %add3A_154 {offsets = [0, 0, 0], sizes = [27, 8, 512], strides = [1, 1, 1]} : vector<27x16x512xf32> to vector<27x8x512xf32>
    %slice3A_156 = vector.extract_strided_slice %add3A_154 {offsets = [0, 8, 0], sizes = [27, 8, 512], strides = [1, 1, 1]} : vector<27x16x512xf32> to vector<27x8x512xf32>
    %add3A_157 = arith.addf %slice3A_155, %slice3A_156 : vector<27x8x512xf32>
    %slice3A_158 = vector.extract_strided_slice %add3A_157 {offsets = [0, 0, 0], sizes = [27, 4, 512], strides = [1, 1, 1]} : vector<27x8x512xf32> to vector<27x4x512xf32>
    %slice3A_159 = vector.extract_strided_slice %add3A_157 {offsets = [0, 4, 0], sizes = [27, 4, 512], strides = [1, 1, 1]} : vector<27x8x512xf32> to vector<27x4x512xf32>
    %add3A_160 = arith.addf %slice3A_158, %slice3A_159 : vector<27x4x512xf32>
    %slice3A_161 = vector.extract_strided_slice %add3A_160 {offsets = [0, 0, 0], sizes = [27, 2, 512], strides = [1, 1, 1]} : vector<27x4x512xf32> to vector<27x2x512xf32>
    %slice3A_162 = vector.extract_strided_slice %add3A_160 {offsets = [0, 2, 0], sizes = [27, 2, 512], strides = [1, 1, 1]} : vector<27x4x512xf32> to vector<27x2x512xf32>
    %add3A_163 = arith.addf %slice3A_161, %slice3A_162 : vector<27x2x512xf32>
    %slice3A_164 = vector.extract_strided_slice %add3A_163 {offsets = [0, 0, 0], sizes = [27, 1, 512], strides = [1, 1, 1]} : vector<27x2x512xf32> to vector<27x1x512xf32>
    %squeeze3A_165 = vector.shape_cast %slice3A_164 : vector<27x1x512xf32> to vector<27x512xf32>
    %slice3A_166 = vector.extract_strided_slice %add3A_163 {offsets = [0, 1, 0], sizes = [27, 1, 512], strides = [1, 1, 1]} : vector<27x2x512xf32> to vector<27x1x512xf32>
    %squeeze3A_167 = vector.shape_cast %slice3A_166 : vector<27x1x512xf32> to vector<27x512xf32>
    %add3A_168 = arith.addf %squeeze3A_165, %squeeze3A_167 : vector<27x512xf32>
    %slice3A_169 = vector.extract_strided_slice %concatenate3A {offsets = [224, 0], sizes = [640, 512], strides = [1, 1]} : vector<864x512xf32> to vector<640x512xf32>
    %slice3A_170 = vector.extract_strided_slice %concatenate3A {offsets = [0, 0], sizes = [224, 512], strides = [1, 1]} : vector<864x512xf32> to vector<224x512xf32>
    %concatenate3A_171 = tpu.concatenate %slice3A_169, %slice3A_170 in 0 : vector<640x512xf32>, vector<224x512xf32> -> vector<864x512xf32>
    %mul3A_172 = arith.mulf %concatenate3A, %concatenate3A_171 : vector<864x512xf32>
    %reshape3A_173 = vector.shape_cast %mul3A_172 : vector<864x512xf32> to vector<27x32x512xf32>
    %slice3A_174 = vector.extract_strided_slice %reshape3A_173 {offsets = [0, 0, 0], sizes = [27, 16, 512], strides = [1, 1, 1]} : vector<27x32x512xf32> to vector<27x16x512xf32>
    %slice3A_175 = vector.extract_strided_slice %reshape3A_173 {offsets = [0, 16, 0], sizes = [27, 16, 512], strides = [1, 1, 1]} : vector<27x32x512xf32> to vector<27x16x512xf32>
    %add3A_176 = arith.addf %slice3A_174, %slice3A_175 : vector<27x16x512xf32>
    %slice3A_177 = vector.extract_strided_slice %add3A_176 {offsets = [0, 0, 0], sizes = [27, 8, 512], strides = [1, 1, 1]} : vector<27x16x512xf32> to vector<27x8x512xf32>
    %slice3A_178 = vector.extract_strided_slice %add3A_176 {offsets = [0, 8, 0], sizes = [27, 8, 512], strides = [1, 1, 1]} : vector<27x16x512xf32> to vector<27x8x512xf32>
    %add3A_179 = arith.addf %slice3A_177, %slice3A_178 : vector<27x8x512xf32>
    %slice3A_180 = vector.extract_strided_slice %add3A_179 {offsets = [0, 0, 0], sizes = [27, 4, 512], strides = [1, 1, 1]} : vector<27x8x512xf32> to vector<27x4x512xf32>
    %slice3A_181 = vector.extract_strided_slice %add3A_179 {offsets = [0, 4, 0], sizes = [27, 4, 512], strides = [1, 1, 1]} : vector<27x8x512xf32> to vector<27x4x512xf32>
    %add3A_182 = arith.addf %slice3A_180, %slice3A_181 : vector<27x4x512xf32>
    %slice3A_183 = vector.extract_strided_slice %add3A_182 {offsets = [0, 0, 0], sizes = [27, 2, 512], strides = [1, 1, 1]} : vector<27x4x512xf32> to vector<27x2x512xf32>
    %slice3A_184 = vector.extract_strided_slice %add3A_182 {offsets = [0, 2, 0], sizes = [27, 2, 512], strides = [1, 1, 1]} : vector<27x4x512xf32> to vector<27x2x512xf32>
    %add3A_185 = arith.addf %slice3A_183, %slice3A_184 : vector<27x2x512xf32>
    %slice3A_186 = vector.extract_strided_slice %add3A_185 {offsets = [0, 0, 0], sizes = [27, 1, 512], strides = [1, 1, 1]} : vector<27x2x512xf32> to vector<27x1x512xf32>
    %squeeze3A_187 = vector.shape_cast %slice3A_186 : vector<27x1x512xf32> to vector<27x512xf32>
    %slice3A_188 = vector.extract_strided_slice %add3A_185 {offsets = [0, 1, 0], sizes = [27, 1, 512], strides = [1, 1, 1]} : vector<27x2x512xf32> to vector<27x1x512xf32>
    %squeeze3A_189 = vector.shape_cast %slice3A_188 : vector<27x1x512xf32> to vector<27x512xf32>
    %add3A_190 = arith.addf %squeeze3A_187, %squeeze3A_189 : vector<27x512xf32>
    %slice3A_191 = vector.extract_strided_slice %concatenate3A {offsets = [256, 0], sizes = [608, 512], strides = [1, 1]} : vector<864x512xf32> to vector<608x512xf32>
    %slice3A_192 = vector.extract_strided_slice %concatenate3A {offsets = [0, 0], sizes = [256, 512], strides = [1, 1]} : vector<864x512xf32> to vector<256x512xf32>
    %concatenate3A_193 = tpu.concatenate %slice3A_191, %slice3A_192 in 0 : vector<608x512xf32>, vector<256x512xf32> -> vector<864x512xf32>
    %mul3A_194 = arith.mulf %concatenate3A, %concatenate3A_193 : vector<864x512xf32>
    %reshape3A_195 = vector.shape_cast %mul3A_194 : vector<864x512xf32> to vector<27x32x512xf32>
    %slice3A_196 = vector.extract_strided_slice %reshape3A_195 {offsets = [0, 0, 0], sizes = [27, 16, 512], strides = [1, 1, 1]} : vector<27x32x512xf32> to vector<27x16x512xf32>
    %slice3A_197 = vector.extract_strided_slice %reshape3A_195 {offsets = [0, 16, 0], sizes = [27, 16, 512], strides = [1, 1, 1]} : vector<27x32x512xf32> to vector<27x16x512xf32>
    %add3A_198 = arith.addf %slice3A_196, %slice3A_197 : vector<27x16x512xf32>
    %slice3A_199 = vector.extract_strided_slice %add3A_198 {offsets = [0, 0, 0], sizes = [27, 8, 512], strides = [1, 1, 1]} : vector<27x16x512xf32> to vector<27x8x512xf32>
    %slice3A_200 = vector.extract_strided_slice %add3A_198 {offsets = [0, 8, 0], sizes = [27, 8, 512], strides = [1, 1, 1]} : vector<27x16x512xf32> to vector<27x8x512xf32>
    %add3A_201 = arith.addf %slice3A_199, %slice3A_200 : vector<27x8x512xf32>
    %slice3A_202 = vector.extract_strided_slice %add3A_201 {offsets = [0, 0, 0], sizes = [27, 4, 512], strides = [1, 1, 1]} : vector<27x8x512xf32> to vector<27x4x512xf32>
    %slice3A_203 = vector.extract_strided_slice %add3A_201 {offsets = [0, 4, 0], sizes = [27, 4, 512], strides = [1, 1, 1]} : vector<27x8x512xf32> to vector<27x4x512xf32>
    %add3A_204 = arith.addf %slice3A_202, %slice3A_203 : vector<27x4x512xf32>
    %slice3A_205 = vector.extract_strided_slice %add3A_204 {offsets = [0, 0, 0], sizes = [27, 2, 512], strides = [1, 1, 1]} : vector<27x4x512xf32> to vector<27x2x512xf32>
    %slice3A_206 = vector.extract_strided_slice %add3A_204 {offsets = [0, 2, 0], sizes = [27, 2, 512], strides = [1, 1, 1]} : vector<27x4x512xf32> to vector<27x2x512xf32>
    %add3A_207 = arith.addf %slice3A_205, %slice3A_206 : vector<27x2x512xf32>
    %slice3A_208 = vector.extract_strided_slice %add3A_207 {offsets = [0, 0, 0], sizes = [27, 1, 512], strides = [1, 1, 1]} : vector<27x2x512xf32> to vector<27x1x512xf32>
    %squeeze3A_209 = vector.shape_cast %slice3A_208 : vector<27x1x512xf32> to vector<27x512xf32>
    %slice3A_210 = vector.extract_strided_slice %add3A_207 {offsets = [0, 1, 0], sizes = [27, 1, 512], strides = [1, 1, 1]} : vector<27x2x512xf32> to vector<27x1x512xf32>
    %squeeze3A_211 = vector.shape_cast %slice3A_210 : vector<27x1x512xf32> to vector<27x512xf32>
    %add3A_212 = arith.addf %squeeze3A_209, %squeeze3A_211 : vector<27x512xf32>
    %slice3A_213 = vector.extract_strided_slice %concatenate3A {offsets = [288, 0], sizes = [576, 512], strides = [1, 1]} : vector<864x512xf32> to vector<576x512xf32>
    %slice3A_214 = vector.extract_strided_slice %concatenate3A {offsets = [0, 0], sizes = [288, 512], strides = [1, 1]} : vector<864x512xf32> to vector<288x512xf32>
    %concatenate3A_215 = tpu.concatenate %slice3A_213, %slice3A_214 in 0 : vector<576x512xf32>, vector<288x512xf32> -> vector<864x512xf32>
    %mul3A_216 = arith.mulf %concatenate3A, %concatenate3A_215 : vector<864x512xf32>
    %reshape3A_217 = vector.shape_cast %mul3A_216 : vector<864x512xf32> to vector<27x32x512xf32>
    %slice3A_218 = vector.extract_strided_slice %reshape3A_217 {offsets = [0, 0, 0], sizes = [27, 16, 512], strides = [1, 1, 1]} : vector<27x32x512xf32> to vector<27x16x512xf32>
    %slice3A_219 = vector.extract_strided_slice %reshape3A_217 {offsets = [0, 16, 0], sizes = [27, 16, 512], strides = [1, 1, 1]} : vector<27x32x512xf32> to vector<27x16x512xf32>
    %add3A_220 = arith.addf %slice3A_218, %slice3A_219 : vector<27x16x512xf32>
    %slice3A_221 = vector.extract_strided_slice %add3A_220 {offsets = [0, 0, 0], sizes = [27, 8, 512], strides = [1, 1, 1]} : vector<27x16x512xf32> to vector<27x8x512xf32>
    %slice3A_222 = vector.extract_strided_slice %add3A_220 {offsets = [0, 8, 0], sizes = [27, 8, 512], strides = [1, 1, 1]} : vector<27x16x512xf32> to vector<27x8x512xf32>
    %add3A_223 = arith.addf %slice3A_221, %slice3A_222 : vector<27x8x512xf32>
    %slice3A_224 = vector.extract_strided_slice %add3A_223 {offsets = [0, 0, 0], sizes = [27, 4, 512], strides = [1, 1, 1]} : vector<27x8x512xf32> to vector<27x4x512xf32>
    %slice3A_225 = vector.extract_strided_slice %add3A_223 {offsets = [0, 4, 0], sizes = [27, 4, 512], strides = [1, 1, 1]} : vector<27x8x512xf32> to vector<27x4x512xf32>
    %add3A_226 = arith.addf %slice3A_224, %slice3A_225 : vector<27x4x512xf32>
    %slice3A_227 = vector.extract_strided_slice %add3A_226 {offsets = [0, 0, 0], sizes = [27, 2, 512], strides = [1, 1, 1]} : vector<27x4x512xf32> to vector<27x2x512xf32>
    %slice3A_228 = vector.extract_strided_slice %add3A_226 {offsets = [0, 2, 0], sizes = [27, 2, 512], strides = [1, 1, 1]} : vector<27x4x512xf32> to vector<27x2x512xf32>
    %add3A_229 = arith.addf %slice3A_227, %slice3A_228 : vector<27x2x512xf32>
    %slice3A_230 = vector.extract_strided_slice %add3A_229 {offsets = [0, 0, 0], sizes = [27, 1, 512], strides = [1, 1, 1]} : vector<27x2x512xf32> to vector<27x1x512xf32>
    %squeeze3A_231 = vector.shape_cast %slice3A_230 : vector<27x1x512xf32> to vector<27x512xf32>
    %slice3A_232 = vector.extract_strided_slice %add3A_229 {offsets = [0, 1, 0], sizes = [27, 1, 512], strides = [1, 1, 1]} : vector<27x2x512xf32> to vector<27x1x512xf32>
    %squeeze3A_233 = vector.shape_cast %slice3A_232 : vector<27x1x512xf32> to vector<27x512xf32>
    %add3A_234 = arith.addf %squeeze3A_231, %squeeze3A_233 : vector<27x512xf32>
    %slice3A_235 = vector.extract_strided_slice %concatenate3A {offsets = [320, 0], sizes = [544, 512], strides = [1, 1]} : vector<864x512xf32> to vector<544x512xf32>
    %slice3A_236 = vector.extract_strided_slice %concatenate3A {offsets = [0, 0], sizes = [320, 512], strides = [1, 1]} : vector<864x512xf32> to vector<320x512xf32>
    %concatenate3A_237 = tpu.concatenate %slice3A_235, %slice3A_236 in 0 : vector<544x512xf32>, vector<320x512xf32> -> vector<864x512xf32>
    %mul3A_238 = arith.mulf %concatenate3A, %concatenate3A_237 : vector<864x512xf32>
    %reshape3A_239 = vector.shape_cast %mul3A_238 : vector<864x512xf32> to vector<27x32x512xf32>
    %slice3A_240 = vector.extract_strided_slice %reshape3A_239 {offsets = [0, 0, 0], sizes = [27, 16, 512], strides = [1, 1, 1]} : vector<27x32x512xf32> to vector<27x16x512xf32>
    %slice3A_241 = vector.extract_strided_slice %reshape3A_239 {offsets = [0, 16, 0], sizes = [27, 16, 512], strides = [1, 1, 1]} : vector<27x32x512xf32> to vector<27x16x512xf32>
    %add3A_242 = arith.addf %slice3A_240, %slice3A_241 : vector<27x16x512xf32>
    %slice3A_243 = vector.extract_strided_slice %add3A_242 {offsets = [0, 0, 0], sizes = [27, 8, 512], strides = [1, 1, 1]} : vector<27x16x512xf32> to vector<27x8x512xf32>
    %slice3A_244 = vector.extract_strided_slice %add3A_242 {offsets = [0, 8, 0], sizes = [27, 8, 512], strides = [1, 1, 1]} : vector<27x16x512xf32> to vector<27x8x512xf32>
    %add3A_245 = arith.addf %slice3A_243, %slice3A_244 : vector<27x8x512xf32>
    %slice3A_246 = vector.extract_strided_slice %add3A_245 {offsets = [0, 0, 0], sizes = [27, 4, 512], strides = [1, 1, 1]} : vector<27x8x512xf32> to vector<27x4x512xf32>
    %slice3A_247 = vector.extract_strided_slice %add3A_245 {offsets = [0, 4, 0], sizes = [27, 4, 512], strides = [1, 1, 1]} : vector<27x8x512xf32> to vector<27x4x512xf32>
    %add3A_248 = arith.addf %slice3A_246, %slice3A_247 : vector<27x4x512xf32>
    %slice3A_249 = vector.extract_strided_slice %add3A_248 {offsets = [0, 0, 0], sizes = [27, 2, 512], strides = [1, 1, 1]} : vector<27x4x512xf32> to vector<27x2x512xf32>
    %slice3A_250 = vector.extract_strided_slice %add3A_248 {offsets = [0, 2, 0], sizes = [27, 2, 512], strides = [1, 1, 1]} : vector<27x4x512xf32> to vector<27x2x512xf32>
    %add3A_251 = arith.addf %slice3A_249, %slice3A_250 : vector<27x2x512xf32>
    %slice3A_252 = vector.extract_strided_slice %add3A_251 {offsets = [0, 0, 0], sizes = [27, 1, 512], strides = [1, 1, 1]} : vector<27x2x512xf32> to vector<27x1x512xf32>
    %squeeze3A_253 = vector.shape_cast %slice3A_252 : vector<27x1x512xf32> to vector<27x512xf32>
    %slice3A_254 = vector.extract_strided_slice %add3A_251 {offsets = [0, 1, 0], sizes = [27, 1, 512], strides = [1, 1, 1]} : vector<27x2x512xf32> to vector<27x1x512xf32>
    %squeeze3A_255 = vector.shape_cast %slice3A_254 : vector<27x1x512xf32> to vector<27x512xf32>
    %add3A_256 = arith.addf %squeeze3A_253, %squeeze3A_255 : vector<27x512xf32>
    %slice3A_257 = vector.extract_strided_slice %concatenate3A {offsets = [352, 0], sizes = [512, 512], strides = [1, 1]} : vector<864x512xf32> to vector<512x512xf32>
    %slice3A_258 = vector.extract_strided_slice %concatenate3A {offsets = [0, 0], sizes = [352, 512], strides = [1, 1]} : vector<864x512xf32> to vector<352x512xf32>
    %concatenate3A_259 = tpu.concatenate %slice3A_257, %slice3A_258 in 0 : vector<512x512xf32>, vector<352x512xf32> -> vector<864x512xf32>
    %mul3A_260 = arith.mulf %concatenate3A, %concatenate3A_259 : vector<864x512xf32>
    %reshape3A_261 = vector.shape_cast %mul3A_260 : vector<864x512xf32> to vector<27x32x512xf32>
    %slice3A_262 = vector.extract_strided_slice %reshape3A_261 {offsets = [0, 0, 0], sizes = [27, 16, 512], strides = [1, 1, 1]} : vector<27x32x512xf32> to vector<27x16x512xf32>
    %slice3A_263 = vector.extract_strided_slice %reshape3A_261 {offsets = [0, 16, 0], sizes = [27, 16, 512], strides = [1, 1, 1]} : vector<27x32x512xf32> to vector<27x16x512xf32>
    %add3A_264 = arith.addf %slice3A_262, %slice3A_263 : vector<27x16x512xf32>
    %slice3A_265 = vector.extract_strided_slice %add3A_264 {offsets = [0, 0, 0], sizes = [27, 8, 512], strides = [1, 1, 1]} : vector<27x16x512xf32> to vector<27x8x512xf32>
    %slice3A_266 = vector.extract_strided_slice %add3A_264 {offsets = [0, 8, 0], sizes = [27, 8, 512], strides = [1, 1, 1]} : vector<27x16x512xf32> to vector<27x8x512xf32>
    %add3A_267 = arith.addf %slice3A_265, %slice3A_266 : vector<27x8x512xf32>
    %slice3A_268 = vector.extract_strided_slice %add3A_267 {offsets = [0, 0, 0], sizes = [27, 4, 512], strides = [1, 1, 1]} : vector<27x8x512xf32> to vector<27x4x512xf32>
    %slice3A_269 = vector.extract_strided_slice %add3A_267 {offsets = [0, 4, 0], sizes = [27, 4, 512], strides = [1, 1, 1]} : vector<27x8x512xf32> to vector<27x4x512xf32>
    %add3A_270 = arith.addf %slice3A_268, %slice3A_269 : vector<27x4x512xf32>
    %slice3A_271 = vector.extract_strided_slice %add3A_270 {offsets = [0, 0, 0], sizes = [27, 2, 512], strides = [1, 1, 1]} : vector<27x4x512xf32> to vector<27x2x512xf32>
    %slice3A_272 = vector.extract_strided_slice %add3A_270 {offsets = [0, 2, 0], sizes = [27, 2, 512], strides = [1, 1, 1]} : vector<27x4x512xf32> to vector<27x2x512xf32>
    %add3A_273 = arith.addf %slice3A_271, %slice3A_272 : vector<27x2x512xf32>
    %slice3A_274 = vector.extract_strided_slice %add3A_273 {offsets = [0, 0, 0], sizes = [27, 1, 512], strides = [1, 1, 1]} : vector<27x2x512xf32> to vector<27x1x512xf32>
    %squeeze3A_275 = vector.shape_cast %slice3A_274 : vector<27x1x512xf32> to vector<27x512xf32>
    %slice3A_276 = vector.extract_strided_slice %add3A_273 {offsets = [0, 1, 0], sizes = [27, 1, 512], strides = [1, 1, 1]} : vector<27x2x512xf32> to vector<27x1x512xf32>
    %squeeze3A_277 = vector.shape_cast %slice3A_276 : vector<27x1x512xf32> to vector<27x512xf32>
    %add3A_278 = arith.addf %squeeze3A_275, %squeeze3A_277 : vector<27x512xf32>
    %slice3A_279 = vector.extract_strided_slice %concatenate3A {offsets = [384, 0], sizes = [480, 512], strides = [1, 1]} : vector<864x512xf32> to vector<480x512xf32>
    %slice3A_280 = vector.extract_strided_slice %concatenate3A {offsets = [0, 0], sizes = [384, 512], strides = [1, 1]} : vector<864x512xf32> to vector<384x512xf32>
    %concatenate3A_281 = tpu.concatenate %slice3A_279, %slice3A_280 in 0 : vector<480x512xf32>, vector<384x512xf32> -> vector<864x512xf32>
    %mul3A_282 = arith.mulf %concatenate3A, %concatenate3A_281 : vector<864x512xf32>
    %reshape3A_283 = vector.shape_cast %mul3A_282 : vector<864x512xf32> to vector<27x32x512xf32>
    %slice3A_284 = vector.extract_strided_slice %reshape3A_283 {offsets = [0, 0, 0], sizes = [27, 16, 512], strides = [1, 1, 1]} : vector<27x32x512xf32> to vector<27x16x512xf32>
    %slice3A_285 = vector.extract_strided_slice %reshape3A_283 {offsets = [0, 16, 0], sizes = [27, 16, 512], strides = [1, 1, 1]} : vector<27x32x512xf32> to vector<27x16x512xf32>
    %add3A_286 = arith.addf %slice3A_284, %slice3A_285 : vector<27x16x512xf32>
    %slice3A_287 = vector.extract_strided_slice %add3A_286 {offsets = [0, 0, 0], sizes = [27, 8, 512], strides = [1, 1, 1]} : vector<27x16x512xf32> to vector<27x8x512xf32>
    %slice3A_288 = vector.extract_strided_slice %add3A_286 {offsets = [0, 8, 0], sizes = [27, 8, 512], strides = [1, 1, 1]} : vector<27x16x512xf32> to vector<27x8x512xf32>
    %add3A_289 = arith.addf %slice3A_287, %slice3A_288 : vector<27x8x512xf32>
    %slice3A_290 = vector.extract_strided_slice %add3A_289 {offsets = [0, 0, 0], sizes = [27, 4, 512], strides = [1, 1, 1]} : vector<27x8x512xf32> to vector<27x4x512xf32>
    %slice3A_291 = vector.extract_strided_slice %add3A_289 {offsets = [0, 4, 0], sizes = [27, 4, 512], strides = [1, 1, 1]} : vector<27x8x512xf32> to vector<27x4x512xf32>
    %add3A_292 = arith.addf %slice3A_290, %slice3A_291 : vector<27x4x512xf32>
    %slice3A_293 = vector.extract_strided_slice %add3A_292 {offsets = [0, 0, 0], sizes = [27, 2, 512], strides = [1, 1, 1]} : vector<27x4x512xf32> to vector<27x2x512xf32>
    %slice3A_294 = vector.extract_strided_slice %add3A_292 {offsets = [0, 2, 0], sizes = [27, 2, 512], strides = [1, 1, 1]} : vector<27x4x512xf32> to vector<27x2x512xf32>
    %add3A_295 = arith.addf %slice3A_293, %slice3A_294 : vector<27x2x512xf32>
    %slice3A_296 = vector.extract_strided_slice %add3A_295 {offsets = [0, 0, 0], sizes = [27, 1, 512], strides = [1, 1, 1]} : vector<27x2x512xf32> to vector<27x1x512xf32>
    %squeeze3A_297 = vector.shape_cast %slice3A_296 : vector<27x1x512xf32> to vector<27x512xf32>
    %slice3A_298 = vector.extract_strided_slice %add3A_295 {offsets = [0, 1, 0], sizes = [27, 1, 512], strides = [1, 1, 1]} : vector<27x2x512xf32> to vector<27x1x512xf32>
    %squeeze3A_299 = vector.shape_cast %slice3A_298 : vector<27x1x512xf32> to vector<27x512xf32>
    %add3A_300 = arith.addf %squeeze3A_297, %squeeze3A_299 : vector<27x512xf32>
    %slice3A_301 = vector.extract_strided_slice %concatenate3A {offsets = [416, 0], sizes = [448, 512], strides = [1, 1]} : vector<864x512xf32> to vector<448x512xf32>
    %slice3A_302 = vector.extract_strided_slice %concatenate3A {offsets = [0, 0], sizes = [416, 512], strides = [1, 1]} : vector<864x512xf32> to vector<416x512xf32>
    %concatenate3A_303 = tpu.concatenate %slice3A_301, %slice3A_302 in 0 : vector<448x512xf32>, vector<416x512xf32> -> vector<864x512xf32>
    %mul3A_304 = arith.mulf %concatenate3A, %concatenate3A_303 : vector<864x512xf32>
    %reshape3A_305 = vector.shape_cast %mul3A_304 : vector<864x512xf32> to vector<27x32x512xf32>
    %slice3A_306 = vector.extract_strided_slice %reshape3A_305 {offsets = [0, 0, 0], sizes = [27, 16, 512], strides = [1, 1, 1]} : vector<27x32x512xf32> to vector<27x16x512xf32>
    %slice3A_307 = vector.extract_strided_slice %reshape3A_305 {offsets = [0, 16, 0], sizes = [27, 16, 512], strides = [1, 1, 1]} : vector<27x32x512xf32> to vector<27x16x512xf32>
    %add3A_308 = arith.addf %slice3A_306, %slice3A_307 : vector<27x16x512xf32>
    %slice3A_309 = vector.extract_strided_slice %add3A_308 {offsets = [0, 0, 0], sizes = [27, 8, 512], strides = [1, 1, 1]} : vector<27x16x512xf32> to vector<27x8x512xf32>
    %slice3A_310 = vector.extract_strided_slice %add3A_308 {offsets = [0, 8, 0], sizes = [27, 8, 512], strides = [1, 1, 1]} : vector<27x16x512xf32> to vector<27x8x512xf32>
    %add3A_311 = arith.addf %slice3A_309, %slice3A_310 : vector<27x8x512xf32>
    %slice3A_312 = vector.extract_strided_slice %add3A_311 {offsets = [0, 0, 0], sizes = [27, 4, 512], strides = [1, 1, 1]} : vector<27x8x512xf32> to vector<27x4x512xf32>
    %slice3A_313 = vector.extract_strided_slice %add3A_311 {offsets = [0, 4, 0], sizes = [27, 4, 512], strides = [1, 1, 1]} : vector<27x8x512xf32> to vector<27x4x512xf32>
    %add3A_314 = arith.addf %slice3A_312, %slice3A_313 : vector<27x4x512xf32>
    %slice3A_315 = vector.extract_strided_slice %add3A_314 {offsets = [0, 0, 0], sizes = [27, 2, 512], strides = [1, 1, 1]} : vector<27x4x512xf32> to vector<27x2x512xf32>
    %slice3A_316 = vector.extract_strided_slice %add3A_314 {offsets = [0, 2, 0], sizes = [27, 2, 512], strides = [1, 1, 1]} : vector<27x4x512xf32> to vector<27x2x512xf32>
    %add3A_317 = arith.addf %slice3A_315, %slice3A_316 : vector<27x2x512xf32>
    %slice3A_318 = vector.extract_strided_slice %add3A_317 {offsets = [0, 0, 0], sizes = [27, 1, 512], strides = [1, 1, 1]} : vector<27x2x512xf32> to vector<27x1x512xf32>
    %squeeze3A_319 = vector.shape_cast %slice3A_318 : vector<27x1x512xf32> to vector<27x512xf32>
    %slice3A_320 = vector.extract_strided_slice %add3A_317 {offsets = [0, 1, 0], sizes = [27, 1, 512], strides = [1, 1, 1]} : vector<27x2x512xf32> to vector<27x1x512xf32>
    %squeeze3A_321 = vector.shape_cast %slice3A_320 : vector<27x1x512xf32> to vector<27x512xf32>
    %add3A_322 = arith.addf %squeeze3A_319, %squeeze3A_321 : vector<27x512xf32>
    %concatenate3A_323 = tpu.concatenate %add3A_58, %add3A_80, %add3A_102, %add3A_124, %add3A_146, %add3A_168, %add3A_190, %add3A_212, %add3A_234, %add3A_256, %add3A_278, %add3A_300, %add3A_322 in 0 : vector<27x512xf32>, vector<27x512xf32>, vector<27x512xf32>, vector<27x512xf32>, vector<27x512xf32>, vector<27x512xf32>, vector<27x512xf32>, vector<27x512xf32>, vector<27x512xf32>, vector<27x512xf32>, vector<27x512xf32>, vector<27x512xf32>, vector<27x512xf32> -> vector<351x512xf32>
    %get3A_324 = arith.constant 0 : index
    %get3A_325 = arith.constant 0 : index
    %get3A_326 = vector.load %arg9[%get3A_324, %get3A_325] : memref<512x32xf32, #tpu.memory_space<vmem>>, vector<512x32xf32>
    %dot_general3A_327 = arith.constant dense<0.000000e+00> : vector<512x512xf32>
    %dot_general3A_328 = tpu.matmul %get3A_326, %max3A_37, %dot_general3A_327 {dimension_numbers = #tpu.dot_dimension_numbers<[1], [0], [0], [1], [0, 0, 1, 1], [], []>, transpose_lhs_hint = false} : vector<512x32xf32>, vector<32x512xf32>, vector<512x512xf32> -> vector<512x512xf32>
    %get3A_329 = arith.constant 0 : index
    %get3A_330 = arith.constant 0 : index
    %get3A_331 = vector.load %arg10[%get3A_329, %get3A_330] : memref<512x351xf32, #tpu.memory_space<vmem>>, vector<512x351xf32>
    %dot_general3A_332 = arith.constant dense<0.000000e+00> : vector<512x512xf32>
    %dot_general3A_333 = tpu.matmul %get3A_331, %concatenate3A_323, %dot_general3A_332 {dimension_numbers = #tpu.dot_dimension_numbers<[1], [0], [0], [1], [0, 0, 1, 1], [], []>, transpose_lhs_hint = false} : vector<512x351xf32>, vector<351x512xf32>, vector<512x512xf32> -> vector<512x512xf32>
    %add3A_334 = arith.addf %dot_general3A_328, %dot_general3A_333 : vector<512x512xf32>
    %get3A_335 = arith.constant 0 : index
    %get3A_336 = arith.constant 0 : index
    %get3A_337 = vector.load %arg11[%get3A_335, %get3A_336] : memref<512x1xf32, #tpu.memory_space<vmem>>, vector<512x1xf32>
    %add3A_338 = vector.broadcast %get3A_337 : vector<512x1xf32> to vector<512x512xf32>
    %add3A_339 = arith.addf %add3A_334, %add3A_338 : vector<512x512xf32>
    %max3A_340 = arith.constant 0.000000e+00 : f32
    %max3A_341 = vector.broadcast %max3A_340 : f32 to vector<512x512xf32>
    %max3A_342 = arith.maximumf %add3A_339, %max3A_341 : vector<512x512xf32>
    %get3A_343 = arith.constant 0 : index
    %get3A_344 = arith.constant 0 : index
    %get3A_345 = vector.load %arg12[%get3A_343, %get3A_344] : memref<512x512xf32, #tpu.memory_space<vmem>>, vector<512x512xf32>
    %dot_general3A_346 = arith.constant dense<0.000000e+00> : vector<512x512xf32>
    %dot_general3A_347 = tpu.matmul %get3A_345, %max3A_342, %dot_general3A_346 {dimension_numbers = #tpu.dot_dimension_numbers<[1], [0], [0], [1], [0, 0, 1, 1], [], []>, transpose_lhs_hint = false} : vector<512x512xf32>, vector<512x512xf32>, vector<512x512xf32> -> vector<512x512xf32>
    %get3A_348 = arith.constant 0 : index
    %get3A_349 = arith.constant 0 : index
    %get3A_350 = vector.load %arg13[%get3A_348, %get3A_349] : memref<512x1xf32, #tpu.memory_space<vmem>>, vector<512x1xf32>
    %add3A_351 = vector.broadcast %get3A_350 : vector<512x1xf32> to vector<512x512xf32>
    %add3A_352 = arith.addf %dot_general3A_347, %add3A_351 : vector<512x512xf32>
    %max3A_353 = arith.constant 0.000000e+00 : f32
    %max3A_354 = vector.broadcast %max3A_353 : f32 to vector<512x512xf32>
    %max3A_355 = arith.maximumf %add3A_352, %max3A_354 : vector<512x512xf32>
    %get3A_356 = arith.constant 0 : index
    %get3A_357 = arith.constant 0 : index
    %get3A_358 = vector.load %arg14[%get3A_356, %get3A_357] : memref<256x512xf32, #tpu.memory_space<vmem>>, vector<256x512xf32>
    %dot_general3A_359 = arith.constant dense<0.000000e+00> : vector<256x512xf32>
    %dot_general3A_360 = tpu.matmul %get3A_358, %max3A_355, %dot_general3A_359 {dimension_numbers = #tpu.dot_dimension_numbers<[1], [0], [0], [1], [0, 0, 1, 1], [], []>, transpose_lhs_hint = false} : vector<256x512xf32>, vector<512x512xf32>, vector<256x512xf32> -> vector<256x512xf32>
    %get3A_361 = arith.constant 0 : index
    %get3A_362 = arith.constant 0 : index
    %get3A_363 = vector.load %arg15[%get3A_361, %get3A_362] : memref<256x1xf32, #tpu.memory_space<vmem>>, vector<256x1xf32>
    %add3A_364 = vector.broadcast %get3A_363 : vector<256x1xf32> to vector<256x512xf32>
    %add3A_365 = arith.addf %dot_general3A_360, %add3A_364 : vector<256x512xf32>
    %max3A_366 = arith.constant 0.000000e+00 : f32
    %max3A_367 = vector.broadcast %max3A_366 : f32 to vector<256x512xf32>
    %max3A_368 = arith.maximumf %add3A_365, %max3A_367 : vector<256x512xf32>
    %get3A_369 = arith.constant 0 : index
    %get3A_370 = arith.constant 0 : index
    %get3A_371 = vector.load %arg16[%get3A_369, %get3A_370] : memref<1x256xf32, #tpu.memory_space<vmem>>, vector<1x256xf32>
    %dot_general3A_372 = arith.constant dense<0.000000e+00> : vector<1x512xf32>
    %dot_general3A_373 = tpu.matmul %get3A_371, %max3A_368, %dot_general3A_372 {dimension_numbers = #tpu.dot_dimension_numbers<[1], [0], [0], [1], [0, 0, 1, 1], [], []>, transpose_lhs_hint = false} : vector<1x256xf32>, vector<256x512xf32>, vector<1x512xf32> -> vector<1x512xf32>
    %get3A_374 = arith.constant 0 : index
    %get3A_375 = arith.constant 0 : index
    %get3A_376 = vector.load %arg17[%get3A_374, %get3A_375] : memref<1x1xf32, #tpu.memory_space<vmem>>, vector<1x1xf32>
    %add3A_377 = vector.broadcast %get3A_376 : vector<1x1xf32> to vector<1x512xf32>
    %add3A_378 = arith.addf %dot_general3A_373, %add3A_377 : vector<1x512xf32>
    %swap3A = arith.constant 0 : index
    %swap3A_379 = arith.constant 0 : index
    %swap3A_380 = vector.load %arg18[%swap3A, %swap3A_379] : memref<1x512xf32, #tpu.memory_space<vmem>>, vector<1x512xf32>
    tpu.vector_store %arg18[%swap3A, %swap3A_379], %add3A_378 {strides = array<i32>} : memref<1x512xf32, #tpu.memory_space<vmem>>, vector<1x512xf32>,
    return
  }
  func.func @transform_0(%arg0: i32) -> (i32, i32) {
    %c0_i32 = arith.constant 0 : i32
    %c0_i32_0 = arith.constant 0 : i32
    return %c0_i32, %arg0 : i32, i32
  }
  func.func @transform_1(%arg0: i32) -> (i32, i32) {
    %c0_i32 = arith.constant 0 : i32
    %c0_i32_0 = arith.constant 0 : i32
    return %c0_i32, %arg0 : i32, i32
  }
  func.func @transform_2(%arg0: i32) -> (i32, i32) {
    %c0_i32 = arith.constant 0 : i32
    %c0_i32_0 = arith.constant 0 : i32
    %c0_i32_1 = arith.constant 0 : i32
    return %c0_i32, %c0_i32_0 : i32, i32
  }
  func.func @transform_3(%arg0: i32) -> (i32, i32) {
    %c0_i32 = arith.constant 0 : i32
    %c0_i32_0 = arith.constant 0 : i32
    %c0_i32_1 = arith.constant 0 : i32
    return %c0_i32, %c0_i32_0 : i32, i32
  }
  func.func @transform_4(%arg0: i32) -> (i32, i32) {
    %c0_i32 = arith.constant 0 : i32
    %c0_i32_0 = arith.constant 0 : i32
    %c0_i32_1 = arith.constant 0 : i32
    return %c0_i32, %c0_i32_0 : i32, i32
  }
  func.func @transform_5(%arg0: i32) -> (i32, i32) {
    %c0_i32 = arith.constant 0 : i32
    %c0_i32_0 = arith.constant 0 : i32
    %c0_i32_1 = arith.constant 0 : i32
    return %c0_i32, %c0_i32_0 : i32, i32
  }
  func.func @transform_6(%arg0: i32) -> (i32, i32) {
    %c0_i32 = arith.constant 0 : i32
    %c0_i32_0 = arith.constant 0 : i32
    %c0_i32_1 = arith.constant 0 : i32
    return %c0_i32, %c0_i32_0 : i32, i32
  }
  func.func @transform_7(%arg0: i32) -> (i32, i32) {
    %c0_i32 = arith.constant 0 : i32
    %c0_i32_0 = arith.constant 0 : i32
    %c0_i32_1 = arith.constant 0 : i32
    return %c0_i32, %c0_i32_0 : i32, i32
  }
  func.func @transform_8(%arg0: i32) -> (i32, i32) {
    %c0_i32 = arith.constant 0 : i32
    %c0_i32_0 = arith.constant 0 : i32
    %c0_i32_1 = arith.constant 0 : i32
    return %c0_i32, %c0_i32_0 : i32, i32
  }
  func.func @transform_9(%arg0: i32) -> (i32, i32) {
    %c0_i32 = arith.constant 0 : i32
    %c0_i32_0 = arith.constant 0 : i32
    %c0_i32_1 = arith.constant 0 : i32
    return %c0_i32, %c0_i32_0 : i32, i32
  }
  func.func @transform_10(%arg0: i32) -> (i32, i32) {
    %c0_i32 = arith.constant 0 : i32
    %c0_i32_0 = arith.constant 0 : i32
    %c0_i32_1 = arith.constant 0 : i32
    return %c0_i32, %c0_i32_0 : i32, i32
  }
  func.func @transform_11(%arg0: i32) -> (i32, i32) {
    %c0_i32 = arith.constant 0 : i32
    %c0_i32_0 = arith.constant 0 : i32
    %c0_i32_1 = arith.constant 0 : i32
    return %c0_i32, %c0_i32_0 : i32, i32
  }
  func.func @transform_12(%arg0: i32) -> (i32, i32) {
    %c0_i32 = arith.constant 0 : i32
    %c0_i32_0 = arith.constant 0 : i32
    %c0_i32_1 = arith.constant 0 : i32
    return %c0_i32, %c0_i32_0 : i32, i32
  }
  func.func @transform_13(%arg0: i32) -> (i32, i32) {
    %c0_i32 = arith.constant 0 : i32
    %c0_i32_0 = arith.constant 0 : i32
    %c0_i32_1 = arith.constant 0 : i32
    return %c0_i32, %c0_i32_0 : i32, i32
  }
  func.func @transform_14(%arg0: i32) -> (i32, i32) {
    %c0_i32 = arith.constant 0 : i32
    %c0_i32_0 = arith.constant 0 : i32
    %c0_i32_1 = arith.constant 0 : i32
    return %c0_i32, %c0_i32_0 : i32, i32
  }
  func.func @transform_15(%arg0: i32) -> (i32, i32) {
    %c0_i32 = arith.constant 0 : i32
    %c0_i32_0 = arith.constant 0 : i32
    %c0_i32_1 = arith.constant 0 : i32
    return %c0_i32, %c0_i32_0 : i32, i32
  }
  func.func @transform_16(%arg0: i32) -> (i32, i32) {
    %c0_i32 = arith.constant 0 : i32
    %c0_i32_0 = arith.constant 0 : i32
    %c0_i32_1 = arith.constant 0 : i32
    return %c0_i32, %c0_i32_0 : i32, i32
  }
  func.func @transform_17(%arg0: i32) -> (i32, i32) {
    %c0_i32 = arith.constant 0 : i32
    %c0_i32_0 = arith.constant 0 : i32
    return %c0_i32, %arg0 : i32, i32
  }
}

</mosaic_0001>

<sc_bundles>
// kernel: kernel.5.cloned.1.call-start
scs
__scs_entry_jumppad:
0x0: {  	(pc) =	sbr.rel $0x88, $3  }
0x1: {  	(tag) =	ssettag $0x0;
	lr =	simm.s32 $0x1  }
0x2: {  	[smem:$0x3F90] =	sst lr;
	_ =	strace $0xD0000000  }
0x3: {  	_ = 	snop  }
0x4: {  	_ = 	snop  }
0x5: {  	_ = 	snop  }
0x6: {  	_ = 	snop  }
0x7: {  	_ = 	snop  }
__scs_overlays_trampoline_lowered:
0x8: {  	[smem:$0x3F9F] =	sst s0  }
0x9: {  	[smem:$0x3FA0] =	sst s1  }
0xa: {  	[smem:$0x3FA1] =	sst s2  }
0xb: {  	[smem:$0x3FA2] =	sst s3  }
0xc: {  	[smem:$0x3FA3] =	sst s4  }
0xd: {  	[smem:$0x3FA4] =	sst s5  }
0xe: {  	[smem:$0x3FA5] =	sst s6  }
0xf: {  	[smem:$0x3FA6] =	sst s7  }
0x10: {  	[smem:$0x3FA7] =	sst s8  }
0x11: {  	[smem:$0x3FA8] =	sst s9;
	s0 =	simm.s32 @!p0 $0x0  }
0x12: {  	s1 =	sld [smem:$0x3F8E];
	s0 =	simm.s32 @p0 $0x1  }
0x13: {  	[smem:$0x3FA9] =	sst s0;
	s0 =	simm.s32 @!p1 $0x0  }
0x14: {  	s2 =	sld [smem:$0x3F8D];
	s0 =	simm.s32 @p1 $0x1  }
0x15: {  	[smem:$0x3FAA] =	sst s0;
	s0 =	simm.s32 @!p2 $0x0  }
0x16: {  	s3 =	sld [smem:$0x3FDB];
	s0 =	simm.s32 @p2 $0x1  }
0x17: {  	s4 =	simm.s32 $0x1BF5;
	[smem:$0x3FAC] =	sst s0  }
0x18: {  	s0 =	sld [smem:$0x3F8F];
	_ =	swait.ge [sflag:s4], $0x0  }
0x19: {  	s7 =	sld [smem:$0x3F90]  }
0x1a: {  	s8 =	sadd.s32 $0xFFFFE003, lr  }
0x1b: {  	s9 =	sadd.s32 $0xFFFFFEF7, lr;
	s5 =	simm.s32 $0xFFFFFFFF;
	p2 =	slt.u32 s8, $0xFFFFF086  }
0x1c: {  	p1 =	slt.u32 s9, $0xF7A;
	s5 =	simm.s32 @!p2 $0x0  }
0x1d: {  	s5 =	simm.s32 @p1 $0x1;
	p0 =	seq.s32 s7, s2  }
0x1e: {  	s7 =	smul.u32 @!p0 $0xF7A, s2;
	p2 =	seq.s32 @!p0 s5, $0x0  }
0x1f: {  	s9 =	smul.u32 $0xF7A, s1;
	s8 =	simm.s32 @!p0 $0x1BF5;
	p2 =	por !p2, p0  }
0x20: {  	[sflag:s8] =	ssyncset.s32 @!p0 $0xFFFFF086;
	s6 =	sadd.s32 @!p0 s3, s7;
	s7 =	simm.s32 @!p0 $0x108  }
0x21: {  	s3 =	sadd.s32 s3, s9;
	s6 =	sadd.s32 @!p0 $0x88, s6;
	s7 =	simm.s32 @p2 $0x1082  }
0x22: {  	[simem:s7], [sflag:s8] =	dma.local @!p0 [hbm:s6], $0xF7A  }
0x23: {  	s9 =	sor.u32 $0xD0000000, s2;
	s6 =	simm.s32 $0x108;
	_ =	swait.ge @!p0 [sflag:s8], $0x0  }
0x24: {  	s3 =	sadd.s32 $0x88, s3;
	s6 =	simm.s32 @!p1 $0x1082;
	[sflag:s4] =	ssyncset.s32 $0xFFFFF086  }
0x25: {  	[simem:s6], [sflag:s4] =	dma.local [hbm:s3], $0xF7A  }
0x26: {  	[smem:$0x3F90] =	sst s1;
	(tag) =	ssettag s2;
	_ =	strace s9  }
0x27: {  	s1 =	sld [smem:$0x3FA0]  }
0x28: {  	s2 =	sld [smem:$0x3FA1]  }
0x29: {  	s4 =	sld [smem:$0x3FA3]  }
0x2a: {  	p0 =	seq.s32 s5, $0x0;
	s5 =	sld [smem:$0x3FA4]  }
0x2b: {  	s6 =	sld [smem:$0x3FA5]  }
0x2c: {  	s7 =	sld [smem:$0x3FA6]  }
0x2d: {  	s3 =	simm.s32 $0x108;
	s8 =	sld [smem:$0x3FA7]  }
0x2e: {  	s3 =	simm.s32 @!p0 $0x1082;
	s9 =	sld [smem:$0x3FA8]  }
0x2f: {  	lr =	sadd.s32 s0, s3;
	s0 =	sld [smem:$0x3F9F]  }
0x30: {  	s3 =	sld [smem:$0x3FA2]  }
0x31: {  	[smem:$0x3FAB] =	sst s10  }
0x32: {  	s10 =	sld [smem:$0x3FA9];
	_ =	sdelay $0x3  }
0x33: {  	p0 =	seq.s32 s10, $0x1;
	s10 =	sld [smem:$0x3FAB];
	_ =	sdelay $0x3  }
0x34: {  	[smem:$0x3FAB] =	sst s10  }
0x35: {  	s10 =	sld [smem:$0x3FAA];
	_ =	sdelay $0x3  }
0x36: {  	p1 =	seq.s32 s10, $0x1;
	s10 =	sld [smem:$0x3FAB];
	_ =	sdelay $0x3  }
0x37: {  	[smem:$0x3FAB] =	sst s10  }
0x38: {  	s10 =	sld [smem:$0x3FAC]  }
0x39: {  	_ = 	snop;
	(pc) =	sbr.ind lr, $3  }
0x3a: {  	_ = 	snop  }
0x3b: {  	_ = 	snop  }
0x3c: {  	p2 =	seq.s32 s10, $0x1;
	s10 =	sld [smem:$0x3FAB]  }
0x3d: {  	_ =	shalt  }
0x3e: {  	_ =	shalt  }
0x3f: {  	_ =	shalt  }
0x40: {  	_ =	shalt  }
0x41: {  	_ =	shalt  }
0x42: {  	_ =	shalt  }
0x43: {  	_ =	shalt  }
0x44: {  	_ =	shalt  }
0x45: {  	_ =	shalt  }
0x46: {  	_ =	shalt  }
0x47: {  	_ =	shalt  }
0x48: {  	_ =	shalt  }
0x49: {  	_ =	shalt  }
0x4a: {  	_ =	shalt  }
0x4b: {  	_ =	shalt  }
0x4c: {  	_ =	shalt  }
0x4d: {  	_ =	shalt  }
0x4e: {  	_ =	shalt  }
0x4f: {  	_ =	shalt  }
0x50: {  	_ =	shalt  }
0x51: {  	_ =	shalt  }
0x52: {  	_ =	shalt  }
0x53: {  	_ =	shalt  }
0x54: {  	_ =	shalt  }
0x55: {  	_ =	shalt  }
0x56: {  	_ =	shalt  }
0x57: {  	_ =	shalt  }
0x58: {  	_ =	shalt  }
0x59: {  	_ =	shalt  }
0x5a: {  	_ =	shalt  }
0x5b: {  	_ =	shalt  }
0x5c: {  	_ =	shalt  }
0x5d: {  	_ =	shalt  }
0x5e: {  	_ =	shalt  }
0x5f: {  	_ =	shalt  }
0x60: {  	_ =	shalt  }
0x61: {  	_ =	shalt  }
0x62: {  	_ =	shalt  }
0x63: {  	_ =	shalt  }
0x64: {  	_ =	shalt  }
0x65: {  	_ =	shalt  }
0x66: {  	_ =	shalt  }
0x67: {  	_ =	shalt  }
0x68: {  	_ =	shalt  }
0x69: {  	_ =	shalt  }
0x6a: {  	_ =	shalt  }
0x6b: {  	_ =	shalt  }
0x6c: {  	_ =	shalt  }
0x6d: {  	_ =	shalt  }
0x6e: {  	_ =	shalt  }
0x6f: {  	_ =	shalt  }
0x70: {  	_ =	shalt  }
0x71: {  	_ =	shalt  }
0x72: {  	_ =	shalt  }
0x73: {  	_ =	shalt  }
0x74: {  	_ =	shalt  }
0x75: {  	_ =	shalt  }
0x76: {  	_ =	shalt  }
0x77: {  	_ =	shalt  }
0x78: {  	_ =	shalt  }
0x79: {  	_ =	shalt  }
0x7a: {  	_ =	shalt  }
0x7b: {  	_ =	shalt  }
0x7c: {  	_ =	shalt  }
0x7d: {  	_ =	shalt  }
0x7e: {  	_ =	shalt  }
0x7f: {  	_ =	shalt  }
0x80: {  	_ =	shalt  }
0x81: {  	_ =	shalt  }
0x82: {  	_ =	shalt  }
0x83: {  	_ =	shalt  }
0x84: {  	_ =	shalt  }
0x85: {  	_ =	shalt  }
0x86: {  	_ =	shalt  }
0x87: {  	_ =	shalt  }
.Lfunc_end0:
.L_simem_size_0:
called_computation_lowered:
.L_overlay_start_0:
0x88: {  	s2 =	sld [smem:$0x3FD9]  }
0x89: {  	s3 =	sld [smem:$0x3FFE];
	_ =	sdelay $0x1  }
0x8a: {  	s1 =	srdreg.scid  }
0x8b: {  	s0 =	sand.u32 $0x1, s1  }
0x8c: {  	s16 =	sshll.u32 s0, $0xA;
	s2 =	sadd.s32 s3, s2  }
0x8d: {  	s2 =	sadd.s32 s2, s16  }
0x8e: {  	[smem:$0x3FB7] =	sst s2  }
0x8f: {  	_ = 	snop  }
0x90: {  	(tm) =	ssettm $0x1  }
0x91: {  	s17 =	sld [smem:$0x3FFB];
	_ =	sdelay $0x3  }
0x92: {  	_ =	strace s17  }
0x93: {  	s2 =	sld [smem:$0x3FFC];
	_ =	sdelay $0x3  }
0x94: {  	_ =	strace s2  }
0x95: {  	s2 =	sld [smem:$0x3FFD];
	_ =	sdelay $0x3  }
0x96: {  	_ =	strace s2  }
0x97: {  	_ =	strace $0x8FFFFFFF  }
0x98: {  	s18 =	sld [smem:$0x3FDB];
	_ =	sdelay $0x1  }
0x99: {  	s19 =	simm.s32 $_scs_section_size  }
0x9a: {  	s4 =	simm.s32 $_size__tile_overlayer_lowered;
	s5 =	simm.s32 $_tile_overlayer_lowered  }
0x9b: {  	s22 =	simm.s32 $0x1BFF;
	s21 =	sshll.u32 s5, $0x1;
	s2 =	sadd.s32 s19, s18  }
0x9c: {  	s6 =	simm.s32 $0x0;
	s20 =	sshll.u32 s4, $0x1;
	s4 =	sadd.s32 s21, s2  }
0x9d: {  	[timem:s6], [sflag:s22] =	dma.local [hbm:s4], s20  }
0x9e: {  	_ =	swait.ge [sflag:s22], s20  }
0x9f: {  	s3 =	ssub.s32 $0x0, s20;
	[sflag:s22] =	ssyncset.done $0x0  }
0xa0: {  	[sflag:s22] =	ssyncadd.s32 s3;
	_ =	sdelay $0x1  }
0xa1: {  	s23 =	simm.s32 $0x1B8B  }
0xa2: {  	_ =	swait.ge [sflag:s23], $0x1  }
0xa3: {  	[sflag:s23] =	ssyncset.done $0x0  }
0xa4: {  	s25 =	simm.s32 $0x1B8E;
	s24 =	sld [smem:$0x3FFE];
	[sflag:s23] =	ssyncadd.s32 $0xFFFFFFFF  }
0xa5: {  	s26 =	simm.s32 $execute0_lowered;
	[smem:$0x3FD2] =	sst s25  }
0xa6: {  	s4 =	sshll.u32 s26, $0x1;
	_ =	strace $0x80000046;
	[dreg:$0x1] =	wrdreg $0xFFFFFFFF  }
0xa7: {  	s28 =	simm.s32 $_size_execute0_lowered;
	s2 =	sadd.s32 s2, s4;
	[dreg:$0x0] =	wrdreg $0x0  }
0xa8: {  	s4 =	sshll.u32 s28, $0x1;
	[dreg:$0x2] =	wrdreg s2  }
0xa9: {  	[dreg:$0x3] =	wrdreg s4  }
0xaa: {  	[dreg:$0x4] =	wrdreg $0xC0  }
0xab: {  	_ =	task [dreg:s6], $0x5FFFF  }
0xac: {  	[dreg:$0x1] =	wrdreg $0xFFFFFFFF  }
0xad: {  	[dreg:$0x0] =	wrdreg $0x60  }
0xae: {  	[dreg:$0x2] =	wrdreg s24  }
0xaf: {  	[dreg:$0x3] =	wrdreg $0x9  }
0xb0: {  	_ =	task.clear_ibuf [dreg:s6], $0x4FFFF;
	_ =	strace $0x90000046  }
0xb1: {  	s29 =	simm.s32 $0x9;
	_ =	strace $0x80000048  }
0xb2: {  	_ =	swait.ge [sflag:s29], $0x1  }
0xb3: {  	[sflag:s29] =	ssyncadd.s32 $0xFFFFFFFF  }
0xb4: {  	_ =	strace $0x90000048  }
0xb5: {  	_ =	sfence  }
0xb6: {  	s30 =	sld [smem:$0x0];
	_ =	sdelay $0x2  }
0xb7: {  	s31 =	sshll.u32 s1, $0xD;
	s1 =	sshrl.u32 s1, $0x2  }
0xb8: {  	s3 =	sand.u32 $0x4000, s31;
	s1 =	sadd.s32 s1, s30  }
0xb9: {  	s0 =	sor.u32 s3, s0;
	s1 =	sshll.u32 s1, $0x11  }
0xba: {  	s0 =	sor.u32 s1, s0  }
0xbb: {  	s0 =	sadd.s32 $0x8F2B, s0  }
0xbc: {  	[sflag:s0] =	ssyncadd.remote.s32 $0x1  }
0xbd: {  	_ =	sfence.sel $0xFFFF  }
0xbe: {  	[dreg:$0x0] =	wrdreg $0xFFFFFFFF;
	(pc) =	sbr.abs _section_cstart, $3  }
0xbf: {  	[dreg:$0x1] =	wrdreg $0xFFFFFFFF  }
0xc0: {  	_ =	task.clear_ibuf [dreg:s6], $0x2FFFF;
	_ =	strace $0x9FFFFFFF  }
0xc1: {  	(tm) =	ssettm $0x7FFFFFFF  }
tec
execute0_lowered:
.L_overlay_start_1:
0x0: {  	(tag) =	ssettag $0x1  }
0x1: {  	s1 =	srdreg.scid;
	s0 =	stileid.u32  }
0x2: {  	s1 =	sand.u32 $0x1, s1;
	s2 =	sshll.u32 s0, $0x1  }
0x3: {  	s3 =	rddreg [dreg:$0x0];
	s4 =	sor.u32 s1, s2;
	s2 =	simm.s32 $0x0  }
0x4: {  	s17 =	simm.s32 $0x2200;
	[smem:$0x7FF] =	sst s2  }
0x5: {  	s18 =	simm.s32 $0x100;
	_ =	strace $0x80000047;
	[dreg:$0x4] =	wrdreg s17  }
0x6: {  	s19 =	simm.s32 $0x2A00;
	[dreg:$0x5] =	wrdreg s18  }
0x7: {  	s20 =	simm.s32 $0x180;
	[dreg:$0x6] =	wrdreg s19  }
0x8: {  	s21 =	simm.s32 $0x3200;
	[dreg:$0x7] =	wrdreg s20  }
0x9: {  	s22 =	simm.s32 $0x200;
	[dreg:$0x8] =	wrdreg s21  }
0xa: {  	s23 =	simm.s32 $0x3A00;
	[dreg:$0x9] =	wrdreg s22  }
0xb: {  	s24 =	simm.s32 $0x280;
	[dreg:$0xa] =	wrdreg s23  }
0xc: {  	s25 =	simm.s32 $0x4200;
	[dreg:$0xb] =	wrdreg s24  }
0xd: {  	s26 =	simm.s32 $0x300;
	[dreg:$0xc] =	wrdreg s25  }
0xe: {  	s0 =	simm.s32 $0x4A00;
	[dreg:$0xd] =	wrdreg s26  }
0xf: {  	s6 =	simm.s32 $0x5200;
	[dreg:$0xe] =	wrdreg s0  }
0x10: {  	s7 =	simm.s32 $0x400;
	[dreg:$0x10] =	wrdreg s6  }
0x11: {  	s8 =	simm.s32 $0x5A00;
	[dreg:$0x11] =	wrdreg s7  }
0x12: {  	s9 =	simm.s32 $0x480;
	[dreg:$0x12] =	wrdreg s8  }
0x13: {  	s10 =	simm.s32 $0x6200;
	[dreg:$0x13] =	wrdreg s9  }
0x14: {  	s11 =	simm.s32 $0x500;
	[dreg:$0x14] =	wrdreg s10  }
0x15: {  	s12 =	simm.s32 $0x6A00;
	[dreg:$0x15] =	wrdreg s11  }
0x16: {  	s13 =	simm.s32 $0x580;
	[dreg:$0x16] =	wrdreg s12  }
0x17: {  	s14 =	simm.s32 $0x7200;
	[dreg:$0x17] =	wrdreg s13  }
0x18: {  	s15 =	simm.s32 $0x600;
	[dreg:$0x18] =	wrdreg s14  }
0x19: {  	s16 =	simm.s32 $0x7A00;
	[dreg:$0x19] =	wrdreg s15  }
0x1a: {  	[dreg:$0x1a] =	wrdreg s16;
	s17 =	simm.s32 $0x680  }
0x1b: {  	s18 =	simm.s32 $0x8200;
	[dreg:$0x1b] =	wrdreg s17  }
0x1c: {  	s19 =	simm.s32 $0x700;
	[dreg:$0x1c] =	wrdreg s18  }
0x1d: {  	s20 =	simm.s32 $0x8A00;
	[dreg:$0x1d] =	wrdreg s19  }
0x1e: {  	s21 =	simm.s32 $0x780;
	[dreg:$0x1e] =	wrdreg s20  }
0x1f: {  	s22 =	simm.s32 $0x9200;
	[dreg:$0x1f] =	wrdreg s21  }
0x20: {  	s23 =	simm.s32 $0x800;
	[smem:$0x7CC] =	sst s22  }
0x21: {  	s24 =	simm.s32 $0x9A00;
	[smem:$0x7CD] =	sst s23  }
0x22: {  	s25 =	simm.s32 $0x880;
	[smem:$0x7CE] =	sst s24  }
0x23: {  	s26 =	simm.s32 $0xA200;
	[smem:$0x7CF] =	sst s25  }
0x24: {  	s0 =	simm.s32 $0x900;
	[smem:$0x7D0] =	sst s26  }
0x25: {  	s6 =	simm.s32 $0x980;
	[smem:$0x7D1] =	sst s0  }
0x26: {  	s7 =	simm.s32 $0xB200;
	[smem:$0x7D3] =	sst s6  }
0x27: {  	s8 =	simm.s32 $0xA00;
	[smem:$0x7D4] =	sst s7  }
0x28: {  	s9 =	simm.s32 $0xBA00;
	[smem:$0x7D5] =	sst s8  }
0x29: {  	s10 =	simm.s32 $0xA80;
	[smem:$0x7D6] =	sst s9  }
0x2a: {  	s11 =	simm.s32 $0xC200;
	[smem:$0x7D7] =	sst s10  }
0x2b: {  	s12 =	simm.s32 $0xB00;
	[smem:$0x7D8] =	sst s11  }
0x2c: {  	s13 =	simm.s32 $0xCA00;
	[smem:$0x7D9] =	sst s12  }
0x2d: {  	s14 =	simm.s32 $0xB80;
	[smem:$0x7DA] =	sst s13  }
0x2e: {  	s15 =	simm.s32 $0xD200;
	[smem:$0x7DB] =	sst s14  }
0x2f: {  	s16 =	simm.s32 $0xC00;
	[smem:$0x7DC] =	sst s15  }
0x30: {  	[smem:$0x7DD] =	sst s16;
	s17 =	simm.s32 $0xDA00  }
0x31: {  	s18 =	simm.s32 $0xC80;
	[smem:$0x7DE] =	sst s17  }
0x32: {  	s19 =	simm.s32 $0xE200;
	[smem:$0x7DF] =	sst s18  }
0x33: {  	s20 =	simm.s32 $0xD00;
	[smem:$0x7E0] =	sst s19  }
0x34: {  	s21 =	simm.s32 $0xEA00;
	[smem:$0x7E1] =	sst s20  }
0x35: {  	s22 =	simm.s32 $0xD80;
	[smem:$0x7E2] =	sst s21  }
0x36: {  	s23 =	simm.s32 $0xF200;
	[smem:$0x7E3] =	sst s22  }
0x37: {  	s24 =	simm.s32 $0xE00;
	[smem:$0x7E4] =	sst s23  }
0x38: {  	s25 =	simm.s32 $0xFA00;
	[smem:$0x7E5] =	sst s24  }
0x39: {  	s26 =	simm.s32 $0xE80;
	[smem:$0x7E6] =	sst s25  }
0x3a: {  	s0 =	simm.s32 $0x10200;
	[smem:$0x7E7] =	sst s26  }
0x3b: {  	s6 =	simm.s32 $0x10A00;
	[smem:$0x7E8] =	sst s0  }
0x3c: {  	s7 =	simm.s32 $0xF80;
	[smem:$0x7EA] =	sst s6  }
0x3d: {  	s8 =	simm.s32 $0x11200;
	[smem:$0x7EB] =	sst s7  }
0x3e: {  	s28 =	simm.s32 $0x1900;
	s9 =	simm.s32 $0x1000;
	[smem:$0x7EC] =	sst s8  }
0x3f: {  	s29 =	simm.s32 $0x1AA00;
	s10 =	simm.s32 $0x11A00;
	[smem:$0x7ED] =	sst s9  }
0x40: {  	s30 =	simm.s32 $0x1980;
	s11 =	simm.s32 $0x1080;
	[smem:$0x7EE] =	sst s10  }
0x41: {  	s31 =	simm.s32 $0x1B200;
	s12 =	simm.s32 $0x12200;
	[smem:$0x7EF] =	sst s11  }
0x42: {  	s1 =	ssub.s32 $0x2, s1;
	s13 =	simm.s32 $0x1100;
	[smem:$0x7F0] =	sst s12  }
0x43: {  	s5 =	smul.u32 $0x340, s4;
	s14 =	simm.s32 $0x12A00;
	[smem:$0x7F1] =	sst s13  }
0x44: {  	s4 =	smul.u32 $0x3400, s4;
	s15 =	simm.s32 $0x1180;
	[smem:$0x7F2] =	sst s14  }
0x45: {  	s5 =	sadd.s32 s5, s3;
	s16 =	simm.s32 $0x13200;
	[smem:$0x7F3] =	sst s15  }
0x46: {  	s4 =	sadd.s32 s4, s3;
	s5 =	sadd.s32 $0x202A00, s5;
	[smem:$0x7F4] =	sst s16  }
0x47: {  	s3 =	sadd.s32 $0x209200, s3;
	s4 =	sadd.s32 $0x2A00, s4;
	[dreg:$0x2] =	wrdreg s5  }
0x48: {  	s17 =	simm.s32 $0x1200;
	s18 =	simm.s32 $0x13A00;
	[dreg:$0x3] =	wrdreg s4  }
0x49: {  	s19 =	simm.s32 $0x1280;
	s20 =	simm.s32 $0x14200;
	[smem:$0x7F5] =	sst s17  }
0x4a: {  	s21 =	simm.s32 $0x1300;
	s22 =	sshrl.u32 s1, $0x1;
	[smem:$0x7F6] =	sst s18  }
0x4b: {  	s23 =	simm.s32 $0x14A00;
	s24 =	simm.s32 $0x1380;
	[smem:$0x7F7] =	sst s19  }
0x4c: {  	s25 =	simm.s32 $0x15200;
	s26 =	simm.s32 $0x1400;
	[smem:$0x7F8] =	sst s20  }
0x4d: {  	s6 =	simm.s32 $0x80;
	s7 =	simm.s32 $0x1A00;
	[smem:$0x7F9] =	sst s21  }
0x4e: {  	s11 =	simm.s32 $0x1500;
	s12 =	simm.s32 $0x16A00;
	[smem:$0x7FA] =	sst s23  }
0x4f: {  	s13 =	simm.s32 $0x1580;
	s14 =	simm.s32 $0x17200;
	[smem:$0x7FB] =	sst s24  }
0x50: {  	s15 =	simm.s32 $0x1600;
	s16 =	simm.s32 $0x17A00;
	[smem:$0x7FC] =	sst s25  }
0x51: {  	s5 =	simm.s32 $0x380;
	s1 =	ssub.s32 s1, s22;
	[smem:$0x7FD] =	sst s26  }
0x52: {  	s17 =	simm.s32 $0x1680;
	s18 =	simm.s32 $0x18200;
	s19 =	simm.s32 $0x1700  }
0x53: {  	s20 =	simm.s32 $0x18A00;
	s21 =	simm.s32 $0x1780;
	s22 =	simm.s32 $0x19200  }
0x54: {  	s23 =	simm.s32 $0x1800;
	s24 =	simm.s32 $0x19A00;
	s25 =	simm.s32 $0x1880  }
0x55: {  	s26 =	simm.s32 $0x1A200;
	[dreg:$0xf] =	wrdreg s5;
	s5 =	simm.s32 $0xAA00  }
0x56: {  	s4 =	smax.u32 s1, $0x1;
	[smem:$0x7D2] =	sst s5;
	s5 =	simm.s32 $0xF00  }
0x57: {  	s1 =	simm.s32 $0x1;
	[smem:$0x7E9] =	sst s5;
	s5 =	simm.s32 $0x2  }
.LBB2_1:
0x58: {  	s0 =	rddreg [dreg:$0x2]  }
0x59: {  	[tilespmem:s2], [sflag:$0x2] =	stream.linear.gather [hbm4b:s0+s2], $0x1A00, $0x38;
	[tilespmem:$0x1BA00] =	vst v63  }
0x5a: {  	_ =	swait.ge [sflag:s5], $0x1A00  }
0x5b: {  	s10 =	rddreg [dreg:$0x4]  }
0x5c: {  	[sflag:s5] =	ssyncset.done $0x0;
	s0 =	rddreg [dreg:$0x5]  }
0x5d: {  	s8 =	rddreg [dreg:$0x6];
	[sflag:s5] =	ssyncadd.s32 $0xFFFFE600  }
0x5e: {  	[tilespmem:s7], [sflag:$0x1] =	stream.indirect.gather [hbm4b:s3+s6], $0x10, s2, s6, $0xb8;
	[tilespmem:$0x1BA00] =	vst v63  }
0x5f: {  	s9 =	rddreg [dreg:$0x7]  }
0x60: {  	[tilespmem:s10], [sflag:$0x1] =	stream.indirect.gather [hbm4b:s3+s6], $0x10, s6, s6, $0xb8;
	[tilespmem:$0x1BA00] =	vst v63  }
0x61: {  	s10 =	rddreg [dreg:$0x8]  }
0x62: {  	[tilespmem:s8], [sflag:$0x1] =	stream.indirect.gather [hbm4b:s3+s6], $0x10, s0, s6, $0xb8;
	[tilespmem:$0x1BA00] =	vst v63  }
0x63: {  	s0 =	rddreg [dreg:$0x9]  }
0x64: {  	s8 =	rddreg [dreg:$0xa]  }
0x65: {  	[tilespmem:s10], [sflag:$0x1] =	stream.indirect.gather [hbm4b:s3+s6], $0x10, s9, s6, $0xb8;
	[tilespmem:$0x1BA00] =	vst v63  }
0x66: {  	s9 =	rddreg [dreg:$0xb]  }
0x67: {  	s10 =	rddreg [dreg:$0xc]  }
0x68: {  	[tilespmem:s8], [sflag:$0x1] =	stream.indirect.gather [hbm4b:s3+s6], $0x10, s0, s6, $0xb8;
	[tilespmem:$0x1BA00] =	vst v63  }
0x69: {  	s0 =	rddreg [dreg:$0xd]  }
0x6a: {  	s8 =	rddreg [dreg:$0xe]  }
0x6b: {  	[tilespmem:s10], [sflag:$0x1] =	stream.indirect.gather [hbm4b:s3+s6], $0x10, s9, s6, $0xb8;
	[tilespmem:$0x1BA00] =	vst v63  }
0x6c: {  	s9 =	rddreg [dreg:$0xf]  }
0x6d: {  	s10 =	rddreg [dreg:$0x10]  }
0x6e: {  	[tilespmem:s8], [sflag:$0x1] =	stream.indirect.gather [hbm4b:s3+s6], $0x10, s0, s6, $0xb8;
	[tilespmem:$0x1BA00] =	vst v63  }
0x6f: {  	s0 =	rddreg [dreg:$0x11]  }
0x70: {  	s8 =	rddreg [dreg:$0x12]  }
0x71: {  	[tilespmem:s10], [sflag:$0x1] =	stream.indirect.gather [hbm4b:s3+s6], $0x10, s9, s6, $0xb8;
	[tilespmem:$0x1BA00] =	vst v63  }
0x72: {  	s9 =	rddreg [dreg:$0x13]  }
0x73: {  	s10 =	rddreg [dreg:$0x14]  }
0x74: {  	[tilespmem:s8], [sflag:$0x1] =	stream.indirect.gather [hbm4b:s3+s6], $0x10, s0, s6, $0xb8;
	[tilespmem:$0x1BA00] =	vst v63  }
0x75: {  	s0 =	rddreg [dreg:$0x15]  }
0x76: {  	s8 =	rddreg [dreg:$0x16]  }
0x77: {  	[tilespmem:s10], [sflag:$0x1] =	stream.indirect.gather [hbm4b:s3+s6], $0x10, s9, s6, $0xb8;
	[tilespmem:$0x1BA00] =	vst v63  }
0x78: {  	s9 =	rddreg [dreg:$0x17]  }
0x79: {  	s10 =	rddreg [dreg:$0x18]  }
0x7a: {  	[tilespmem:s8], [sflag:$0x1] =	stream.indirect.gather [hbm4b:s3+s6], $0x10, s0, s6, $0xb8;
	[tilespmem:$0x1BA00] =	vst v63  }
0x7b: {  	s0 =	rddreg [dreg:$0x19]  }
0x7c: {  	s8 =	rddreg [dreg:$0x1a]  }
0x7d: {  	[tilespmem:s10], [sflag:$0x1] =	stream.indirect.gather [hbm4b:s3+s6], $0x10, s9, s6, $0xb8;
	[tilespmem:$0x1BA00] =	vst v63  }
0x7e: {  	s9 =	rddreg [dreg:$0x1b]  }
0x7f: {  	s10 =	rddreg [dreg:$0x1c]  }
0x80: {  	[tilespmem:s8], [sflag:$0x1] =	stream.indirect.gather [hbm4b:s3+s6], $0x10, s0, s6, $0xb8;
	[tilespmem:$0x1BA00] =	vst v63  }
0x81: {  	s0 =	rddreg [dreg:$0x1d]  }
0x82: {  	s8 =	rddreg [dreg:$0x1e]  }
0x83: {  	[tilespmem:s10], [sflag:$0x1] =	stream.indirect.gather [hbm4b:s3+s6], $0x10, s9, s6, $0xb8;
	[tilespmem:$0x1BA00] =	vst v63  }
0x84: {  	s9 =	rddreg [dreg:$0x1f]  }
0x85: {  	s10 =	sld [smem:$0x7CC]  }
0x86: {  	[tilespmem:s8], [sflag:$0x1] =	stream.indirect.gather [hbm4b:s3+s6], $0x10, s0, s6, $0xb8;
	[tilespmem:$0x1BA00] =	vst v63  }
0x87: {  	s0 =	sld [smem:$0x7CD]  }
0x88: {  	s8 =	sld [smem:$0x7CE]  }
0x89: {  	[tilespmem:s10], [sflag:$0x1] =	stream.indirect.gather [hbm4b:s3+s6], $0x10, s9, s6, $0xb8;
	[tilespmem:$0x1BA00] =	vst v63  }
0x8a: {  	s9 =	sld [smem:$0x7CF]  }
0x8b: {  	s10 =	sld [smem:$0x7D0]  }
0x8c: {  	[tilespmem:s8], [sflag:$0x1] =	stream.indirect.gather [hbm4b:s3+s6], $0x10, s0, s6, $0xb8;
	[tilespmem:$0x1BA00] =	vst v63  }
0x8d: {  	s0 =	sld [smem:$0x7D1]  }
0x8e: {  	s8 =	sld [smem:$0x7D2]  }
0x8f: {  	[tilespmem:s10], [sflag:$0x1] =	stream.indirect.gather [hbm4b:s3+s6], $0x10, s9, s6, $0xb8;
	[tilespmem:$0x1BA00] =	vst v63  }
0x90: {  	s9 =	sld [smem:$0x7D3]  }
0x91: {  	s10 =	sld [smem:$0x7D4]  }
0x92: {  	[tilespmem:s8], [sflag:$0x1] =	stream.indirect.gather [hbm4b:s3+s6], $0x10, s0, s6, $0xb8;
	[tilespmem:$0x1BA00] =	vst v63  }
0x93: {  	s0 =	sld [smem:$0x7D5]  }
0x94: {  	s8 =	sld [smem:$0x7D6]  }
0x95: {  	[tilespmem:s10], [sflag:$0x1] =	stream.indirect.gather [hbm4b:s3+s6], $0x10, s9, s6, $0xb8;
	[tilespmem:$0x1BA00] =	vst v63  }
0x96: {  	s9 =	sld [smem:$0x7D7]  }
0x97: {  	s10 =	sld [smem:$0x7D8]  }
0x98: {  	[tilespmem:s8], [sflag:$0x1] =	stream.indirect.gather [hbm4b:s3+s6], $0x10, s0, s6, $0xb8;
	[tilespmem:$0x1BA00] =	vst v63  }
0x99: {  	s0 =	sld [smem:$0x7D9]  }
0x9a: {  	s8 =	sld [smem:$0x7DA]  }
0x9b: {  	[tilespmem:s10], [sflag:$0x1] =	stream.indirect.gather [hbm4b:s3+s6], $0x10, s9, s6, $0xb8;
	[tilespmem:$0x1BA00] =	vst v63  }
0x9c: {  	s9 =	sld [smem:$0x7DB]  }
0x9d: {  	s10 =	sld [smem:$0x7DC]  }
0x9e: {  	[tilespmem:s8], [sflag:$0x1] =	stream.indirect.gather [hbm4b:s3+s6], $0x10, s0, s6, $0xb8;
	[tilespmem:$0x1BA00] =	vst v63  }
0x9f: {  	s0 =	sld [smem:$0x7DD]  }
0xa0: {  	s8 =	sld [smem:$0x7DE]  }
0xa1: {  	[tilespmem:s10], [sflag:$0x1] =	stream.indirect.gather [hbm4b:s3+s6], $0x10, s9, s6, $0xb8;
	[tilespmem:$0x1BA00] =	vst v63  }
0xa2: {  	s9 =	sld [smem:$0x7DF]  }
0xa3: {  	s10 =	sld [smem:$0x7E0]  }
0xa4: {  	[tilespmem:s8], [sflag:$0x1] =	stream.indirect.gather [hbm4b:s3+s6], $0x10, s0, s6, $0xb8;
	[tilespmem:$0x1BA00] =	vst v63  }
0xa5: {  	s0 =	sld [smem:$0x7E1]  }
0xa6: {  	s8 =	sld [smem:$0x7E2]  }
0xa7: {  	[tilespmem:s10], [sflag:$0x1] =	stream.indirect.gather [hbm4b:s3+s6], $0x10, s9, s6, $0xb8;
	[tilespmem:$0x1BA00] =	vst v63  }
0xa8: {  	s9 =	sld [smem:$0x7E3]  }
0xa9: {  	s10 =	sld [smem:$0x7E4]  }
0xaa: {  	[tilespmem:s8], [sflag:$0x1] =	stream.indirect.gather [hbm4b:s3+s6], $0x10, s0, s6, $0xb8;
	[tilespmem:$0x1BA00] =	vst v63  }
0xab: {  	s0 =	sld [smem:$0x7E5]  }
0xac: {  	s8 =	sld [smem:$0x7E6]  }
0xad: {  	[tilespmem:s10], [sflag:$0x1] =	stream.indirect.gather [hbm4b:s3+s6], $0x10, s9, s6, $0xb8;
	[tilespmem:$0x1BA00] =	vst v63  }
0xae: {  	s9 =	sld [smem:$0x7E7]  }
0xaf: {  	s10 =	sld [smem:$0x7E8]  }
0xb0: {  	[tilespmem:s8], [sflag:$0x1] =	stream.indirect.gather [hbm4b:s3+s6], $0x10, s0, s6, $0xb8;
	[tilespmem:$0x1BA00] =	vst v63  }
0xb1: {  	s0 =	sld [smem:$0x7E9]  }
0xb2: {  	s8 =	sld [smem:$0x7EA]  }
0xb3: {  	[tilespmem:s10], [sflag:$0x1] =	stream.indirect.gather [hbm4b:s3+s6], $0x10, s9, s6, $0xb8;
	[tilespmem:$0x1BA00] =	vst v63  }
0xb4: {  	s9 =	sld [smem:$0x7EB]  }
0xb5: {  	s10 =	sld [smem:$0x7EC]  }
0xb6: {  	[tilespmem:s8], [sflag:$0x1] =	stream.indirect.gather [hbm4b:s3+s6], $0x10, s0, s6, $0xb8;
	[tilespmem:$0x1BA00] =	vst v63  }
0xb7: {  	s0 =	sld [smem:$0x7ED]  }
0xb8: {  	s8 =	sld [smem:$0x7EE]  }
0xb9: {  	[tilespmem:s10], [sflag:$0x1] =	stream.indirect.gather [hbm4b:s3+s6], $0x10, s9, s6, $0xb8;
	[tilespmem:$0x1BA00] =	vst v63  }
0xba: {  	s9 =	sld [smem:$0x7EF]  }
0xbb: {  	s10 =	sld [smem:$0x7F0]  }
0xbc: {  	[tilespmem:s8], [sflag:$0x1] =	stream.indirect.gather [hbm4b:s3+s6], $0x10, s0, s6, $0xb8;
	[tilespmem:$0x1BA00] =	vst v63  }
0xbd: {  	s0 =	sld [smem:$0x7F1]  }
0xbe: {  	s8 =	sld [smem:$0x7F2]  }
0xbf: {  	[tilespmem:s10], [sflag:$0x1] =	stream.indirect.gather [hbm4b:s3+s6], $0x10, s9, s6, $0xb8;
	[tilespmem:$0x1BA00] =	vst v63  }
0xc0: {  	s9 =	sld [smem:$0x7F3]  }
0xc1: {  	s10 =	sld [smem:$0x7F4]  }
0xc2: {  	[tilespmem:s8], [sflag:$0x1] =	stream.indirect.gather [hbm4b:s3+s6], $0x10, s0, s6, $0xb8;
	[tilespmem:$0x1BA00] =	vst v63  }
0xc3: {  	s0 =	sld [smem:$0x7F5]  }
0xc4: {  	s8 =	sld [smem:$0x7F6]  }
0xc5: {  	[tilespmem:s10], [sflag:$0x1] =	stream.indirect.gather [hbm4b:s3+s6], $0x10, s9, s6, $0xb8;
	[tilespmem:$0x1BA00] =	vst v63  }
0xc6: {  	s9 =	sld [smem:$0x7F7]  }
0xc7: {  	s10 =	sld [smem:$0x7F8]  }
0xc8: {  	[tilespmem:s8], [sflag:$0x1] =	stream.indirect.gather [hbm4b:s3+s6], $0x10, s0, s6, $0xb8;
	[tilespmem:$0x1BA00] =	vst v63  }
0xc9: {  	s0 =	sld [smem:$0x7F9]  }
0xca: {  	s8 =	sld [smem:$0x7FA]  }
0xcb: {  	[tilespmem:s10], [sflag:$0x1] =	stream.indirect.gather [hbm4b:s3+s6], $0x10, s9, s6, $0xb8;
	[tilespmem:$0x1BA00] =	vst v63  }
0xcc: {  	s9 =	sld [smem:$0x7FB]  }
0xcd: {  	s10 =	sld [smem:$0x7FC]  }
0xce: {  	[tilespmem:s8], [sflag:$0x1] =	stream.indirect.gather [hbm4b:s3+s6], $0x10, s0, s6, $0xb8;
	[tilespmem:$0x1BA00] =	vst v63  }
0xcf: {  	s8 =	sld [smem:$0x7FD]  }
0xd0: {  	[tilespmem:s10], [sflag:$0x1] =	stream.indirect.gather [hbm4b:s3+s6], $0x10, s9, s6, $0xb8;
	[tilespmem:$0x1BA00] =	vst v63  }
0xd1: {  	s10 =	simm.s32 $0x15A00  }
0xd2: {  	[tilespmem:s10], [sflag:$0x1] =	stream.indirect.gather [hbm4b:s3+s6], $0x10, s8, s6, $0xb8;
	[tilespmem:$0x1BA00] =	vst v63  }
0xd3: {  	s9 =	simm.s32 $0x16200;
	s8 =	simm.s32 $0x1480  }
0xd4: {  	[tilespmem:s9], [sflag:$0x1] =	stream.indirect.gather [hbm4b:s3+s6], $0x10, s8, s6, $0xb8;
	[tilespmem:$0x1BA00] =	vst v63  }
0xd5: {  	_ = 	snop  }
0xd6: {  	[tilespmem:s12], [sflag:$0x1] =	stream.indirect.gather [hbm4b:s3+s6], $0x10, s11, s6, $0xb8;
	[tilespmem:$0x1BA00] =	vst v63  }
0xd7: {  	_ = 	snop  }
0xd8: {  	[tilespmem:s14], [sflag:$0x1] =	stream.indirect.gather [hbm4b:s3+s6], $0x10, s13, s6, $0xb8;
	[tilespmem:$0x1BA00] =	vst v63  }
0xd9: {  	_ = 	snop  }
0xda: {  	[tilespmem:s16], [sflag:$0x1] =	stream.indirect.gather [hbm4b:s3+s6], $0x10, s15, s6, $0xb8;
	[tilespmem:$0x1BA00] =	vst v63  }
0xdb: {  	_ = 	snop  }
0xdc: {  	[tilespmem:s18], [sflag:$0x1] =	stream.indirect.gather [hbm4b:s3+s6], $0x10, s17, s6, $0xb8;
	[tilespmem:$0x1BA00] =	vst v63  }
0xdd: {  	_ = 	snop  }
0xde: {  	[tilespmem:s20], [sflag:$0x1] =	stream.indirect.gather [hbm4b:s3+s6], $0x10, s19, s6, $0xb8;
	[tilespmem:$0x1BA00] =	vst v63  }
0xdf: {  	_ = 	snop  }
0xe0: {  	[tilespmem:s22], [sflag:$0x1] =	stream.indirect.gather [hbm4b:s3+s6], $0x10, s21, s6, $0xb8;
	[tilespmem:$0x1BA00] =	vst v63  }
0xe1: {  	_ = 	snop  }
0xe2: {  	[tilespmem:s24], [sflag:$0x1] =	stream.indirect.gather [hbm4b:s3+s6], $0x10, s23, s6, $0xb8;
	[tilespmem:$0x1BA00] =	vst v63  }
0xe3: {  	_ = 	snop  }
0xe4: {  	[tilespmem:s26], [sflag:$0x1] =	stream.indirect.gather [hbm4b:s3+s6], $0x10, s25, s6, $0xb8;
	[tilespmem:$0x1BA00] =	vst v63  }
0xe5: {  	_ = 	snop  }
0xe6: {  	[tilespmem:s29], [sflag:$0x1] =	stream.indirect.gather [hbm4b:s3+s6], $0x10, s28, s6, $0xb8;
	[tilespmem:$0x1BA00] =	vst v63  }
0xe7: {  	_ = 	snop  }
0xe8: {  	[tilespmem:s31], [sflag:$0x1] =	stream.indirect.gather [hbm4b:s3+s6], $0x10, s30, s6, $0xb8;
	[tilespmem:$0x1BA00] =	vst v63  }
0xe9: {  	_ =	swait.ge [sflag:s1], $0x800  }
0xea: {  	[sflag:s1] =	ssyncset.done $0x0  }
0xeb: {  	[sflag:s1] =	ssyncadd.s32 $0xFFFFF800  }
0xec: {  	_ =	swait.ge [sflag:s1], $0x800  }
0xed: {  	[sflag:s1] =	ssyncset.done $0x0  }
0xee: {  	[sflag:s1] =	ssyncadd.s32 $0xFFFFF800  }
0xef: {  	_ =	swait.ge [sflag:s1], $0x800  }
0xf0: {  	[sflag:s1] =	ssyncset.done $0x0  }
0xf1: {  	[sflag:s1] =	ssyncadd.s32 $0xFFFFF800  }
0xf2: {  	_ =	swait.ge [sflag:s1], $0x800  }
0xf3: {  	[sflag:s1] =	ssyncset.done $0x0  }
0xf4: {  	[sflag:s1] =	ssyncadd.s32 $0xFFFFF800  }
0xf5: {  	_ =	swait.ge [sflag:s1], $0x800  }
0xf6: {  	[sflag:s1] =	ssyncset.done $0x0  }
0xf7: {  	[sflag:s1] =	ssyncadd.s32 $0xFFFFF800  }
0xf8: {  	_ =	swait.ge [sflag:s1], $0x800  }
0xf9: {  	[sflag:s1] =	ssyncset.done $0x0  }
0xfa: {  	[sflag:s1] =	ssyncadd.s32 $0xFFFFF800  }
0xfb: {  	_ =	swait.ge [sflag:s1], $0x800  }
0xfc: {  	[sflag:s1] =	ssyncset.done $0x0  }
0xfd: {  	[sflag:s1] =	ssyncadd.s32 $0xFFFFF800  }
0xfe: {  	_ =	swait.ge [sflag:s1], $0x800  }
0xff: {  	[sflag:s1] =	ssyncset.done $0x0  }
0x100: {  	[sflag:s1] =	ssyncadd.s32 $0xFFFFF800  }
0x101: {  	_ =	swait.ge [sflag:s1], $0x800  }
0x102: {  	[sflag:s1] =	ssyncset.done $0x0  }
0x103: {  	[sflag:s1] =	ssyncadd.s32 $0xFFFFF800  }
0x104: {  	_ =	swait.ge [sflag:s1], $0x800  }
0x105: {  	[sflag:s1] =	ssyncset.done $0x0  }
0x106: {  	[sflag:s1] =	ssyncadd.s32 $0xFFFFF800  }
0x107: {  	_ =	swait.ge [sflag:s1], $0x800  }
0x108: {  	[sflag:s1] =	ssyncset.done $0x0  }
0x109: {  	[sflag:s1] =	ssyncadd.s32 $0xFFFFF800  }
0x10a: {  	_ =	swait.ge [sflag:s1], $0x800  }
0x10b: {  	[sflag:s1] =	ssyncset.done $0x0  }
0x10c: {  	[sflag:s1] =	ssyncadd.s32 $0xFFFFF800  }
0x10d: {  	_ =	swait.ge [sflag:s1], $0x800  }
0x10e: {  	[sflag:s1] =	ssyncset.done $0x0  }
0x10f: {  	[sflag:s1] =	ssyncadd.s32 $0xFFFFF800  }
0x110: {  	_ =	swait.ge [sflag:s1], $0x800  }
0x111: {  	[sflag:s1] =	ssyncset.done $0x0  }
0x112: {  	[sflag:s1] =	ssyncadd.s32 $0xFFFFF800  }
0x113: {  	_ =	swait.ge [sflag:s1], $0x800  }
0x114: {  	[sflag:s1] =	ssyncset.done $0x0  }
0x115: {  	[sflag:s1] =	ssyncadd.s32 $0xFFFFF800  }
0x116: {  	_ =	swait.ge [sflag:s1], $0x800  }
0x117: {  	[sflag:s1] =	ssyncset.done $0x0  }
0x118: {  	[sflag:s1] =	ssyncadd.s32 $0xFFFFF800  }
0x119: {  	_ =	swait.ge [sflag:s1], $0x800  }
0x11a: {  	[sflag:s1] =	ssyncset.done $0x0  }
0x11b: {  	[sflag:s1] =	ssyncadd.s32 $0xFFFFF800  }
0x11c: {  	_ =	swait.ge [sflag:s1], $0x800  }
0x11d: {  	[sflag:s1] =	ssyncset.done $0x0  }
0x11e: {  	[sflag:s1] =	ssyncadd.s32 $0xFFFFF800  }
0x11f: {  	_ =	swait.ge [sflag:s1], $0x800  }
0x120: {  	[sflag:s1] =	ssyncset.done $0x0  }
0x121: {  	[sflag:s1] =	ssyncadd.s32 $0xFFFFF800  }
0x122: {  	_ =	swait.ge [sflag:s1], $0x800  }
0x123: {  	[sflag:s1] =	ssyncset.done $0x0  }
0x124: {  	[sflag:s1] =	ssyncadd.s32 $0xFFFFF800  }
0x125: {  	_ =	swait.ge [sflag:s1], $0x800  }
0x126: {  	[sflag:s1] =	ssyncset.done $0x0  }
0x127: {  	[sflag:s1] =	ssyncadd.s32 $0xFFFFF800  }
0x128: {  	_ =	swait.ge [sflag:s1], $0x800  }
0x129: {  	[sflag:s1] =	ssyncset.done $0x0  }
0x12a: {  	[sflag:s1] =	ssyncadd.s32 $0xFFFFF800  }
0x12b: {  	_ =	swait.ge [sflag:s1], $0x800  }
0x12c: {  	[sflag:s1] =	ssyncset.done $0x0  }
0x12d: {  	[sflag:s1] =	ssyncadd.s32 $0xFFFFF800  }
0x12e: {  	_ =	swait.ge [sflag:s1], $0x800  }
0x12f: {  	[sflag:s1] =	ssyncset.done $0x0  }
0x130: {  	[sflag:s1] =	ssyncadd.s32 $0xFFFFF800  }
0x131: {  	_ =	swait.ge [sflag:s1], $0x800  }
0x132: {  	[sflag:s1] =	ssyncset.done $0x0  }
0x133: {  	[sflag:s1] =	ssyncadd.s32 $0xFFFFF800  }
0x134: {  	_ =	swait.ge [sflag:s1], $0x800  }
0x135: {  	[sflag:s1] =	ssyncset.done $0x0  }
0x136: {  	[sflag:s1] =	ssyncadd.s32 $0xFFFFF800  }
0x137: {  	_ =	swait.ge [sflag:s1], $0x800  }
0x138: {  	[sflag:s1] =	ssyncset.done $0x0  }
0x139: {  	[sflag:s1] =	ssyncadd.s32 $0xFFFFF800  }
0x13a: {  	_ =	swait.ge [sflag:s1], $0x800  }
0x13b: {  	[sflag:s1] =	ssyncset.done $0x0  }
0x13c: {  	[sflag:s1] =	ssyncadd.s32 $0xFFFFF800  }
0x13d: {  	_ =	swait.ge [sflag:s1], $0x800  }
0x13e: {  	[sflag:s1] =	ssyncset.done $0x0  }
0x13f: {  	[sflag:s1] =	ssyncadd.s32 $0xFFFFF800  }
0x140: {  	_ =	swait.ge [sflag:s1], $0x800  }
0x141: {  	[sflag:s1] =	ssyncset.done $0x0  }
0x142: {  	[sflag:s1] =	ssyncadd.s32 $0xFFFFF800  }
0x143: {  	_ =	swait.ge [sflag:s1], $0x800  }
0x144: {  	[sflag:s1] =	ssyncset.done $0x0  }
0x145: {  	[sflag:s1] =	ssyncadd.s32 $0xFFFFF800  }
0x146: {  	_ =	swait.ge [sflag:s1], $0x800  }
0x147: {  	[sflag:s1] =	ssyncset.done $0x0  }
0x148: {  	[sflag:s1] =	ssyncadd.s32 $0xFFFFF800  }
0x149: {  	_ =	swait.ge [sflag:s1], $0x800  }
0x14a: {  	[sflag:s1] =	ssyncset.done $0x0  }
0x14b: {  	[sflag:s1] =	ssyncadd.s32 $0xFFFFF800  }
0x14c: {  	_ =	swait.ge [sflag:s1], $0x800  }
0x14d: {  	[sflag:s1] =	ssyncset.done $0x0  }
0x14e: {  	[sflag:s1] =	ssyncadd.s32 $0xFFFFF800  }
0x14f: {  	_ =	swait.ge [sflag:s1], $0x800  }
0x150: {  	[sflag:s1] =	ssyncset.done $0x0  }
0x151: {  	[sflag:s1] =	ssyncadd.s32 $0xFFFFF800  }
0x152: {  	_ =	swait.ge [sflag:s1], $0x800  }
0x153: {  	[sflag:s1] =	ssyncset.done $0x0  }
0x154: {  	[sflag:s1] =	ssyncadd.s32 $0xFFFFF800  }
0x155: {  	_ =	swait.ge [sflag:s1], $0x800  }
0x156: {  	[sflag:s1] =	ssyncset.done $0x0  }
0x157: {  	[sflag:s1] =	ssyncadd.s32 $0xFFFFF800  }
0x158: {  	_ =	swait.ge [sflag:s1], $0x800  }
0x159: {  	[sflag:s1] =	ssyncset.done $0x0  }
0x15a: {  	[sflag:s1] =	ssyncadd.s32 $0xFFFFF800  }
0x15b: {  	_ =	swait.ge [sflag:s1], $0x800  }
0x15c: {  	[sflag:s1] =	ssyncset.done $0x0  }
0x15d: {  	[sflag:s1] =	ssyncadd.s32 $0xFFFFF800  }
0x15e: {  	_ =	swait.ge [sflag:s1], $0x800  }
0x15f: {  	[sflag:s1] =	ssyncset.done $0x0  }
0x160: {  	[sflag:s1] =	ssyncadd.s32 $0xFFFFF800  }
0x161: {  	_ =	swait.ge [sflag:s1], $0x800  }
0x162: {  	[sflag:s1] =	ssyncset.done $0x0  }
0x163: {  	[sflag:s1] =	ssyncadd.s32 $0xFFFFF800  }
0x164: {  	_ =	swait.ge [sflag:s1], $0x800  }
0x165: {  	[sflag:s1] =	ssyncset.done $0x0  }
0x166: {  	[sflag:s1] =	ssyncadd.s32 $0xFFFFF800  }
0x167: {  	_ =	swait.ge [sflag:s1], $0x800  }
0x168: {  	[sflag:s1] =	ssyncset.done $0x0  }
0x169: {  	[sflag:s1] =	ssyncadd.s32 $0xFFFFF800  }
0x16a: {  	_ =	swait.ge [sflag:s1], $0x800  }
0x16b: {  	[sflag:s1] =	ssyncset.done $0x0  }
0x16c: {  	[sflag:s1] =	ssyncadd.s32 $0xFFFFF800  }
0x16d: {  	_ =	swait.ge [sflag:s1], $0x800  }
0x16e: {  	[sflag:s1] =	ssyncset.done $0x0  }
0x16f: {  	[sflag:s1] =	ssyncadd.s32 $0xFFFFF800  }
0x170: {  	_ =	swait.ge [sflag:s1], $0x800  }
0x171: {  	[sflag:s1] =	ssyncset.done $0x0  }
0x172: {  	[sflag:s1] =	ssyncadd.s32 $0xFFFFF800  }
0x173: {  	_ =	swait.ge [sflag:s1], $0x800  }
0x174: {  	[sflag:s1] =	ssyncset.done $0x0  }
0x175: {  	[sflag:s1] =	ssyncadd.s32 $0xFFFFF800  }
0x176: {  	_ =	swait.ge [sflag:s1], $0x800  }
0x177: {  	[sflag:s1] =	ssyncset.done $0x0  }
0x178: {  	[sflag:s1] =	ssyncadd.s32 $0xFFFFF800  }
0x179: {  	_ =	swait.ge [sflag:s1], $0x800  }
0x17a: {  	[sflag:s1] =	ssyncset.done $0x0  }
0x17b: {  	[sflag:s1] =	ssyncadd.s32 $0xFFFFF800  }
0x17c: {  	_ =	swait.ge [sflag:s1], $0x800  }
0x17d: {  	[sflag:s1] =	ssyncset.done $0x0  }
0x17e: {  	[sflag:s1] =	ssyncadd.s32 $0xFFFFF800  }
0x17f: {  	_ =	swait.ge [sflag:s1], $0x800  }
0x180: {  	[sflag:s1] =	ssyncset.done $0x0  }
0x181: {  	[sflag:s1] =	ssyncadd.s32 $0xFFFFF800  }
0x182: {  	_ =	swait.ge [sflag:s1], $0x800  }
0x183: {  	p0 =	sne.s32 s4, $0x1;
	[sflag:s1] =	ssyncset.done $0x0  }
.Ltmp0:
0x184: {  	s10 =	rddreg [dreg:$0x3];
	[sflag:s1] =	ssyncadd.s32 $0xFFFFF800;
	(pc) =	sbr.rel @p0 .LBB2_1-.Ltmp0, $4  }
0x185: {  	[hbm4b:s10+s2] =	stream.linear.scatter [tilespmem:s7], [sflag:$0x2], $0x1A000, $0x38;
	[tilespmem:$0x1BA00] =	vst v63  }
0x186: {  	_ =	swait.ge [sflag:s5], $0x1A000  }
0x187: {  	[sflag:s5] =	ssyncset.done $0x0  }
0x188: {  	s4 =	sadd.s32 $0xFFFFFFFF, s4;
	[sflag:s5] =	ssyncadd.s32 $0xFFFE6000  }
0x189: {  	_ =	sfence.sel $0x180000  }
0x18a: {  	[bflag:$0x0] =	sbarrier.arrive $0xFFFF  }
0x18b: {  	_ =	strace $0x90000047  }
0x18c: {  	s0 =	stileid.u32;
	[bflag:$0x2] =	sbarrier.arrive $0xFFFF  }
0x18d: {  	p0 =	sne.s32 s0, $0x0;
	s0 =	rddreg [dreg:$0x1]  }
0x18e: {  	s0 =	sadd.s32 @!p0 $0x100000, s0  }
0x18f: {  	[sflag:s0] =	ssyncadd.tile.s32 @!p0 $0x1;
	_ =	shalt  }
.Lfunc_end2:
_tile_overlayer_lowered:
.L_overlay_start_2:
0x190: {  	(tag) =	ssettag $0x2  }
0x191: {  	s0 =	rddreg [dreg:$0x0];
	s2 =	stileid.u32  }
0x192: {  	s1 =	rddreg [dreg:$0x1];
	p0 =	sne.s32 s2, $0x0  }
0x193: {  	s3 =	rddreg [dreg:$0x2];
	[bflag:$0x3] =	sbarrier.arrive $0xFFFF;
	s2 =	simm.s32 @!p0 $0x1C02  }
0x194: {  	[timem:s3], [sflag:s2] =	dma.local @!p0 [hbm:s0], s1  }
0x195: {  	s0 =	simm.s32 @!p0 $0x2  }
0x196: {  	_ =	swait.ge @!p0 [sflag:s0], s1  }
0x197: {  	s1 =	ssub.s32 @!p0 $0x0, s1;
	[sflag:s0] =	ssyncset.done @!p0 $0x0  }
0x198: {  	[sflag:s0] =	ssyncadd.s32 @!p0 s1  }
0x199: {  	[bflag:$0x3] =	sbarrier.arrive $0xFFFF  }
0x19a: {  	_ =	shalt  }

</sc_bundles>
